<compile_context>
chip_gen: v7x
topology: tpu7x:2x2x1
jax: 0.10.2.dev20260603
libtpu: 0.0.44.dev20260713+nightly
codegen_flags: <defaults>
</compile_context>

<pallas_src>
import functools

import jax
import jax.numpy as jnp
from jax import lax
from jax.experimental import pallas as pl
from jax.experimental.pallas import tpu as pltpu
from jax.experimental.pallas import tpu_sc as plsc

B = 16384
D = 64
V = 1000000
L = 16
NUM_CORES = 2
NUM_SUBCORES = 16
NW = NUM_CORES * NUM_SUBCORES
NBLK = (V + 127) // 128
BLK_PER_W = 245
W31_FULL = NBLK - 1 - 31 * BLK_PER_W
TAIL_W = V - (NBLK - 1) * 128
NBUF = 4
SROWS = 64
SM_CNT = 0
SM_START = 256
SM_CUR = 512
SM_NBL = 768
SM_KROW = 1020
SM_QN = 1021
SM_NNB = 1022


def _hsum(x):
    return jnp.sum(x, axis=0)


@jax.jit
def _dict_layer(ids, table_t):
    mesh = plsc.VectorSubcoreMesh(
        core_axis_name="c", subcore_axis_name="s",
        num_cores=NUM_CORES, num_subcores=NUM_SUBCORES)

    @functools.partial(
        pl.kernel,
        mesh=mesh,
        compiler_params=pltpu.CompilerParams(needs_layout_passes=False),
        out_type=jax.ShapeDtypeStruct((B + SROWS, 128), jnp.float32),
        scratch_types=[
            pltpu.VMEM((B + L,), jnp.int32),
            pltpu.VMEM((B + L,), jnp.int32),
            pltpu.VMEM((B + L,), jnp.int32),
            pltpu.VMEM((B + L,), jnp.int32),
            [pltpu.VMEM((D, 128), jnp.float32) for _ in range(NBUF)],
            pltpu.VMEM((D, TAIL_W), jnp.float32),
            pltpu.VMEM((SROWS, 128), jnp.float32),
            pltpu.VMEM((SROWS,), jnp.int32),
            pltpu.SMEM((1024,), jnp.int32),
            [pltpu.SemaphoreType.DMA for _ in range(NBUF)],
            pltpu.SemaphoreType.DMA,
        ],
    )
    def sc_kernel(ids_hbm, tab_hbm, out_hbm,
                  ids_v, mid_v, mpos_v, spos_v, blk_v, tail_v,
                  stage_v, stpos_v, sm, gsems, osem):
        wid = lax.axis_index("s") * NUM_CORES + lax.axis_index("c")
        is_last = wid == NW - 1
        b0 = wid * BLK_PER_W
        n_full = jnp.where(is_last, W31_FULL, BLK_PER_W)
        n_all = jnp.where(is_last, W31_FULL + 1, BLK_PER_W)
        iota = lax.iota(jnp.int32, L)
        scale = jnp.float32(0.1 / D)

        def fire_direct(slot, b_rel):
            gb = b0 + b_rel
            off = pl.multiple_of(gb * 128, 128)
            return pltpu.async_copy(
                tab_hbm.at[:, pl.ds(off, 128)], blk_v[slot], gsems[slot])

        for s in range(NBUF):
            fire_direct(s, s)

        pltpu.sync_copy(ids_hbm, ids_v.at[pl.ds(0, B)])

        def zero_body(i, c):
            sm[i] = 0
            return c
        lax.fori_loop(0, 768, zero_body, 0)

        def match_body(g, qn):
            idv = ids_v[pl.ds(g * L, L)]
            blk = lax.shift_right_logical(idv, 7)
            m = (blk >= b0) & (blk < b0 + n_all)
            cnt = plsc.all_reduce_population_count(m)[0]
            plsc.store_compressed(mid_v.at[pl.ds(qn, L)], idv, mask=m)
            plsc.store_compressed(mpos_v.at[pl.ds(qn, L)], g * L + iota,
                                  mask=m)
            return qn + cnt
        qn = lax.fori_loop(0, B // L, match_body, jnp.int32(0))
        sm[SM_QN] = qn

        def count_body(qi, c):
            e = plsc.load_gather(mid_v, [jnp.full((L,), qi, jnp.int32)])[0]
            br = lax.shift_right_logical(e, 7) - b0
            sm[SM_CNT + br] = sm[SM_CNT + br] + 1
            return c
        lax.fori_loop(0, qn, count_body, 0)

        def prefix_body(b, carry):
            run, nnb = carry
            c = sm[SM_CNT + b]
            sm[SM_START + b] = run
            sm[SM_CUR + b] = run
            take = ((c > 0) | (b < NBUF)) & (b < n_full)
            @pl.when(take)
            def _():
                sm[SM_NBL + nnb] = b
            nnb = jnp.where(take, nnb + 1, nnb)
            return (run + c, nnb)
        _, nnb = lax.fori_loop(0, n_all, prefix_body,
                               (jnp.int32(0), jnp.int32(0)))
        sm[SM_NNB] = nnb

        def place_body(qi, c):
            qsplat = jnp.full((L,), qi, jnp.int32)
            e = plsc.load_gather(mid_v, [qsplat])[0]
            p = plsc.load_gather(mpos_v, [qsplat])[0]
            br = lax.shift_right_logical(e, 7) - b0
            w = sm[SM_CUR + br]
            sm[SM_CUR + br] = w + 1
            wsplat = jnp.full((L,), w, jnp.int32)
            lane0 = iota == 0
            plsc.store_scatter(ids_v, [wsplat],
                               jnp.full((L,), e & 127, jnp.int32), mask=lane0)
            plsc.store_scatter(spos_v, [wsplat],
                               jnp.full((L,), p, jnp.int32), mask=lane0)
            return c
        lax.fori_loop(0, qn, place_body, 0)

        def reset_stpos():
            for k in range(SROWS // L):
                stpos_v[pl.ds(k * L, L)] = B + k * L + iota
        reset_stpos()
        sm[SM_KROW] = 0

        def flush_stage():
            pltpu.async_copy(stage_v, out_hbm.at[stpos_v], osem).wait()
            reset_stpos()
            sm[SM_KROW] = 0

        def process_segment(qi, blk_ref, c):
            qsplat = jnp.full((L,), qi, jnp.int32)
            col = plsc.load_gather(ids_v, [qsplat])[0]
            p = plsc.load_gather(spos_v, [qsplat])[0]
            csplat = jnp.full((L,), col, jnp.int32)
            k = sm[SM_KROW]
            ksplat = jnp.full((L,), k, jnp.int32)
            acc = jnp.zeros((L,), jnp.float32)
            for f in range(D // L):
                feats = plsc.load_gather(blk_ref, [f * L + iota, csplat])
                plsc.store_scatter(stage_v, [ksplat, f * L + iota], feats)
                acc = acc + jnp.abs(feats)
            tot = _hsum(acc) * scale
            lane0 = iota == 0
            plsc.store_scatter(stage_v, [ksplat, jnp.full((L,), D, jnp.int32)],
                               jnp.full((L,), tot, jnp.float32), mask=lane0)
            plsc.store_scatter(stpos_v, [ksplat],
                               jnp.full((L,), p, jnp.int32), mask=lane0)
            sm[SM_KROW] = k + 1

            @pl.when(k + 1 == SROWS)
            def _():
                flush_stage()
            return c

        def fire(slot, j):
            gb = b0 + sm[SM_NBL + j]
            off = pl.multiple_of(gb * 128, 128)
            return pltpu.async_copy(
                tab_hbm.at[:, pl.ds(off, 128)], blk_v[slot], gsems[slot])

        n_outer = (BLK_PER_W + NBUF - 1) // NBUF
        def outer_body(ob, c):
            for s in range(NBUF):
                j = ob * NBUF + s

                @pl.when(j < sm[SM_NNB])
                def _(s=s, j=j):
                    pltpu.make_async_copy(
                        tab_hbm.at[:, pl.ds(0, 128)], blk_v[s],
                        gsems[s]).wait()
                    b_rel = sm[SM_NBL + j]
                    seg0 = sm[SM_START + b_rel]
                    seg1 = seg0 + sm[SM_CNT + b_rel]
                    lax.fori_loop(
                        seg0, seg1,
                        lambda qi, cc: process_segment(qi, blk_v[s], cc), 0)

                    @pl.when(j + NBUF < sm[SM_NNB])
                    def _():
                        fire(s, j + NBUF)
            return c
        lax.fori_loop(0, n_outer, outer_body, 0)

        @pl.when(is_last)
        def _():
            pltpu.sync_copy(
                tab_hbm.at[:, pl.ds((NBLK - 1) * 128, TAIL_W)], tail_v)
            seg0 = sm[SM_START + W31_FULL]
            seg1 = seg0 + sm[SM_CNT + W31_FULL]
            lax.fori_loop(
                seg0, seg1,
                lambda qi, cc: process_segment(qi, tail_v, cc), 0)

        flush_stage()

    return sc_kernel(ids, table_t)


def kernel(input, kernel):
    ids = input.astype(jnp.int32)
    out2 = _dict_layer(ids, kernel.T)
    fetched = out2[:B, :D]
    loss = out2[:B, D:D + 1]
    return (fetched, loss)

# --- scband reference (transcript-rebuilt; emitter-appended) ---
"""Pipeline reference for scband-primitive-dictionary-layer-30983894073594 (READ-ONLY COPY).

The authoritative reference and input builder live on the scoring server;
editing this copy changes nothing except your own understanding.
"""

import jax, jax.numpy as jnp
import numpy as np

NUM_KEYS = 1000000
NUM_FEATS = 64
BATCH = 16384
SAMPLE_EPS = 0.05


def setup_inputs(seed: int = 0) -> dict:
    key = jax.random.key(seed)
    k1, k2 = jax.random.split(key)
    input_ids = jax.random.randint(k1, (BATCH,), 0, NUM_KEYS, dtype=jnp.int64 if jax.config.read('jax_enable_x64') else jnp.int32)
    kernel = jax.random.normal(k2, (NUM_KEYS, NUM_FEATS), dtype=jnp.float32)
    return {"input": input_ids, "kernel": kernel}


def _incentive_magnitude_small_proportional(x):
    # Target.Small + Level.Proportional: penalty proportional to |x|
    return jnp.abs(x)


def reference(input, kernel):
    # fetched_features = tf.gather(kernel, input, axis=0)
    fetched_features = jnp.take(kernel, input, axis=0)
    # training=True branch
    features_loss = 0.1 * _incentive_magnitude_small_proportional(fetched_features)
    features_loss = jnp.mean(features_loss, axis=1, keepdims=True)
    # sample=False branch: no noise added
    return (fetched_features, features_loss)

if __name__ == "__main__":
    import jax
    _d = setup_inputs()
    print(jax.jit(kernel)(*tuple(_d.values())))

</pallas_src>

<mosaic_0001>
#map = affine_map<(d0, d1) -> (0)>
#map1 = affine_map<(d0, d1) -> (0, 0)>
module attributes {stable_mosaic.version = 14 : i64} {
  func.func @sc_kernel(%arg0: i32, %arg1: i32, %arg2: memref<16384xi32, #tpu.memory_space<hbm>>, %arg3: memref<64x1000000xf32, #tpu.memory_space<hbm>>, %arg4: memref<16448x128xf32, #tpu.memory_space<hbm>>, %arg5: memref<16400xi32, #tpu.memory_space<vmem>>, %arg6: memref<16400xi32, #tpu.memory_space<vmem>>, %arg7: memref<16400xi32, #tpu.memory_space<vmem>>, %arg8: memref<16400xi32, #tpu.memory_space<vmem>>, %arg9: memref<64x128xf32, #tpu.memory_space<vmem>>, %arg10: memref<64x128xf32, #tpu.memory_space<vmem>>, %arg11: memref<64x128xf32, #tpu.memory_space<vmem>>, %arg12: memref<64x128xf32, #tpu.memory_space<vmem>>, %arg13: memref<64x64xf32, #tpu.memory_space<vmem>>, %arg14: memref<64x128xf32, #tpu.memory_space<vmem>>, %arg15: memref<64xi32, #tpu.memory_space<vmem>>, %arg16: memref<1024xi32, #tpu.memory_space<smem>>, %arg17: memref<!tpu.dma_semaphore, #tpu.memory_space<semaphore_mem>>, %arg18: memref<!tpu.dma_semaphore, #tpu.memory_space<semaphore_mem>>, %arg19: memref<!tpu.dma_semaphore, #tpu.memory_space<semaphore_mem>>, %arg20: memref<!tpu.dma_semaphore, #tpu.memory_space<semaphore_mem>>, %arg21: memref<!tpu.dma_semaphore, #tpu.memory_space<semaphore_mem>>) attributes {dimension_semantics = [#tpu.dimension_semantics<core_parallel>, #tpu.dimension_semantics<subcore_parallel>], iteration_bounds = array<i64: 2, 16>, scalar_prefetch = 0 : i64, scratch_operands = 17 : i64, tpu.core_type = #tpu.core_type<sc_vector_subcore>, window_params = [{transform_indices = #map}, {transform_indices = #map1}, {transform_indices = #map1}]} {
    %mul3A = arith.constant 2 : i32
    %mul3A_0 = arith.muli %arg1, %mul3A : i32
    %add3A = arith.addi %mul3A_0, %arg0 : i32
    %eq3A = arith.constant 31 : i32
    %eq3A_1 = arith.cmpi eq, %add3A, %eq3A : i32
    %mul3A_2 = arith.constant 245 : i32
    %mul3A_3 = arith.muli %add3A, %mul3A_2 : i32
    %jit3A = arith.constant 217 : i32
    %jit3A_4 = arith.constant 245 : i32
    %select_n3A = arith.select %eq3A_1, %jit3A, %jit3A_4 : i32
    %jit3A_5 = arith.constant 218 : i32
    %jit3A_6 = arith.constant 245 : i32
    %select_n3A_7 = arith.select %eq3A_1, %jit3A_5, %jit3A_6 : i32
    %iota3A = tpu.iota {dimensions = array<i32: 0>} : vector<16xi32>
    %add3A_8 = arith.constant 0 : i32
    %add3A_9 = arith.addi %mul3A_3, %add3A_8 : i32
    %mul3A_10 = arith.constant 128 : i32
    %mul3A_11 = arith.muli %add3A_9, %mul3A_10 : i32
    %multiple_of3A = tpu.assume_multiple %mul3A_11, 128 : i32
    %dma_start3A = arith.constant 0 : i32
    %dma_start3A_12 = tpu.memref_slice %arg3[%dma_start3A, %multiple_of3A] : memref<64x1000000xf32, #tpu.memory_space<hbm>> -> memref<64x128xf32, #tpu.memory_space<hbm>>
    %dma_start3A_13 = arith.constant 0 : i32
    %dma_start3A_14 = tpu.memref_slice %arg3[%dma_start3A_13, %multiple_of3A] : memref<64x1000000xf32, #tpu.memory_space<hbm>> -> memref<64x128xf32, #tpu.memory_space<hbm>>
    tpu.enqueue_dma source(%dma_start3A_14 : memref<64x128xf32, #tpu.memory_space<hbm>>) target(%arg9 : memref<64x128xf32, #tpu.memory_space<vmem>>) target_semaphore(%arg17 : memref<!tpu.dma_semaphore, #tpu.memory_space<semaphore_mem>>)
    %add3A_15 = arith.constant 1 : i32
    %add3A_16 = arith.addi %mul3A_3, %add3A_15 : i32
    %mul3A_17 = arith.constant 128 : i32
    %mul3A_18 = arith.muli %add3A_16, %mul3A_17 : i32
    %multiple_of3A_19 = tpu.assume_multiple %mul3A_18, 128 : i32
    %dma_start3A_20 = arith.constant 0 : i32
    %dma_start3A_21 = tpu.memref_slice %arg3[%dma_start3A_20, %multiple_of3A_19] : memref<64x1000000xf32, #tpu.memory_space<hbm>> -> memref<64x128xf32, #tpu.memory_space<hbm>>
    %dma_start3A_22 = arith.constant 0 : i32
    %dma_start3A_23 = tpu.memref_slice %arg3[%dma_start3A_22, %multiple_of3A_19] : memref<64x1000000xf32, #tpu.memory_space<hbm>> -> memref<64x128xf32, #tpu.memory_space<hbm>>
    tpu.enqueue_dma source(%dma_start3A_23 : memref<64x128xf32, #tpu.memory_space<hbm>>) target(%arg10 : memref<64x128xf32, #tpu.memory_space<vmem>>) target_semaphore(%arg18 : memref<!tpu.dma_semaphore, #tpu.memory_space<semaphore_mem>>)
    %add3A_24 = arith.constant 2 : i32
    %add3A_25 = arith.addi %mul3A_3, %add3A_24 : i32
    %mul3A_26 = arith.constant 128 : i32
    %mul3A_27 = arith.muli %add3A_25, %mul3A_26 : i32
    %multiple_of3A_28 = tpu.assume_multiple %mul3A_27, 128 : i32
    %dma_start3A_29 = arith.constant 0 : i32
    %dma_start3A_30 = tpu.memref_slice %arg3[%dma_start3A_29, %multiple_of3A_28] : memref<64x1000000xf32, #tpu.memory_space<hbm>> -> memref<64x128xf32, #tpu.memory_space<hbm>>
    %dma_start3A_31 = arith.constant 0 : i32
    %dma_start3A_32 = tpu.memref_slice %arg3[%dma_start3A_31, %multiple_of3A_28] : memref<64x1000000xf32, #tpu.memory_space<hbm>> -> memref<64x128xf32, #tpu.memory_space<hbm>>
    tpu.enqueue_dma source(%dma_start3A_32 : memref<64x128xf32, #tpu.memory_space<hbm>>) target(%arg11 : memref<64x128xf32, #tpu.memory_space<vmem>>) target_semaphore(%arg19 : memref<!tpu.dma_semaphore, #tpu.memory_space<semaphore_mem>>)
    %add3A_33 = arith.constant 3 : i32
    %add3A_34 = arith.addi %mul3A_3, %add3A_33 : i32
    %mul3A_35 = arith.constant 128 : i32
    %mul3A_36 = arith.muli %add3A_34, %mul3A_35 : i32
    %multiple_of3A_37 = tpu.assume_multiple %mul3A_36, 128 : i32
    %dma_start3A_38 = arith.constant 0 : i32
    %dma_start3A_39 = tpu.memref_slice %arg3[%dma_start3A_38, %multiple_of3A_37] : memref<64x1000000xf32, #tpu.memory_space<hbm>> -> memref<64x128xf32, #tpu.memory_space<hbm>>
    %dma_start3A_40 = arith.constant 0 : i32
    %dma_start3A_41 = tpu.memref_slice %arg3[%dma_start3A_40, %multiple_of3A_37] : memref<64x1000000xf32, #tpu.memory_space<hbm>> -> memref<64x128xf32, #tpu.memory_space<hbm>>
    tpu.enqueue_dma source(%dma_start3A_41 : memref<64x128xf32, #tpu.memory_space<hbm>>) target(%arg12 : memref<64x128xf32, #tpu.memory_space<vmem>>) target_semaphore(%arg20 : memref<!tpu.dma_semaphore, #tpu.memory_space<semaphore_mem>>)
    "tpu.region"() ({
      %run_scoped3A = tpu.sem_alloc : memref<!tpu.dma_semaphore, #tpu.memory_space<semaphore_mem>>
      %dma_start3A_153 = arith.constant 0 : i32
      %dma_start3A_154 = tpu.memref_slice %arg5[%dma_start3A_153] : memref<16400xi32, #tpu.memory_space<vmem>> -> memref<16384xi32, #tpu.memory_space<vmem>>
      %dma_start3A_155 = arith.constant 0 : i32
      %dma_start3A_156 = tpu.memref_slice %arg5[%dma_start3A_155] : memref<16400xi32, #tpu.memory_space<vmem>> -> memref<16384xi32, #tpu.memory_space<vmem>>
      tpu.enqueue_dma source(%arg2 : memref<16384xi32, #tpu.memory_space<hbm>>) target(%dma_start3A_156 : memref<16384xi32, #tpu.memory_space<vmem>>) target_semaphore(%run_scoped3A : memref<!tpu.dma_semaphore, #tpu.memory_space<semaphore_mem>>)
      %dma_wait3A_157 = arith.constant 0 : i32
      %dma_wait3A_158 = tpu.memref_slice %arg5[%dma_wait3A_157] : memref<16400xi32, #tpu.memory_space<vmem>> -> memref<16384xi32, #tpu.memory_space<vmem>>
      %dma_wait3A_159 = arith.constant 0 : i32
      %dma_wait3A_160 = tpu.memref_slice %arg5[%dma_wait3A_159] : memref<16400xi32, #tpu.memory_space<vmem>> -> memref<16384xi32, #tpu.memory_space<vmem>>
      tpu.wait_dma2 semaphore(%run_scoped3A : memref<!tpu.dma_semaphore, #tpu.memory_space<semaphore_mem>>) src(%arg2 : memref<16384xi32, #tpu.memory_space<hbm>>) dst(%dma_wait3A_160 : memref<16384xi32, #tpu.memory_space<vmem>>)
      tpu.yield
    }) : () -> ()
    %scan3A = arith.constant 0 : i32
    %scan3A_42 = arith.constant 0 : i32
    %scan3A_43 = arith.constant 768 : i32
    %scan3A_44 = arith.addi %scan3A_42, %scan3A_43 : i32
    %scan3A_45 = arith.constant 1 : i32
    scf.for %scan3A_153 = %scan3A_42 to %scan3A_44 step %scan3A_45  : i32 {
      %swap3A_154 = arith.constant 0 : i32
      %swap3A_155 = arith.index_cast %scan3A_153 : i32 to index
      %swap3A_156 = memref.load %arg16[%swap3A_155] : memref<1024xi32, #tpu.memory_space<smem>>
      memref.store %swap3A_154, %arg16[%swap3A_155] : memref<1024xi32, #tpu.memory_space<smem>>
    }
    %scan3A_46 = arith.constant 768 : i32
    %scan3A_47 = arith.constant 0 : i32
    %scan3A_48 = arith.constant 0 : i32
    %scan3A_49 = arith.constant 1024 : i32
    %scan3A_50 = arith.addi %scan3A_48, %scan3A_49 : i32
    %scan3A_51 = arith.constant 1 : i32
    %scan3A_52 = scf.for %scan3A_153 = %scan3A_48 to %scan3A_50 step %scan3A_51 iter_args(%scan3A_154 = %scan3A_47) -> (i32)  : i32 {
      %mul3A_155 = arith.constant 16 : i32
      %mul3A_156 = arith.muli %scan3A_153, %mul3A_155 : i32
      %get3A = arith.index_cast %mul3A_156 : i32 to index
      %get3A_157 = tpu.vector_load %arg5[%get3A] {strides = array<i32>} : memref<16400xi32, #tpu.memory_space<vmem>>, vector<16xi32>,
      %shift_right_logical3A = arith.constant 7 : i32
      %shift_right_logical3A_158 = vector.broadcast %shift_right_logical3A : i32 to vector<16xi32>
      %shift_right_logical3A_159 = arith.shrui %get3A_157, %shift_right_logical3A_158 : vector<16xi32>
      %ge3A = vector.broadcast %mul3A_3 : i32 to vector<16xi32>
      %ge3A_160 = arith.cmpi sge, %shift_right_logical3A_159, %ge3A : vector<16xi32>
      %add3A_161 = arith.addi %mul3A_3, %select_n3A_7 : i32
      %lt3A = vector.broadcast %add3A_161 : i32 to vector<16xi32>
      %lt3A_162 = arith.cmpi slt, %shift_right_logical3A_159, %lt3A : vector<16xi32>
      %and3A = arith.andi %ge3A_160, %lt3A_162 : vector<16xi1>
      %all_reduce_population_count3A = tpu.all_reduce %and3A {dim = 0 : i64, kind = #tpu.reduction_kind<sum>} : vector<16xi1> -> vector<16xi32>
      %slice3A = vector.extract_strided_slice %all_reduce_population_count3A {offsets = [0], sizes = [1], strides = [1]} : vector<16xi32> to vector<1xi32>
      %squeeze3A = vector.extract %slice3A[0] : i32 from vector<1xi32>
      %swap3A_163 = arith.index_cast %scan3A_154 : i32 to index
      %swap3A_164 = tpu.vector_load %arg6[%swap3A_163] masked %and3A {strides = array<i32>} : memref<16400xi32, #tpu.memory_space<vmem>>, vector<16xi32>, vector<16xi1>
      tpu.vector_store %arg6[%swap3A_163], %get3A_157 masked %and3A {strides = array<i32>} : memref<16400xi32, #tpu.memory_space<vmem>>, vector<16xi32>, vector<16xi1>
      %mul3A_165 = arith.constant 16 : i32
      %mul3A_166 = arith.muli %scan3A_153, %mul3A_165 : i32
      %add3A_167 = vector.broadcast %mul3A_166 : i32 to vector<16xi32>
      %add3A_168 = arith.addi %add3A_167, %iota3A : vector<16xi32>
      %swap3A_169 = arith.index_cast %scan3A_154 : i32 to index
      %swap3A_170 = tpu.vector_load %arg7[%swap3A_169] masked %and3A {strides = array<i32>} : memref<16400xi32, #tpu.memory_space<vmem>>, vector<16xi32>, vector<16xi1>
      tpu.vector_store %arg7[%swap3A_169], %add3A_168 masked %and3A {strides = array<i32>} : memref<16400xi32, #tpu.memory_space<vmem>>, vector<16xi32>, vector<16xi1>
      %add3A_171 = arith.addi %scan3A_154, %squeeze3A : i32
      scf.yield %add3A_171 : i32
    }
    %scan3A_53 = arith.constant 1024 : i32
    %swap3A = arith.constant 1021 : i32
    %swap3A_54 = arith.index_cast %swap3A : i32 to index
    %swap3A_55 = memref.load %arg16[%swap3A_54] : memref<1024xi32, #tpu.memory_space<smem>>
    memref.store %scan3A_52, %arg16[%swap3A_54] : memref<1024xi32, #tpu.memory_space<smem>>
    %while3A = arith.constant 0 : i32
    %while3A_56 = arith.constant 0 : i32
    %while3A_57 = arith.subi %scan3A_52, %while3A_56 : i32
    %while3A_58 = arith.addi %while3A_56, %while3A_57 : i32
    %while3A_59 = arith.constant 1 : i32
    %while3A_60 = arith.divsi %while3A_57, %while3A_59 : i32
    %while3A_61 = arith.muli %while3A_60, %while3A_59 : i32
    %while3A_62 = arith.addi %while3A_56, %while3A_61 : i32
    %while3A_63 = arith.constant 1 : i32
    scf.for %while3A_153 = %while3A_56 to %while3A_62 step %while3A_63  : i32 {
      %broadcast_in_dim3A = vector.broadcast %while3A_153 : i32 to vector<16xi32>
      %gather3A = tpu.vector_load_idx %arg6[%broadcast_in_dim3A] : memref<16400xi32, #tpu.memory_space<vmem>>[vector<16xi32>], vector<16xi32>,
      %slice3A = vector.extract_strided_slice %gather3A {offsets = [0], sizes = [1], strides = [1]} : vector<16xi32> to vector<1xi32>
      %squeeze3A = vector.extract %slice3A[0] : i32 from vector<1xi32>
      %shift_right_logical3A = arith.constant 7 : i32
      %shift_right_logical3A_154 = arith.shrui %squeeze3A, %shift_right_logical3A : i32
      %sub3A = arith.subi %shift_right_logical3A_154, %mul3A_3 : i32
      %add3A_155 = arith.constant 0 : i32
      %add3A_156 = arith.addi %add3A_155, %sub3A : i32
      %get3A = arith.index_cast %add3A_156 : i32 to index
      %get3A_157 = memref.load %arg16[%get3A] : memref<1024xi32, #tpu.memory_space<smem>>
      %add3A_158 = arith.constant 1 : i32
      %add3A_159 = arith.addi %get3A_157, %add3A_158 : i32
      %add3A_160 = arith.constant 0 : i32
      %add3A_161 = arith.addi %add3A_160, %sub3A : i32
      %swap3A_162 = arith.index_cast %add3A_161 : i32 to index
      %swap3A_163 = memref.load %arg16[%swap3A_162] : memref<1024xi32, #tpu.memory_space<smem>>
      memref.store %add3A_159, %arg16[%swap3A_162] : memref<1024xi32, #tpu.memory_space<smem>>
    }
    %while3A_64 = arith.constant 1 : i32
    scf.for %while3A_153 = %while3A_62 to %while3A_58 step %while3A_64  : i32 {
      %broadcast_in_dim3A = vector.broadcast %while3A_153 : i32 to vector<16xi32>
      %gather3A = tpu.vector_load_idx %arg6[%broadcast_in_dim3A] : memref<16400xi32, #tpu.memory_space<vmem>>[vector<16xi32>], vector<16xi32>,
      %slice3A = vector.extract_strided_slice %gather3A {offsets = [0], sizes = [1], strides = [1]} : vector<16xi32> to vector<1xi32>
      %squeeze3A = vector.extract %slice3A[0] : i32 from vector<1xi32>
      %shift_right_logical3A = arith.constant 7 : i32
      %shift_right_logical3A_154 = arith.shrui %squeeze3A, %shift_right_logical3A : i32
      %sub3A = arith.subi %shift_right_logical3A_154, %mul3A_3 : i32
      %add3A_155 = arith.constant 0 : i32
      %add3A_156 = arith.addi %add3A_155, %sub3A : i32
      %get3A = arith.index_cast %add3A_156 : i32 to index
      %get3A_157 = memref.load %arg16[%get3A] : memref<1024xi32, #tpu.memory_space<smem>>
      %add3A_158 = arith.constant 1 : i32
      %add3A_159 = arith.addi %get3A_157, %add3A_158 : i32
      %add3A_160 = arith.constant 0 : i32
      %add3A_161 = arith.addi %add3A_160, %sub3A : i32
      %swap3A_162 = arith.index_cast %add3A_161 : i32 to index
      %swap3A_163 = memref.load %arg16[%swap3A_162] : memref<1024xi32, #tpu.memory_space<smem>>
      memref.store %add3A_159, %arg16[%swap3A_162] : memref<1024xi32, #tpu.memory_space<smem>>
    }
    %while3A_65 = arith.constant 0 : i32
    %while3A_66 = arith.constant 0 : i32
    %while3A_67 = arith.constant 0 : i32
    %while3A_68 = arith.subi %select_n3A_7, %while3A_65 : i32
    %while3A_69 = arith.addi %while3A_65, %while3A_68 : i32
    %while3A_70 = arith.constant 1 : i32
    %while3A_71 = arith.divsi %while3A_68, %while3A_70 : i32
    %while3A_72 = arith.muli %while3A_71, %while3A_70 : i32
    %while3A_73 = arith.addi %while3A_65, %while3A_72 : i32
    %while3A_74 = arith.constant 1 : i32
    %while3A_75:2 = scf.for %while3A_153 = %while3A_65 to %while3A_73 step %while3A_74 iter_args(%while3A_154 = %while3A_66, %while3A_155 = %while3A_67) -> (i32, i32)  : i32 {
      %add3A_156 = arith.constant 0 : i32
      %add3A_157 = arith.addi %add3A_156, %while3A_153 : i32
      %get3A = arith.index_cast %add3A_157 : i32 to index
      %get3A_158 = memref.load %arg16[%get3A] : memref<1024xi32, #tpu.memory_space<smem>>
      %add3A_159 = arith.constant 256 : i32
      %add3A_160 = arith.addi %add3A_159, %while3A_153 : i32
      %swap3A_161 = arith.index_cast %add3A_160 : i32 to index
      %swap3A_162 = memref.load %arg16[%swap3A_161] : memref<1024xi32, #tpu.memory_space<smem>>
      memref.store %while3A_154, %arg16[%swap3A_161] : memref<1024xi32, #tpu.memory_space<smem>>
      %add3A_163 = arith.constant 512 : i32
      %add3A_164 = arith.addi %add3A_163, %while3A_153 : i32
      %swap3A_165 = arith.index_cast %add3A_164 : i32 to index
      %swap3A_166 = memref.load %arg16[%swap3A_165] : memref<1024xi32, #tpu.memory_space<smem>>
      memref.store %while3A_154, %arg16[%swap3A_165] : memref<1024xi32, #tpu.memory_space<smem>>
      %gt3A = arith.constant 0 : i32
      %gt3A_167 = arith.cmpi sgt, %get3A_158, %gt3A : i32
      %lt3A = arith.constant 4 : i32
      %lt3A_168 = arith.cmpi slt, %while3A_153, %lt3A : i32
      %or3A = arith.ori %gt3A_167, %lt3A_168 : i1
      %lt3A_169 = arith.cmpi slt, %while3A_153, %select_n3A : i32
      %and3A = arith.andi %or3A, %lt3A_169 : i1
      %convert_element_type3A_170 = arith.extui %and3A : i1 to i32
      %cond3A_171 = arith.constant 0 : i32
      %cond3A_172 = arith.cmpi ne, %convert_element_type3A_170, %cond3A_171 : i32
      scf.if %cond3A_172 {
        %add3A_177 = arith.constant 768 : i32
        %add3A_178 = arith.addi %add3A_177, %while3A_155 : i32
        %swap3A_179 = arith.index_cast %add3A_178 : i32 to index
        %swap3A_180 = memref.load %arg16[%swap3A_179] : memref<1024xi32, #tpu.memory_space<smem>>
        memref.store %while3A_153, %arg16[%swap3A_179] : memref<1024xi32, #tpu.memory_space<smem>>
      } else {
      }
      %add3A_173 = arith.constant 1 : i32
      %add3A_174 = arith.addi %while3A_155, %add3A_173 : i32
      %select_n3A_175 = arith.select %and3A, %add3A_174, %while3A_155 : i32
      %add3A_176 = arith.addi %while3A_154, %get3A_158 : i32
      scf.yield %add3A_176, %select_n3A_175 : i32, i32
    }
    %while3A_76 = arith.constant 1 : i32
    %while3A_77:2 = scf.for %while3A_153 = %while3A_73 to %while3A_69 step %while3A_76 iter_args(%while3A_154 = %while3A_75#0, %while3A_155 = %while3A_75#1) -> (i32, i32)  : i32 {
      %add3A_156 = arith.constant 0 : i32
      %add3A_157 = arith.addi %add3A_156, %while3A_153 : i32
      %get3A = arith.index_cast %add3A_157 : i32 to index
      %get3A_158 = memref.load %arg16[%get3A] : memref<1024xi32, #tpu.memory_space<smem>>
      %add3A_159 = arith.constant 256 : i32
      %add3A_160 = arith.addi %add3A_159, %while3A_153 : i32
      %swap3A_161 = arith.index_cast %add3A_160 : i32 to index
      %swap3A_162 = memref.load %arg16[%swap3A_161] : memref<1024xi32, #tpu.memory_space<smem>>
      memref.store %while3A_154, %arg16[%swap3A_161] : memref<1024xi32, #tpu.memory_space<smem>>
      %add3A_163 = arith.constant 512 : i32
      %add3A_164 = arith.addi %add3A_163, %while3A_153 : i32
      %swap3A_165 = arith.index_cast %add3A_164 : i32 to index
      %swap3A_166 = memref.load %arg16[%swap3A_165] : memref<1024xi32, #tpu.memory_space<smem>>
      memref.store %while3A_154, %arg16[%swap3A_165] : memref<1024xi32, #tpu.memory_space<smem>>
      %gt3A = arith.constant 0 : i32
      %gt3A_167 = arith.cmpi sgt, %get3A_158, %gt3A : i32
      %lt3A = arith.constant 4 : i32
      %lt3A_168 = arith.cmpi slt, %while3A_153, %lt3A : i32
      %or3A = arith.ori %gt3A_167, %lt3A_168 : i1
      %lt3A_169 = arith.cmpi slt, %while3A_153, %select_n3A : i32
      %and3A = arith.andi %or3A, %lt3A_169 : i1
      %convert_element_type3A_170 = arith.extui %and3A : i1 to i32
      %cond3A_171 = arith.constant 0 : i32
      %cond3A_172 = arith.cmpi ne, %convert_element_type3A_170, %cond3A_171 : i32
      scf.if %cond3A_172 {
        %add3A_177 = arith.constant 768 : i32
        %add3A_178 = arith.addi %add3A_177, %while3A_155 : i32
        %swap3A_179 = arith.index_cast %add3A_178 : i32 to index
        %swap3A_180 = memref.load %arg16[%swap3A_179] : memref<1024xi32, #tpu.memory_space<smem>>
        memref.store %while3A_153, %arg16[%swap3A_179] : memref<1024xi32, #tpu.memory_space<smem>>
      } else {
      }
      %add3A_173 = arith.constant 1 : i32
      %add3A_174 = arith.addi %while3A_155, %add3A_173 : i32
      %select_n3A_175 = arith.select %and3A, %add3A_174, %while3A_155 : i32
      %add3A_176 = arith.addi %while3A_154, %get3A_158 : i32
      scf.yield %add3A_176, %select_n3A_175 : i32, i32
    }
    %swap3A_78 = arith.constant 1022 : i32
    %swap3A_79 = arith.index_cast %swap3A_78 : i32 to index
    %swap3A_80 = memref.load %arg16[%swap3A_79] : memref<1024xi32, #tpu.memory_space<smem>>
    memref.store %while3A_77#1, %arg16[%swap3A_79] : memref<1024xi32, #tpu.memory_space<smem>>
    %while3A_81 = arith.constant 0 : i32
    %while3A_82 = arith.constant 0 : i32
    %while3A_83 = arith.subi %scan3A_52, %while3A_82 : i32
    %while3A_84 = arith.addi %while3A_82, %while3A_83 : i32
    %while3A_85 = arith.constant 1 : i32
    %while3A_86 = arith.divsi %while3A_83, %while3A_85 : i32
    %while3A_87 = arith.muli %while3A_86, %while3A_85 : i32
    %while3A_88 = arith.addi %while3A_82, %while3A_87 : i32
    %while3A_89 = arith.constant 1 : i32
    scf.for %while3A_153 = %while3A_82 to %while3A_88 step %while3A_89  : i32 {
      %broadcast_in_dim3A = vector.broadcast %while3A_153 : i32 to vector<16xi32>
      %gather3A = tpu.vector_load_idx %arg6[%broadcast_in_dim3A] : memref<16400xi32, #tpu.memory_space<vmem>>[vector<16xi32>], vector<16xi32>,
      %slice3A = vector.extract_strided_slice %gather3A {offsets = [0], sizes = [1], strides = [1]} : vector<16xi32> to vector<1xi32>
      %squeeze3A = vector.extract %slice3A[0] : i32 from vector<1xi32>
      %gather3A_154 = tpu.vector_load_idx %arg7[%broadcast_in_dim3A] : memref<16400xi32, #tpu.memory_space<vmem>>[vector<16xi32>], vector<16xi32>,
      %slice3A_155 = vector.extract_strided_slice %gather3A_154 {offsets = [0], sizes = [1], strides = [1]} : vector<16xi32> to vector<1xi32>
      %squeeze3A_156 = vector.extract %slice3A_155[0] : i32 from vector<1xi32>
      %shift_right_logical3A = arith.constant 7 : i32
      %shift_right_logical3A_157 = arith.shrui %squeeze3A, %shift_right_logical3A : i32
      %sub3A = arith.subi %shift_right_logical3A_157, %mul3A_3 : i32
      %add3A_158 = arith.constant 512 : i32
      %add3A_159 = arith.addi %add3A_158, %sub3A : i32
      %get3A = arith.index_cast %add3A_159 : i32 to index
      %get3A_160 = memref.load %arg16[%get3A] : memref<1024xi32, #tpu.memory_space<smem>>
      %add3A_161 = arith.constant 1 : i32
      %add3A_162 = arith.addi %get3A_160, %add3A_161 : i32
      %add3A_163 = arith.constant 512 : i32
      %add3A_164 = arith.addi %add3A_163, %sub3A : i32
      %swap3A_165 = arith.index_cast %add3A_164 : i32 to index
      %swap3A_166 = memref.load %arg16[%swap3A_165] : memref<1024xi32, #tpu.memory_space<smem>>
      memref.store %add3A_162, %arg16[%swap3A_165] : memref<1024xi32, #tpu.memory_space<smem>>
      %broadcast_in_dim3A_167 = vector.broadcast %get3A_160 : i32 to vector<16xi32>
      %eq3A_168 = arith.constant 0 : i32
      %eq3A_169 = vector.broadcast %eq3A_168 : i32 to vector<16xi32>
      %eq3A_170 = arith.cmpi eq, %iota3A, %eq3A_169 : vector<16xi32>
      %and3A = arith.constant 127 : i32
      %and3A_171 = arith.andi %squeeze3A, %and3A : i32
      %broadcast_in_dim3A_172 = vector.broadcast %and3A_171 : i32 to vector<16xi32>
      tpu.vector_store_idx %arg5[%broadcast_in_dim3A_167], %broadcast_in_dim3A_172 masked %eq3A_170 : memref<16400xi32, #tpu.memory_space<vmem>>[vector<16xi32>], vector<16xi32>, vector<16xi1>
      %broadcast_in_dim3A_173 = vector.broadcast %squeeze3A_156 : i32 to vector<16xi32>
      tpu.vector_store_idx %arg8[%broadcast_in_dim3A_167], %broadcast_in_dim3A_173 masked %eq3A_170 : memref<16400xi32, #tpu.memory_space<vmem>>[vector<16xi32>], vector<16xi32>, vector<16xi1>
    }
    %while3A_90 = arith.constant 1 : i32
    scf.for %while3A_153 = %while3A_88 to %while3A_84 step %while3A_90  : i32 {
      %broadcast_in_dim3A = vector.broadcast %while3A_153 : i32 to vector<16xi32>
      %gather3A = tpu.vector_load_idx %arg6[%broadcast_in_dim3A] : memref<16400xi32, #tpu.memory_space<vmem>>[vector<16xi32>], vector<16xi32>,
      %slice3A = vector.extract_strided_slice %gather3A {offsets = [0], sizes = [1], strides = [1]} : vector<16xi32> to vector<1xi32>
      %squeeze3A = vector.extract %slice3A[0] : i32 from vector<1xi32>
      %gather3A_154 = tpu.vector_load_idx %arg7[%broadcast_in_dim3A] : memref<16400xi32, #tpu.memory_space<vmem>>[vector<16xi32>], vector<16xi32>,
      %slice3A_155 = vector.extract_strided_slice %gather3A_154 {offsets = [0], sizes = [1], strides = [1]} : vector<16xi32> to vector<1xi32>
      %squeeze3A_156 = vector.extract %slice3A_155[0] : i32 from vector<1xi32>
      %shift_right_logical3A = arith.constant 7 : i32
      %shift_right_logical3A_157 = arith.shrui %squeeze3A, %shift_right_logical3A : i32
      %sub3A = arith.subi %shift_right_logical3A_157, %mul3A_3 : i32
      %add3A_158 = arith.constant 512 : i32
      %add3A_159 = arith.addi %add3A_158, %sub3A : i32
      %get3A = arith.index_cast %add3A_159 : i32 to index
      %get3A_160 = memref.load %arg16[%get3A] : memref<1024xi32, #tpu.memory_space<smem>>
      %add3A_161 = arith.constant 1 : i32
      %add3A_162 = arith.addi %get3A_160, %add3A_161 : i32
      %add3A_163 = arith.constant 512 : i32
      %add3A_164 = arith.addi %add3A_163, %sub3A : i32
      %swap3A_165 = arith.index_cast %add3A_164 : i32 to index
      %swap3A_166 = memref.load %arg16[%swap3A_165] : memref<1024xi32, #tpu.memory_space<smem>>
      memref.store %add3A_162, %arg16[%swap3A_165] : memref<1024xi32, #tpu.memory_space<smem>>
      %broadcast_in_dim3A_167 = vector.broadcast %get3A_160 : i32 to vector<16xi32>
      %eq3A_168 = arith.constant 0 : i32
      %eq3A_169 = vector.broadcast %eq3A_168 : i32 to vector<16xi32>
      %eq3A_170 = arith.cmpi eq, %iota3A, %eq3A_169 : vector<16xi32>
      %and3A = arith.constant 127 : i32
      %and3A_171 = arith.andi %squeeze3A, %and3A : i32
      %broadcast_in_dim3A_172 = vector.broadcast %and3A_171 : i32 to vector<16xi32>
      tpu.vector_store_idx %arg5[%broadcast_in_dim3A_167], %broadcast_in_dim3A_172 masked %eq3A_170 : memref<16400xi32, #tpu.memory_space<vmem>>[vector<16xi32>], vector<16xi32>, vector<16xi1>
      %broadcast_in_dim3A_173 = vector.broadcast %squeeze3A_156 : i32 to vector<16xi32>
      tpu.vector_store_idx %arg8[%broadcast_in_dim3A_167], %broadcast_in_dim3A_173 masked %eq3A_170 : memref<16400xi32, #tpu.memory_space<vmem>>[vector<16xi32>], vector<16xi32>, vector<16xi1>
    }
    %add3A_91 = arith.constant 16384 : i32
    %add3A_92 = vector.broadcast %add3A_91 : i32 to vector<16xi32>
    %add3A_93 = arith.addi %add3A_92, %iota3A : vector<16xi32>
    %swap3A_94 = arith.constant 0 : index
    %swap3A_95 = tpu.vector_load %arg15[%swap3A_94] {strides = array<i32>} : memref<64xi32, #tpu.memory_space<vmem>>, vector<16xi32>,
    tpu.vector_store %arg15[%swap3A_94], %add3A_93 {strides = array<i32>} : memref<64xi32, #tpu.memory_space<vmem>>, vector<16xi32>,
    %add3A_96 = arith.constant 16400 : i32
    %add3A_97 = vector.broadcast %add3A_96 : i32 to vector<16xi32>
    %add3A_98 = arith.addi %add3A_97, %iota3A : vector<16xi32>
    %swap3A_99 = arith.constant 16 : index
    %swap3A_100 = tpu.vector_load %arg15[%swap3A_99] {strides = array<i32>} : memref<64xi32, #tpu.memory_space<vmem>>, vector<16xi32>,
    tpu.vector_store %arg15[%swap3A_99], %add3A_98 {strides = array<i32>} : memref<64xi32, #tpu.memory_space<vmem>>, vector<16xi32>,
    %add3A_101 = arith.constant 16416 : i32
    %add3A_102 = vector.broadcast %add3A_101 : i32 to vector<16xi32>
    %add3A_103 = arith.addi %add3A_102, %iota3A : vector<16xi32>
    %swap3A_104 = arith.constant 32 : index
    %swap3A_105 = tpu.vector_load %arg15[%swap3A_104] {strides = array<i32>} : memref<64xi32, #tpu.memory_space<vmem>>, vector<16xi32>,
    tpu.vector_store %arg15[%swap3A_104], %add3A_103 {strides = array<i32>} : memref<64xi32, #tpu.memory_space<vmem>>, vector<16xi32>,
    %add3A_106 = arith.constant 16432 : i32
    %add3A_107 = vector.broadcast %add3A_106 : i32 to vector<16xi32>
    %add3A_108 = arith.addi %add3A_107, %iota3A : vector<16xi32>
    %swap3A_109 = arith.constant 48 : index
    %swap3A_110 = tpu.vector_load %arg15[%swap3A_109] {strides = array<i32>} : memref<64xi32, #tpu.memory_space<vmem>>, vector<16xi32>,
    tpu.vector_store %arg15[%swap3A_109], %add3A_108 {strides = array<i32>} : memref<64xi32, #tpu.memory_space<vmem>>, vector<16xi32>,
    %swap3A_111 = arith.constant 0 : i32
    %swap3A_112 = arith.constant 1020 : i32
    %swap3A_113 = arith.index_cast %swap3A_112 : i32 to index
    %swap3A_114 = memref.load %arg16[%swap3A_113] : memref<1024xi32, #tpu.memory_space<smem>>
    memref.store %swap3A_111, %arg16[%swap3A_113] : memref<1024xi32, #tpu.memory_space<smem>>
    %scan3A_115 = arith.constant 0 : i32
    %scan3A_116 = arith.constant 1.562500e-03 : f32
    %scan3A_117 = arith.constant 0 : i32
    %scan3A_118 = arith.constant 62 : i32
    %scan3A_119 = arith.addi %scan3A_117, %scan3A_118 : i32
    %scan3A_120 = arith.constant 1 : i32
    scf.for %scan3A_153 = %scan3A_117 to %scan3A_119 step %scan3A_120  : i32 {
      %mul3A_154 = arith.constant 4 : i32
      %mul3A_155 = arith.muli %scan3A_153, %mul3A_154 : i32
      %add3A_156 = arith.constant 0 : i32
      %add3A_157 = arith.addi %mul3A_155, %add3A_156 : i32
      %get3A = arith.constant 1022 : i32
      %get3A_158 = arith.index_cast %get3A : i32 to index
      %get3A_159 = memref.load %arg16[%get3A_158] : memref<1024xi32, #tpu.memory_space<smem>>
      %lt3A = arith.cmpi slt, %add3A_157, %get3A_159 : i32
      %convert_element_type3A_160 = arith.extui %lt3A : i1 to i32
      %cond3A_161 = arith.constant 0 : i32
      %cond3A_162 = arith.cmpi ne, %convert_element_type3A_160, %cond3A_161 : i32
      scf.if %cond3A_162 {
        %dma_wait3A_196 = arith.constant 0 : i32
        %dma_wait3A_197 = arith.constant 0 : i32
        %dma_wait3A_198 = tpu.memref_slice %arg3[%dma_wait3A_196, %dma_wait3A_197] : memref<64x1000000xf32, #tpu.memory_space<hbm>> -> memref<64x128xf32, #tpu.memory_space<hbm>>
        %dma_wait3A_199 = arith.constant 0 : i32
        %dma_wait3A_200 = arith.constant 0 : i32
        %dma_wait3A_201 = tpu.memref_slice %arg3[%dma_wait3A_199, %dma_wait3A_200] : memref<64x1000000xf32, #tpu.memory_space<hbm>> -> memref<64x128xf32, #tpu.memory_space<hbm>>
        tpu.wait_dma2 semaphore(%arg17 : memref<!tpu.dma_semaphore, #tpu.memory_space<semaphore_mem>>) src(%dma_wait3A_201 : memref<64x128xf32, #tpu.memory_space<hbm>>) dst(%arg9 : memref<64x128xf32, #tpu.memory_space<vmem>>)
        %add3A_202 = arith.constant 768 : i32
        %add3A_203 = arith.addi %add3A_202, %add3A_157 : i32
        %get3A_204 = arith.index_cast %add3A_203 : i32 to index
        %get3A_205 = memref.load %arg16[%get3A_204] : memref<1024xi32, #tpu.memory_space<smem>>
        %add3A_206 = arith.constant 256 : i32
        %add3A_207 = arith.addi %add3A_206, %get3A_205 : i32
        %get3A_208 = arith.index_cast %add3A_207 : i32 to index
        %get3A_209 = memref.load %arg16[%get3A_208] : memref<1024xi32, #tpu.memory_space<smem>>
        %add3A_210 = arith.constant 0 : i32
        %add3A_211 = arith.addi %add3A_210, %get3A_205 : i32
        %get3A_212 = arith.index_cast %add3A_211 : i32 to index
        %get3A_213 = memref.load %arg16[%get3A_212] : memref<1024xi32, #tpu.memory_space<smem>>
        %add3A_214 = arith.addi %get3A_209, %get3A_213 : i32
        %while3A_215 = arith.constant 0 : i32
        %while3A_216 = arith.subi %add3A_214, %get3A_209 : i32
        %while3A_217 = arith.addi %get3A_209, %while3A_216 : i32
        %while3A_218 = arith.constant 1 : i32
        %while3A_219 = arith.divsi %while3A_216, %while3A_218 : i32
        %while3A_220 = arith.muli %while3A_219, %while3A_218 : i32
        %while3A_221 = arith.addi %get3A_209, %while3A_220 : i32
        %while3A_222 = arith.constant 1 : i32
        scf.for %while3A_233 = %get3A_209 to %while3A_221 step %while3A_222  : i32 {
          %broadcast_in_dim3A = vector.broadcast %while3A_233 : i32 to vector<16xi32>
          %gather3A = tpu.vector_load_idx %arg5[%broadcast_in_dim3A] : memref<16400xi32, #tpu.memory_space<vmem>>[vector<16xi32>], vector<16xi32>,
          %slice3A = vector.extract_strided_slice %gather3A {offsets = [0], sizes = [1], strides = [1]} : vector<16xi32> to vector<1xi32>
          %squeeze3A = vector.extract %slice3A[0] : i32 from vector<1xi32>
          %gather3A_234 = tpu.vector_load_idx %arg8[%broadcast_in_dim3A] : memref<16400xi32, #tpu.memory_space<vmem>>[vector<16xi32>], vector<16xi32>,
          %slice3A_235 = vector.extract_strided_slice %gather3A_234 {offsets = [0], sizes = [1], strides = [1]} : vector<16xi32> to vector<1xi32>
          %squeeze3A_236 = vector.extract %slice3A_235[0] : i32 from vector<1xi32>
          %broadcast_in_dim3A_237 = vector.broadcast %squeeze3A : i32 to vector<16xi32>
          %get3A_238 = arith.constant 1020 : i32
          %get3A_239 = arith.index_cast %get3A_238 : i32 to index
          %get3A_240 = memref.load %arg16[%get3A_239] : memref<1024xi32, #tpu.memory_space<smem>>
          %broadcast_in_dim3A_241 = vector.broadcast %get3A_240 : i32 to vector<16xi32>
          %broadcast_in_dim3A_242 = arith.constant 0.000000e+00 : f32
          %broadcast_in_dim3A_243 = vector.broadcast %broadcast_in_dim3A_242 : f32 to vector<16xf32>
          %add3A_244 = arith.constant 0 : i32
          %add3A_245 = vector.broadcast %add3A_244 : i32 to vector<16xi32>
          %add3A_246 = arith.addi %add3A_245, %iota3A : vector<16xi32>
          %gather3A_247 = tpu.vector_load_idx %arg9[%add3A_246, %broadcast_in_dim3A_237] : memref<64x128xf32, #tpu.memory_space<vmem>>[vector<16xi32>, vector<16xi32>], vector<16xf32>,
          %add3A_248 = arith.constant 0 : i32
          %add3A_249 = vector.broadcast %add3A_248 : i32 to vector<16xi32>
          %add3A_250 = arith.addi %add3A_249, %iota3A : vector<16xi32>
          tpu.vector_store_idx %arg14[%broadcast_in_dim3A_241, %add3A_250], %gather3A_247 : memref<64x128xf32, #tpu.memory_space<vmem>>[vector<16xi32>, vector<16xi32>], vector<16xf32>,
          %abs3A = math.absf %gather3A_247 : vector<16xf32>
          %add3A_251 = arith.addf %broadcast_in_dim3A_243, %abs3A : vector<16xf32>
          %add3A_252 = arith.constant 16 : i32
          %add3A_253 = vector.broadcast %add3A_252 : i32 to vector<16xi32>
          %add3A_254 = arith.addi %add3A_253, %iota3A : vector<16xi32>
          %gather3A_255 = tpu.vector_load_idx %arg9[%add3A_254, %broadcast_in_dim3A_237] : memref<64x128xf32, #tpu.memory_space<vmem>>[vector<16xi32>, vector<16xi32>], vector<16xf32>,
          %add3A_256 = arith.constant 16 : i32
          %add3A_257 = vector.broadcast %add3A_256 : i32 to vector<16xi32>
          %add3A_258 = arith.addi %add3A_257, %iota3A : vector<16xi32>
          tpu.vector_store_idx %arg14[%broadcast_in_dim3A_241, %add3A_258], %gather3A_255 : memref<64x128xf32, #tpu.memory_space<vmem>>[vector<16xi32>, vector<16xi32>], vector<16xf32>,
          %abs3A_259 = math.absf %gather3A_255 : vector<16xf32>
          %add3A_260 = arith.addf %add3A_251, %abs3A_259 : vector<16xf32>
          %add3A_261 = arith.constant 32 : i32
          %add3A_262 = vector.broadcast %add3A_261 : i32 to vector<16xi32>
          %add3A_263 = arith.addi %add3A_262, %iota3A : vector<16xi32>
          %gather3A_264 = tpu.vector_load_idx %arg9[%add3A_263, %broadcast_in_dim3A_237] : memref<64x128xf32, #tpu.memory_space<vmem>>[vector<16xi32>, vector<16xi32>], vector<16xf32>,
          %add3A_265 = arith.constant 32 : i32
          %add3A_266 = vector.broadcast %add3A_265 : i32 to vector<16xi32>
          %add3A_267 = arith.addi %add3A_266, %iota3A : vector<16xi32>
          tpu.vector_store_idx %arg14[%broadcast_in_dim3A_241, %add3A_267], %gather3A_264 : memref<64x128xf32, #tpu.memory_space<vmem>>[vector<16xi32>, vector<16xi32>], vector<16xf32>,
          %abs3A_268 = math.absf %gather3A_264 : vector<16xf32>
          %add3A_269 = arith.addf %add3A_260, %abs3A_268 : vector<16xf32>
          %add3A_270 = arith.constant 48 : i32
          %add3A_271 = vector.broadcast %add3A_270 : i32 to vector<16xi32>
          %add3A_272 = arith.addi %add3A_271, %iota3A : vector<16xi32>
          %gather3A_273 = tpu.vector_load_idx %arg9[%add3A_272, %broadcast_in_dim3A_237] : memref<64x128xf32, #tpu.memory_space<vmem>>[vector<16xi32>, vector<16xi32>], vector<16xf32>,
          %add3A_274 = arith.constant 48 : i32
          %add3A_275 = vector.broadcast %add3A_274 : i32 to vector<16xi32>
          %add3A_276 = arith.addi %add3A_275, %iota3A : vector<16xi32>
          tpu.vector_store_idx %arg14[%broadcast_in_dim3A_241, %add3A_276], %gather3A_273 : memref<64x128xf32, #tpu.memory_space<vmem>>[vector<16xi32>, vector<16xi32>], vector<16xf32>,
          %abs3A_277 = math.absf %gather3A_273 : vector<16xf32>
          %add3A_278 = arith.addf %add3A_269, %abs3A_277 : vector<16xf32>
          %reduce_sum3A = arith.constant true
          %reduce_sum3A_279 = vector.broadcast %reduce_sum3A : i1 to vector<16xi1>
          %reduce_sum3A_280 = tpu.scan <sum>, %add3A_278 masked %reduce_sum3A_279 : vector<16xf32>, vector<16xi1> -> vector<16xf32>
          %reduce_sum3A_281 = vector.extract %reduce_sum3A_280[15] : f32 from vector<16xf32>
          %mul3A_282 = arith.mulf %reduce_sum3A_281, %scan3A_116 : f32
          %eq3A_283 = arith.constant 0 : i32
          %eq3A_284 = vector.broadcast %eq3A_283 : i32 to vector<16xi32>
          %eq3A_285 = arith.cmpi eq, %iota3A, %eq3A_284 : vector<16xi32>
          %broadcast_in_dim3A_286 = arith.constant 64 : i32
          %broadcast_in_dim3A_287 = vector.broadcast %broadcast_in_dim3A_286 : i32 to vector<16xi32>
          %broadcast_in_dim3A_288 = vector.broadcast %mul3A_282 : f32 to vector<16xf32>
          tpu.vector_store_idx %arg14[%broadcast_in_dim3A_241, %broadcast_in_dim3A_287], %broadcast_in_dim3A_288 masked %eq3A_285 : memref<64x128xf32, #tpu.memory_space<vmem>>[vector<16xi32>, vector<16xi32>], vector<16xf32>, vector<16xi1>
          %broadcast_in_dim3A_289 = vector.broadcast %squeeze3A_236 : i32 to vector<16xi32>
          tpu.vector_store_idx %arg15[%broadcast_in_dim3A_241], %broadcast_in_dim3A_289 masked %eq3A_285 : memref<64xi32, #tpu.memory_space<vmem>>[vector<16xi32>], vector<16xi32>, vector<16xi1>
          %add3A_290 = arith.constant 1 : i32
          %add3A_291 = arith.addi %get3A_240, %add3A_290 : i32
          %swap3A_292 = arith.constant 1020 : i32
          %swap3A_293 = arith.index_cast %swap3A_292 : i32 to index
          %swap3A_294 = memref.load %arg16[%swap3A_293] : memref<1024xi32, #tpu.memory_space<smem>>
          memref.store %add3A_291, %arg16[%swap3A_293] : memref<1024xi32, #tpu.memory_space<smem>>
          %add3A_295 = arith.constant 1 : i32
          %add3A_296 = arith.addi %get3A_240, %add3A_295 : i32
          %eq3A_297 = arith.constant 64 : i32
          %eq3A_298 = arith.cmpi eq, %add3A_296, %eq3A_297 : i32
          %convert_element_type3A_299 = arith.extui %eq3A_298 : i1 to i32
          %cond3A_300 = arith.constant 0 : i32
          %cond3A_301 = arith.cmpi ne, %convert_element_type3A_299, %cond3A_300 : i32
          scf.if %cond3A_301 {
            %dma_start3A_302 = arith.constant 0 : i32
            %dma_start3A_303 = arith.constant 0 : i32
            %dma_start3A_304 = tpu.memref_slice %arg4[%dma_start3A_302, %dma_start3A_303] : memref<16448x128xf32, #tpu.memory_space<hbm>> -> memref<16448x128xf32, #tpu.memory_space<hbm>>
            tpu.enqueue_indirect_dma source(%arg14 : memref<64x128xf32, #tpu.memory_space<vmem>>) target(%dma_start3A_304 : memref<16448x128xf32, #tpu.memory_space<hbm>>) offsets(%arg15 : memref<64xi32, #tpu.memory_space<vmem>>) semaphore(%arg21 : memref<!tpu.dma_semaphore, #tpu.memory_space<semaphore_mem>>)
            %dma_wait3A_305 = arith.constant 0 : i32
            %dma_wait3A_306 = arith.constant 0 : i32
            %dma_wait3A_307 = tpu.memref_slice %arg4[%dma_wait3A_305, %dma_wait3A_306] : memref<16448x128xf32, #tpu.memory_space<hbm>> -> memref<16448x128xf32, #tpu.memory_space<hbm>>
            tpu.wait_indirect_dma semaphore(%arg21 : memref<!tpu.dma_semaphore, #tpu.memory_space<semaphore_mem>>) src(%arg14 : memref<64x128xf32, #tpu.memory_space<vmem>>) dst(%dma_wait3A_307 : memref<16448x128xf32, #tpu.memory_space<hbm>>)
            %add3A_308 = arith.constant 16384 : i32
            %add3A_309 = vector.broadcast %add3A_308 : i32 to vector<16xi32>
            %add3A_310 = arith.addi %add3A_309, %iota3A : vector<16xi32>
            %swap3A_311 = arith.constant 0 : index
            %swap3A_312 = tpu.vector_load %arg15[%swap3A_311] {strides = array<i32>} : memref<64xi32, #tpu.memory_space<vmem>>, vector<16xi32>,
            tpu.vector_store %arg15[%swap3A_311], %add3A_310 {strides = array<i32>} : memref<64xi32, #tpu.memory_space<vmem>>, vector<16xi32>,
            %add3A_313 = arith.constant 16400 : i32
            %add3A_314 = vector.broadcast %add3A_313 : i32 to vector<16xi32>
            %add3A_315 = arith.addi %add3A_314, %iota3A : vector<16xi32>
            %swap3A_316 = arith.constant 16 : index
            %swap3A_317 = tpu.vector_load %arg15[%swap3A_316] {strides = array<i32>} : memref<64xi32, #tpu.memory_space<vmem>>, vector<16xi32>,
            tpu.vector_store %arg15[%swap3A_316], %add3A_315 {strides = array<i32>} : memref<64xi32, #tpu.memory_space<vmem>>, vector<16xi32>,
            %add3A_318 = arith.constant 16416 : i32
            %add3A_319 = vector.broadcast %add3A_318 : i32 to vector<16xi32>
            %add3A_320 = arith.addi %add3A_319, %iota3A : vector<16xi32>
            %swap3A_321 = arith.constant 32 : index
            %swap3A_322 = tpu.vector_load %arg15[%swap3A_321] {strides = array<i32>} : memref<64xi32, #tpu.memory_space<vmem>>, vector<16xi32>,
            tpu.vector_store %arg15[%swap3A_321], %add3A_320 {strides = array<i32>} : memref<64xi32, #tpu.memory_space<vmem>>, vector<16xi32>,
            %add3A_323 = arith.constant 16432 : i32
            %add3A_324 = vector.broadcast %add3A_323 : i32 to vector<16xi32>
            %add3A_325 = arith.addi %add3A_324, %iota3A : vector<16xi32>
            %swap3A_326 = arith.constant 48 : index
            %swap3A_327 = tpu.vector_load %arg15[%swap3A_326] {strides = array<i32>} : memref<64xi32, #tpu.memory_space<vmem>>, vector<16xi32>,
            tpu.vector_store %arg15[%swap3A_326], %add3A_325 {strides = array<i32>} : memref<64xi32, #tpu.memory_space<vmem>>, vector<16xi32>,
            %swap3A_328 = arith.constant 0 : i32
            %swap3A_329 = arith.constant 1020 : i32
            %swap3A_330 = arith.index_cast %swap3A_329 : i32 to index
            %swap3A_331 = memref.load %arg16[%swap3A_330] : memref<1024xi32, #tpu.memory_space<smem>>
            memref.store %swap3A_328, %arg16[%swap3A_330] : memref<1024xi32, #tpu.memory_space<smem>>
          } else {
          }
        }
        %while3A_223 = arith.constant 1 : i32
        scf.for %while3A_233 = %while3A_221 to %while3A_217 step %while3A_223  : i32 {
          %broadcast_in_dim3A = vector.broadcast %while3A_233 : i32 to vector<16xi32>
          %gather3A = tpu.vector_load_idx %arg5[%broadcast_in_dim3A] : memref<16400xi32, #tpu.memory_space<vmem>>[vector<16xi32>], vector<16xi32>,
          %slice3A = vector.extract_strided_slice %gather3A {offsets = [0], sizes = [1], strides = [1]} : vector<16xi32> to vector<1xi32>
          %squeeze3A = vector.extract %slice3A[0] : i32 from vector<1xi32>
          %gather3A_234 = tpu.vector_load_idx %arg8[%broadcast_in_dim3A] : memref<16400xi32, #tpu.memory_space<vmem>>[vector<16xi32>], vector<16xi32>,
          %slice3A_235 = vector.extract_strided_slice %gather3A_234 {offsets = [0], sizes = [1], strides = [1]} : vector<16xi32> to vector<1xi32>
          %squeeze3A_236 = vector.extract %slice3A_235[0] : i32 from vector<1xi32>
          %broadcast_in_dim3A_237 = vector.broadcast %squeeze3A : i32 to vector<16xi32>
          %get3A_238 = arith.constant 1020 : i32
          %get3A_239 = arith.index_cast %get3A_238 : i32 to index
          %get3A_240 = memref.load %arg16[%get3A_239] : memref<1024xi32, #tpu.memory_space<smem>>
          %broadcast_in_dim3A_241 = vector.broadcast %get3A_240 : i32 to vector<16xi32>
          %broadcast_in_dim3A_242 = arith.constant 0.000000e+00 : f32
          %broadcast_in_dim3A_243 = vector.broadcast %broadcast_in_dim3A_242 : f32 to vector<16xf32>
          %add3A_244 = arith.constant 0 : i32
          %add3A_245 = vector.broadcast %add3A_244 : i32 to vector<16xi32>
          %add3A_246 = arith.addi %add3A_245, %iota3A : vector<16xi32>
          %gather3A_247 = tpu.vector_load_idx %arg9[%add3A_246, %broadcast_in_dim3A_237] : memref<64x128xf32, #tpu.memory_space<vmem>>[vector<16xi32>, vector<16xi32>], vector<16xf32>,
          %add3A_248 = arith.constant 0 : i32
          %add3A_249 = vector.broadcast %add3A_248 : i32 to vector<16xi32>
          %add3A_250 = arith.addi %add3A_249, %iota3A : vector<16xi32>
          tpu.vector_store_idx %arg14[%broadcast_in_dim3A_241, %add3A_250], %gather3A_247 : memref<64x128xf32, #tpu.memory_space<vmem>>[vector<16xi32>, vector<16xi32>], vector<16xf32>,
          %abs3A = math.absf %gather3A_247 : vector<16xf32>
          %add3A_251 = arith.addf %broadcast_in_dim3A_243, %abs3A : vector<16xf32>
          %add3A_252 = arith.constant 16 : i32
          %add3A_253 = vector.broadcast %add3A_252 : i32 to vector<16xi32>
          %add3A_254 = arith.addi %add3A_253, %iota3A : vector<16xi32>
          %gather3A_255 = tpu.vector_load_idx %arg9[%add3A_254, %broadcast_in_dim3A_237] : memref<64x128xf32, #tpu.memory_space<vmem>>[vector<16xi32>, vector<16xi32>], vector<16xf32>,
          %add3A_256 = arith.constant 16 : i32
          %add3A_257 = vector.broadcast %add3A_256 : i32 to vector<16xi32>
          %add3A_258 = arith.addi %add3A_257, %iota3A : vector<16xi32>
          tpu.vector_store_idx %arg14[%broadcast_in_dim3A_241, %add3A_258], %gather3A_255 : memref<64x128xf32, #tpu.memory_space<vmem>>[vector<16xi32>, vector<16xi32>], vector<16xf32>,
          %abs3A_259 = math.absf %gather3A_255 : vector<16xf32>
          %add3A_260 = arith.addf %add3A_251, %abs3A_259 : vector<16xf32>
          %add3A_261 = arith.constant 32 : i32
          %add3A_262 = vector.broadcast %add3A_261 : i32 to vector<16xi32>
          %add3A_263 = arith.addi %add3A_262, %iota3A : vector<16xi32>
          %gather3A_264 = tpu.vector_load_idx %arg9[%add3A_263, %broadcast_in_dim3A_237] : memref<64x128xf32, #tpu.memory_space<vmem>>[vector<16xi32>, vector<16xi32>], vector<16xf32>,
          %add3A_265 = arith.constant 32 : i32
          %add3A_266 = vector.broadcast %add3A_265 : i32 to vector<16xi32>
          %add3A_267 = arith.addi %add3A_266, %iota3A : vector<16xi32>
          tpu.vector_store_idx %arg14[%broadcast_in_dim3A_241, %add3A_267], %gather3A_264 : memref<64x128xf32, #tpu.memory_space<vmem>>[vector<16xi32>, vector<16xi32>], vector<16xf32>,
          %abs3A_268 = math.absf %gather3A_264 : vector<16xf32>
          %add3A_269 = arith.addf %add3A_260, %abs3A_268 : vector<16xf32>
          %add3A_270 = arith.constant 48 : i32
          %add3A_271 = vector.broadcast %add3A_270 : i32 to vector<16xi32>
          %add3A_272 = arith.addi %add3A_271, %iota3A : vector<16xi32>
          %gather3A_273 = tpu.vector_load_idx %arg9[%add3A_272, %broadcast_in_dim3A_237] : memref<64x128xf32, #tpu.memory_space<vmem>>[vector<16xi32>, vector<16xi32>], vector<16xf32>,
          %add3A_274 = arith.constant 48 : i32
          %add3A_275 = vector.broadcast %add3A_274 : i32 to vector<16xi32>
          %add3A_276 = arith.addi %add3A_275, %iota3A : vector<16xi32>
          tpu.vector_store_idx %arg14[%broadcast_in_dim3A_241, %add3A_276], %gather3A_273 : memref<64x128xf32, #tpu.memory_space<vmem>>[vector<16xi32>, vector<16xi32>], vector<16xf32>,
          %abs3A_277 = math.absf %gather3A_273 : vector<16xf32>
          %add3A_278 = arith.addf %add3A_269, %abs3A_277 : vector<16xf32>
          %reduce_sum3A = arith.constant true
          %reduce_sum3A_279 = vector.broadcast %reduce_sum3A : i1 to vector<16xi1>
          %reduce_sum3A_280 = tpu.scan <sum>, %add3A_278 masked %reduce_sum3A_279 : vector<16xf32>, vector<16xi1> -> vector<16xf32>
          %reduce_sum3A_281 = vector.extract %reduce_sum3A_280[15] : f32 from vector<16xf32>
          %mul3A_282 = arith.mulf %reduce_sum3A_281, %scan3A_116 : f32
          %eq3A_283 = arith.constant 0 : i32
          %eq3A_284 = vector.broadcast %eq3A_283 : i32 to vector<16xi32>
          %eq3A_285 = arith.cmpi eq, %iota3A, %eq3A_284 : vector<16xi32>
          %broadcast_in_dim3A_286 = arith.constant 64 : i32
          %broadcast_in_dim3A_287 = vector.broadcast %broadcast_in_dim3A_286 : i32 to vector<16xi32>
          %broadcast_in_dim3A_288 = vector.broadcast %mul3A_282 : f32 to vector<16xf32>
          tpu.vector_store_idx %arg14[%broadcast_in_dim3A_241, %broadcast_in_dim3A_287], %broadcast_in_dim3A_288 masked %eq3A_285 : memref<64x128xf32, #tpu.memory_space<vmem>>[vector<16xi32>, vector<16xi32>], vector<16xf32>, vector<16xi1>
          %broadcast_in_dim3A_289 = vector.broadcast %squeeze3A_236 : i32 to vector<16xi32>
          tpu.vector_store_idx %arg15[%broadcast_in_dim3A_241], %broadcast_in_dim3A_289 masked %eq3A_285 : memref<64xi32, #tpu.memory_space<vmem>>[vector<16xi32>], vector<16xi32>, vector<16xi1>
          %add3A_290 = arith.constant 1 : i32
          %add3A_291 = arith.addi %get3A_240, %add3A_290 : i32
          %swap3A_292 = arith.constant 1020 : i32
          %swap3A_293 = arith.index_cast %swap3A_292 : i32 to index
          %swap3A_294 = memref.load %arg16[%swap3A_293] : memref<1024xi32, #tpu.memory_space<smem>>
          memref.store %add3A_291, %arg16[%swap3A_293] : memref<1024xi32, #tpu.memory_space<smem>>
          %add3A_295 = arith.constant 1 : i32
          %add3A_296 = arith.addi %get3A_240, %add3A_295 : i32
          %eq3A_297 = arith.constant 64 : i32
          %eq3A_298 = arith.cmpi eq, %add3A_296, %eq3A_297 : i32
          %convert_element_type3A_299 = arith.extui %eq3A_298 : i1 to i32
          %cond3A_300 = arith.constant 0 : i32
          %cond3A_301 = arith.cmpi ne, %convert_element_type3A_299, %cond3A_300 : i32
          scf.if %cond3A_301 {
            %dma_start3A_302 = arith.constant 0 : i32
            %dma_start3A_303 = arith.constant 0 : i32
            %dma_start3A_304 = tpu.memref_slice %arg4[%dma_start3A_302, %dma_start3A_303] : memref<16448x128xf32, #tpu.memory_space<hbm>> -> memref<16448x128xf32, #tpu.memory_space<hbm>>
            tpu.enqueue_indirect_dma source(%arg14 : memref<64x128xf32, #tpu.memory_space<vmem>>) target(%dma_start3A_304 : memref<16448x128xf32, #tpu.memory_space<hbm>>) offsets(%arg15 : memref<64xi32, #tpu.memory_space<vmem>>) semaphore(%arg21 : memref<!tpu.dma_semaphore, #tpu.memory_space<semaphore_mem>>)
            %dma_wait3A_305 = arith.constant 0 : i32
            %dma_wait3A_306 = arith.constant 0 : i32
            %dma_wait3A_307 = tpu.memref_slice %arg4[%dma_wait3A_305, %dma_wait3A_306] : memref<16448x128xf32, #tpu.memory_space<hbm>> -> memref<16448x128xf32, #tpu.memory_space<hbm>>
            tpu.wait_indirect_dma semaphore(%arg21 : memref<!tpu.dma_semaphore, #tpu.memory_space<semaphore_mem>>) src(%arg14 : memref<64x128xf32, #tpu.memory_space<vmem>>) dst(%dma_wait3A_307 : memref<16448x128xf32, #tpu.memory_space<hbm>>)
            %add3A_308 = arith.constant 16384 : i32
            %add3A_309 = vector.broadcast %add3A_308 : i32 to vector<16xi32>
            %add3A_310 = arith.addi %add3A_309, %iota3A : vector<16xi32>
            %swap3A_311 = arith.constant 0 : index
            %swap3A_312 = tpu.vector_load %arg15[%swap3A_311] {strides = array<i32>} : memref<64xi32, #tpu.memory_space<vmem>>, vector<16xi32>,
            tpu.vector_store %arg15[%swap3A_311], %add3A_310 {strides = array<i32>} : memref<64xi32, #tpu.memory_space<vmem>>, vector<16xi32>,
            %add3A_313 = arith.constant 16400 : i32
            %add3A_314 = vector.broadcast %add3A_313 : i32 to vector<16xi32>
            %add3A_315 = arith.addi %add3A_314, %iota3A : vector<16xi32>
            %swap3A_316 = arith.constant 16 : index
            %swap3A_317 = tpu.vector_load %arg15[%swap3A_316] {strides = array<i32>} : memref<64xi32, #tpu.memory_space<vmem>>, vector<16xi32>,
            tpu.vector_store %arg15[%swap3A_316], %add3A_315 {strides = array<i32>} : memref<64xi32, #tpu.memory_space<vmem>>, vector<16xi32>,
            %add3A_318 = arith.constant 16416 : i32
            %add3A_319 = vector.broadcast %add3A_318 : i32 to vector<16xi32>
            %add3A_320 = arith.addi %add3A_319, %iota3A : vector<16xi32>
            %swap3A_321 = arith.constant 32 : index
            %swap3A_322 = tpu.vector_load %arg15[%swap3A_321] {strides = array<i32>} : memref<64xi32, #tpu.memory_space<vmem>>, vector<16xi32>,
            tpu.vector_store %arg15[%swap3A_321], %add3A_320 {strides = array<i32>} : memref<64xi32, #tpu.memory_space<vmem>>, vector<16xi32>,
            %add3A_323 = arith.constant 16432 : i32
            %add3A_324 = vector.broadcast %add3A_323 : i32 to vector<16xi32>
            %add3A_325 = arith.addi %add3A_324, %iota3A : vector<16xi32>
            %swap3A_326 = arith.constant 48 : index
            %swap3A_327 = tpu.vector_load %arg15[%swap3A_326] {strides = array<i32>} : memref<64xi32, #tpu.memory_space<vmem>>, vector<16xi32>,
            tpu.vector_store %arg15[%swap3A_326], %add3A_325 {strides = array<i32>} : memref<64xi32, #tpu.memory_space<vmem>>, vector<16xi32>,
            %swap3A_328 = arith.constant 0 : i32
            %swap3A_329 = arith.constant 1020 : i32
            %swap3A_330 = arith.index_cast %swap3A_329 : i32 to index
            %swap3A_331 = memref.load %arg16[%swap3A_330] : memref<1024xi32, #tpu.memory_space<smem>>
            memref.store %swap3A_328, %arg16[%swap3A_330] : memref<1024xi32, #tpu.memory_space<smem>>
          } else {
          }
        }
        %add3A_224 = arith.constant 4 : i32
        %add3A_225 = arith.addi %add3A_157, %add3A_224 : i32
        %get3A_226 = arith.constant 1022 : i32
        %get3A_227 = arith.index_cast %get3A_226 : i32 to index
        %get3A_228 = memref.load %arg16[%get3A_227] : memref<1024xi32, #tpu.memory_space<smem>>
        %lt3A_229 = arith.cmpi slt, %add3A_225, %get3A_228 : i32
        %convert_element_type3A_230 = arith.extui %lt3A_229 : i1 to i32
        %cond3A_231 = arith.constant 0 : i32
        %cond3A_232 = arith.cmpi ne, %convert_element_type3A_230, %cond3A_231 : i32
        scf.if %cond3A_232 {
          %add3A_233 = arith.constant 4 : i32
          %add3A_234 = arith.addi %add3A_157, %add3A_233 : i32
          %add3A_235 = arith.constant 768 : i32
          %add3A_236 = arith.addi %add3A_235, %add3A_234 : i32
          %get3A_237 = arith.index_cast %add3A_236 : i32 to index
          %get3A_238 = memref.load %arg16[%get3A_237] : memref<1024xi32, #tpu.memory_space<smem>>
          %add3A_239 = arith.addi %mul3A_3, %get3A_238 : i32
          %mul3A_240 = arith.constant 128 : i32
          %mul3A_241 = arith.muli %add3A_239, %mul3A_240 : i32
          %multiple_of3A_242 = tpu.assume_multiple %mul3A_241, 128 : i32
          %dma_start3A_243 = arith.constant 0 : i32
          %dma_start3A_244 = tpu.memref_slice %arg3[%dma_start3A_243, %multiple_of3A_242] : memref<64x1000000xf32, #tpu.memory_space<hbm>> -> memref<64x128xf32, #tpu.memory_space<hbm>>
          %dma_start3A_245 = arith.constant 0 : i32
          %dma_start3A_246 = tpu.memref_slice %arg3[%dma_start3A_245, %multiple_of3A_242] : memref<64x1000000xf32, #tpu.memory_space<hbm>> -> memref<64x128xf32, #tpu.memory_space<hbm>>
          tpu.enqueue_dma source(%dma_start3A_246 : memref<64x128xf32, #tpu.memory_space<hbm>>) target(%arg9 : memref<64x128xf32, #tpu.memory_space<vmem>>) target_semaphore(%arg17 : memref<!tpu.dma_semaphore, #tpu.memory_space<semaphore_mem>>)
        } else {
        }
      } else {
      }
      %mul3A_163 = arith.constant 4 : i32
      %mul3A_164 = arith.muli %scan3A_153, %mul3A_163 : i32
      %add3A_165 = arith.constant 1 : i32
      %add3A_166 = arith.addi %mul3A_164, %add3A_165 : i32
      %get3A_167 = arith.constant 1022 : i32
      %get3A_168 = arith.index_cast %get3A_167 : i32 to index
      %get3A_169 = memref.load %arg16[%get3A_168] : memref<1024xi32, #tpu.memory_space<smem>>
      %lt3A_170 = arith.cmpi slt, %add3A_166, %get3A_169 : i32
      %convert_element_type3A_171 = arith.extui %lt3A_170 : i1 to i32
      %cond3A_172 = arith.constant 0 : i32
      %cond3A_173 = arith.cmpi ne, %convert_element_type3A_171, %cond3A_172 : i32
      scf.if %cond3A_173 {
        %dma_wait3A_196 = arith.constant 0 : i32
        %dma_wait3A_197 = arith.constant 0 : i32
        %dma_wait3A_198 = tpu.memref_slice %arg3[%dma_wait3A_196, %dma_wait3A_197] : memref<64x1000000xf32, #tpu.memory_space<hbm>> -> memref<64x128xf32, #tpu.memory_space<hbm>>
        %dma_wait3A_199 = arith.constant 0 : i32
        %dma_wait3A_200 = arith.constant 0 : i32
        %dma_wait3A_201 = tpu.memref_slice %arg3[%dma_wait3A_199, %dma_wait3A_200] : memref<64x1000000xf32, #tpu.memory_space<hbm>> -> memref<64x128xf32, #tpu.memory_space<hbm>>
        tpu.wait_dma2 semaphore(%arg18 : memref<!tpu.dma_semaphore, #tpu.memory_space<semaphore_mem>>) src(%dma_wait3A_201 : memref<64x128xf32, #tpu.memory_space<hbm>>) dst(%arg10 : memref<64x128xf32, #tpu.memory_space<vmem>>)
        %add3A_202 = arith.constant 768 : i32
        %add3A_203 = arith.addi %add3A_202, %add3A_166 : i32
        %get3A_204 = arith.index_cast %add3A_203 : i32 to index
        %get3A_205 = memref.load %arg16[%get3A_204] : memref<1024xi32, #tpu.memory_space<smem>>
        %add3A_206 = arith.constant 256 : i32
        %add3A_207 = arith.addi %add3A_206, %get3A_205 : i32
        %get3A_208 = arith.index_cast %add3A_207 : i32 to index
        %get3A_209 = memref.load %arg16[%get3A_208] : memref<1024xi32, #tpu.memory_space<smem>>
        %add3A_210 = arith.constant 0 : i32
        %add3A_211 = arith.addi %add3A_210, %get3A_205 : i32
        %get3A_212 = arith.index_cast %add3A_211 : i32 to index
        %get3A_213 = memref.load %arg16[%get3A_212] : memref<1024xi32, #tpu.memory_space<smem>>
        %add3A_214 = arith.addi %get3A_209, %get3A_213 : i32
        %while3A_215 = arith.constant 0 : i32
        %while3A_216 = arith.subi %add3A_214, %get3A_209 : i32
        %while3A_217 = arith.addi %get3A_209, %while3A_216 : i32
        %while3A_218 = arith.constant 1 : i32
        %while3A_219 = arith.divsi %while3A_216, %while3A_218 : i32
        %while3A_220 = arith.muli %while3A_219, %while3A_218 : i32
        %while3A_221 = arith.addi %get3A_209, %while3A_220 : i32
        %while3A_222 = arith.constant 1 : i32
        scf.for %while3A_233 = %get3A_209 to %while3A_221 step %while3A_222  : i32 {
          %broadcast_in_dim3A = vector.broadcast %while3A_233 : i32 to vector<16xi32>
          %gather3A = tpu.vector_load_idx %arg5[%broadcast_in_dim3A] : memref<16400xi32, #tpu.memory_space<vmem>>[vector<16xi32>], vector<16xi32>,
          %slice3A = vector.extract_strided_slice %gather3A {offsets = [0], sizes = [1], strides = [1]} : vector<16xi32> to vector<1xi32>
          %squeeze3A = vector.extract %slice3A[0] : i32 from vector<1xi32>
          %gather3A_234 = tpu.vector_load_idx %arg8[%broadcast_in_dim3A] : memref<16400xi32, #tpu.memory_space<vmem>>[vector<16xi32>], vector<16xi32>,
          %slice3A_235 = vector.extract_strided_slice %gather3A_234 {offsets = [0], sizes = [1], strides = [1]} : vector<16xi32> to vector<1xi32>
          %squeeze3A_236 = vector.extract %slice3A_235[0] : i32 from vector<1xi32>
          %broadcast_in_dim3A_237 = vector.broadcast %squeeze3A : i32 to vector<16xi32>
          %get3A_238 = arith.constant 1020 : i32
          %get3A_239 = arith.index_cast %get3A_238 : i32 to index
          %get3A_240 = memref.load %arg16[%get3A_239] : memref<1024xi32, #tpu.memory_space<smem>>
          %broadcast_in_dim3A_241 = vector.broadcast %get3A_240 : i32 to vector<16xi32>
          %broadcast_in_dim3A_242 = arith.constant 0.000000e+00 : f32
          %broadcast_in_dim3A_243 = vector.broadcast %broadcast_in_dim3A_242 : f32 to vector<16xf32>
          %add3A_244 = arith.constant 0 : i32
          %add3A_245 = vector.broadcast %add3A_244 : i32 to vector<16xi32>
          %add3A_246 = arith.addi %add3A_245, %iota3A : vector<16xi32>
          %gather3A_247 = tpu.vector_load_idx %arg10[%add3A_246, %broadcast_in_dim3A_237] : memref<64x128xf32, #tpu.memory_space<vmem>>[vector<16xi32>, vector<16xi32>], vector<16xf32>,
          %add3A_248 = arith.constant 0 : i32
          %add3A_249 = vector.broadcast %add3A_248 : i32 to vector<16xi32>
          %add3A_250 = arith.addi %add3A_249, %iota3A : vector<16xi32>
          tpu.vector_store_idx %arg14[%broadcast_in_dim3A_241, %add3A_250], %gather3A_247 : memref<64x128xf32, #tpu.memory_space<vmem>>[vector<16xi32>, vector<16xi32>], vector<16xf32>,
          %abs3A = math.absf %gather3A_247 : vector<16xf32>
          %add3A_251 = arith.addf %broadcast_in_dim3A_243, %abs3A : vector<16xf32>
          %add3A_252 = arith.constant 16 : i32
          %add3A_253 = vector.broadcast %add3A_252 : i32 to vector<16xi32>
          %add3A_254 = arith.addi %add3A_253, %iota3A : vector<16xi32>
          %gather3A_255 = tpu.vector_load_idx %arg10[%add3A_254, %broadcast_in_dim3A_237] : memref<64x128xf32, #tpu.memory_space<vmem>>[vector<16xi32>, vector<16xi32>], vector<16xf32>,
          %add3A_256 = arith.constant 16 : i32
          %add3A_257 = vector.broadcast %add3A_256 : i32 to vector<16xi32>
          %add3A_258 = arith.addi %add3A_257, %iota3A : vector<16xi32>
          tpu.vector_store_idx %arg14[%broadcast_in_dim3A_241, %add3A_258], %gather3A_255 : memref<64x128xf32, #tpu.memory_space<vmem>>[vector<16xi32>, vector<16xi32>], vector<16xf32>,
          %abs3A_259 = math.absf %gather3A_255 : vector<16xf32>
          %add3A_260 = arith.addf %add3A_251, %abs3A_259 : vector<16xf32>
          %add3A_261 = arith.constant 32 : i32
          %add3A_262 = vector.broadcast %add3A_261 : i32 to vector<16xi32>
          %add3A_263 = arith.addi %add3A_262, %iota3A : vector<16xi32>
          %gather3A_264 = tpu.vector_load_idx %arg10[%add3A_263, %broadcast_in_dim3A_237] : memref<64x128xf32, #tpu.memory_space<vmem>>[vector<16xi32>, vector<16xi32>], vector<16xf32>,
          %add3A_265 = arith.constant 32 : i32
          %add3A_266 = vector.broadcast %add3A_265 : i32 to vector<16xi32>
          %add3A_267 = arith.addi %add3A_266, %iota3A : vector<16xi32>
          tpu.vector_store_idx %arg14[%broadcast_in_dim3A_241, %add3A_267], %gather3A_264 : memref<64x128xf32, #tpu.memory_space<vmem>>[vector<16xi32>, vector<16xi32>], vector<16xf32>,
          %abs3A_268 = math.absf %gather3A_264 : vector<16xf32>
          %add3A_269 = arith.addf %add3A_260, %abs3A_268 : vector<16xf32>
          %add3A_270 = arith.constant 48 : i32
          %add3A_271 = vector.broadcast %add3A_270 : i32 to vector<16xi32>
          %add3A_272 = arith.addi %add3A_271, %iota3A : vector<16xi32>
          %gather3A_273 = tpu.vector_load_idx %arg10[%add3A_272, %broadcast_in_dim3A_237] : memref<64x128xf32, #tpu.memory_space<vmem>>[vector<16xi32>, vector<16xi32>], vector<16xf32>,
          %add3A_274 = arith.constant 48 : i32
          %add3A_275 = vector.broadcast %add3A_274 : i32 to vector<16xi32>
          %add3A_276 = arith.addi %add3A_275, %iota3A : vector<16xi32>
          tpu.vector_store_idx %arg14[%broadcast_in_dim3A_241, %add3A_276], %gather3A_273 : memref<64x128xf32, #tpu.memory_space<vmem>>[vector<16xi32>, vector<16xi32>], vector<16xf32>,
          %abs3A_277 = math.absf %gather3A_273 : vector<16xf32>
          %add3A_278 = arith.addf %add3A_269, %abs3A_277 : vector<16xf32>
          %reduce_sum3A = arith.constant true
          %reduce_sum3A_279 = vector.broadcast %reduce_sum3A : i1 to vector<16xi1>
          %reduce_sum3A_280 = tpu.scan <sum>, %add3A_278 masked %reduce_sum3A_279 : vector<16xf32>, vector<16xi1> -> vector<16xf32>
          %reduce_sum3A_281 = vector.extract %reduce_sum3A_280[15] : f32 from vector<16xf32>
          %mul3A_282 = arith.mulf %reduce_sum3A_281, %scan3A_116 : f32
          %eq3A_283 = arith.constant 0 : i32
          %eq3A_284 = vector.broadcast %eq3A_283 : i32 to vector<16xi32>
          %eq3A_285 = arith.cmpi eq, %iota3A, %eq3A_284 : vector<16xi32>
          %broadcast_in_dim3A_286 = arith.constant 64 : i32
          %broadcast_in_dim3A_287 = vector.broadcast %broadcast_in_dim3A_286 : i32 to vector<16xi32>
          %broadcast_in_dim3A_288 = vector.broadcast %mul3A_282 : f32 to vector<16xf32>
          tpu.vector_store_idx %arg14[%broadcast_in_dim3A_241, %broadcast_in_dim3A_287], %broadcast_in_dim3A_288 masked %eq3A_285 : memref<64x128xf32, #tpu.memory_space<vmem>>[vector<16xi32>, vector<16xi32>], vector<16xf32>, vector<16xi1>
          %broadcast_in_dim3A_289 = vector.broadcast %squeeze3A_236 : i32 to vector<16xi32>
          tpu.vector_store_idx %arg15[%broadcast_in_dim3A_241], %broadcast_in_dim3A_289 masked %eq3A_285 : memref<64xi32, #tpu.memory_space<vmem>>[vector<16xi32>], vector<16xi32>, vector<16xi1>
          %add3A_290 = arith.constant 1 : i32
          %add3A_291 = arith.addi %get3A_240, %add3A_290 : i32
          %swap3A_292 = arith.constant 1020 : i32
          %swap3A_293 = arith.index_cast %swap3A_292 : i32 to index
          %swap3A_294 = memref.load %arg16[%swap3A_293] : memref<1024xi32, #tpu.memory_space<smem>>
          memref.store %add3A_291, %arg16[%swap3A_293] : memref<1024xi32, #tpu.memory_space<smem>>
          %add3A_295 = arith.constant 1 : i32
          %add3A_296 = arith.addi %get3A_240, %add3A_295 : i32
          %eq3A_297 = arith.constant 64 : i32
          %eq3A_298 = arith.cmpi eq, %add3A_296, %eq3A_297 : i32
          %convert_element_type3A_299 = arith.extui %eq3A_298 : i1 to i32
          %cond3A_300 = arith.constant 0 : i32
          %cond3A_301 = arith.cmpi ne, %convert_element_type3A_299, %cond3A_300 : i32
          scf.if %cond3A_301 {
            %dma_start3A_302 = arith.constant 0 : i32
            %dma_start3A_303 = arith.constant 0 : i32
            %dma_start3A_304 = tpu.memref_slice %arg4[%dma_start3A_302, %dma_start3A_303] : memref<16448x128xf32, #tpu.memory_space<hbm>> -> memref<16448x128xf32, #tpu.memory_space<hbm>>
            tpu.enqueue_indirect_dma source(%arg14 : memref<64x128xf32, #tpu.memory_space<vmem>>) target(%dma_start3A_304 : memref<16448x128xf32, #tpu.memory_space<hbm>>) offsets(%arg15 : memref<64xi32, #tpu.memory_space<vmem>>) semaphore(%arg21 : memref<!tpu.dma_semaphore, #tpu.memory_space<semaphore_mem>>)
            %dma_wait3A_305 = arith.constant 0 : i32
            %dma_wait3A_306 = arith.constant 0 : i32
            %dma_wait3A_307 = tpu.memref_slice %arg4[%dma_wait3A_305, %dma_wait3A_306] : memref<16448x128xf32, #tpu.memory_space<hbm>> -> memref<16448x128xf32, #tpu.memory_space<hbm>>
            tpu.wait_indirect_dma semaphore(%arg21 : memref<!tpu.dma_semaphore, #tpu.memory_space<semaphore_mem>>) src(%arg14 : memref<64x128xf32, #tpu.memory_space<vmem>>) dst(%dma_wait3A_307 : memref<16448x128xf32, #tpu.memory_space<hbm>>)
            %add3A_308 = arith.constant 16384 : i32
            %add3A_309 = vector.broadcast %add3A_308 : i32 to vector<16xi32>
            %add3A_310 = arith.addi %add3A_309, %iota3A : vector<16xi32>
            %swap3A_311 = arith.constant 0 : index
            %swap3A_312 = tpu.vector_load %arg15[%swap3A_311] {strides = array<i32>} : memref<64xi32, #tpu.memory_space<vmem>>, vector<16xi32>,
            tpu.vector_store %arg15[%swap3A_311], %add3A_310 {strides = array<i32>} : memref<64xi32, #tpu.memory_space<vmem>>, vector<16xi32>,
            %add3A_313 = arith.constant 16400 : i32
            %add3A_314 = vector.broadcast %add3A_313 : i32 to vector<16xi32>
            %add3A_315 = arith.addi %add3A_314, %iota3A : vector<16xi32>
            %swap3A_316 = arith.constant 16 : index
            %swap3A_317 = tpu.vector_load %arg15[%swap3A_316] {strides = array<i32>} : memref<64xi32, #tpu.memory_space<vmem>>, vector<16xi32>,
            tpu.vector_store %arg15[%swap3A_316], %add3A_315 {strides = array<i32>} : memref<64xi32, #tpu.memory_space<vmem>>, vector<16xi32>,
            %add3A_318 = arith.constant 16416 : i32
            %add3A_319 = vector.broadcast %add3A_318 : i32 to vector<16xi32>
            %add3A_320 = arith.addi %add3A_319, %iota3A : vector<16xi32>
            %swap3A_321 = arith.constant 32 : index
            %swap3A_322 = tpu.vector_load %arg15[%swap3A_321] {strides = array<i32>} : memref<64xi32, #tpu.memory_space<vmem>>, vector<16xi32>,
            tpu.vector_store %arg15[%swap3A_321], %add3A_320 {strides = array<i32>} : memref<64xi32, #tpu.memory_space<vmem>>, vector<16xi32>,
            %add3A_323 = arith.constant 16432 : i32
            %add3A_324 = vector.broadcast %add3A_323 : i32 to vector<16xi32>
            %add3A_325 = arith.addi %add3A_324, %iota3A : vector<16xi32>
            %swap3A_326 = arith.constant 48 : index
            %swap3A_327 = tpu.vector_load %arg15[%swap3A_326] {strides = array<i32>} : memref<64xi32, #tpu.memory_space<vmem>>, vector<16xi32>,
            tpu.vector_store %arg15[%swap3A_326], %add3A_325 {strides = array<i32>} : memref<64xi32, #tpu.memory_space<vmem>>, vector<16xi32>,
            %swap3A_328 = arith.constant 0 : i32
            %swap3A_329 = arith.constant 1020 : i32
            %swap3A_330 = arith.index_cast %swap3A_329 : i32 to index
            %swap3A_331 = memref.load %arg16[%swap3A_330] : memref<1024xi32, #tpu.memory_space<smem>>
            memref.store %swap3A_328, %arg16[%swap3A_330] : memref<1024xi32, #tpu.memory_space<smem>>
          } else {
          }
        }
        %while3A_223 = arith.constant 1 : i32
        scf.for %while3A_233 = %while3A_221 to %while3A_217 step %while3A_223  : i32 {
          %broadcast_in_dim3A = vector.broadcast %while3A_233 : i32 to vector<16xi32>
          %gather3A = tpu.vector_load_idx %arg5[%broadcast_in_dim3A] : memref<16400xi32, #tpu.memory_space<vmem>>[vector<16xi32>], vector<16xi32>,
          %slice3A = vector.extract_strided_slice %gather3A {offsets = [0], sizes = [1], strides = [1]} : vector<16xi32> to vector<1xi32>
          %squeeze3A = vector.extract %slice3A[0] : i32 from vector<1xi32>
          %gather3A_234 = tpu.vector_load_idx %arg8[%broadcast_in_dim3A] : memref<16400xi32, #tpu.memory_space<vmem>>[vector<16xi32>], vector<16xi32>,
          %slice3A_235 = vector.extract_strided_slice %gather3A_234 {offsets = [0], sizes = [1], strides = [1]} : vector<16xi32> to vector<1xi32>
          %squeeze3A_236 = vector.extract %slice3A_235[0] : i32 from vector<1xi32>
          %broadcast_in_dim3A_237 = vector.broadcast %squeeze3A : i32 to vector<16xi32>
          %get3A_238 = arith.constant 1020 : i32
          %get3A_239 = arith.index_cast %get3A_238 : i32 to index
          %get3A_240 = memref.load %arg16[%get3A_239] : memref<1024xi32, #tpu.memory_space<smem>>
          %broadcast_in_dim3A_241 = vector.broadcast %get3A_240 : i32 to vector<16xi32>
          %broadcast_in_dim3A_242 = arith.constant 0.000000e+00 : f32
          %broadcast_in_dim3A_243 = vector.broadcast %broadcast_in_dim3A_242 : f32 to vector<16xf32>
          %add3A_244 = arith.constant 0 : i32
          %add3A_245 = vector.broadcast %add3A_244 : i32 to vector<16xi32>
          %add3A_246 = arith.addi %add3A_245, %iota3A : vector<16xi32>
          %gather3A_247 = tpu.vector_load_idx %arg10[%add3A_246, %broadcast_in_dim3A_237] : memref<64x128xf32, #tpu.memory_space<vmem>>[vector<16xi32>, vector<16xi32>], vector<16xf32>,
          %add3A_248 = arith.constant 0 : i32
          %add3A_249 = vector.broadcast %add3A_248 : i32 to vector<16xi32>
          %add3A_250 = arith.addi %add3A_249, %iota3A : vector<16xi32>
          tpu.vector_store_idx %arg14[%broadcast_in_dim3A_241, %add3A_250], %gather3A_247 : memref<64x128xf32, #tpu.memory_space<vmem>>[vector<16xi32>, vector<16xi32>], vector<16xf32>,
          %abs3A = math.absf %gather3A_247 : vector<16xf32>
          %add3A_251 = arith.addf %broadcast_in_dim3A_243, %abs3A : vector<16xf32>
          %add3A_252 = arith.constant 16 : i32
          %add3A_253 = vector.broadcast %add3A_252 : i32 to vector<16xi32>
          %add3A_254 = arith.addi %add3A_253, %iota3A : vector<16xi32>
          %gather3A_255 = tpu.vector_load_idx %arg10[%add3A_254, %broadcast_in_dim3A_237] : memref<64x128xf32, #tpu.memory_space<vmem>>[vector<16xi32>, vector<16xi32>], vector<16xf32>,
          %add3A_256 = arith.constant 16 : i32
          %add3A_257 = vector.broadcast %add3A_256 : i32 to vector<16xi32>
          %add3A_258 = arith.addi %add3A_257, %iota3A : vector<16xi32>
          tpu.vector_store_idx %arg14[%broadcast_in_dim3A_241, %add3A_258], %gather3A_255 : memref<64x128xf32, #tpu.memory_space<vmem>>[vector<16xi32>, vector<16xi32>], vector<16xf32>,
          %abs3A_259 = math.absf %gather3A_255 : vector<16xf32>
          %add3A_260 = arith.addf %add3A_251, %abs3A_259 : vector<16xf32>
          %add3A_261 = arith.constant 32 : i32
          %add3A_262 = vector.broadcast %add3A_261 : i32 to vector<16xi32>
          %add3A_263 = arith.addi %add3A_262, %iota3A : vector<16xi32>
          %gather3A_264 = tpu.vector_load_idx %arg10[%add3A_263, %broadcast_in_dim3A_237] : memref<64x128xf32, #tpu.memory_space<vmem>>[vector<16xi32>, vector<16xi32>], vector<16xf32>,
          %add3A_265 = arith.constant 32 : i32
          %add3A_266 = vector.broadcast %add3A_265 : i32 to vector<16xi32>
          %add3A_267 = arith.addi %add3A_266, %iota3A : vector<16xi32>
          tpu.vector_store_idx %arg14[%broadcast_in_dim3A_241, %add3A_267], %gather3A_264 : memref<64x128xf32, #tpu.memory_space<vmem>>[vector<16xi32>, vector<16xi32>], vector<16xf32>,
          %abs3A_268 = math.absf %gather3A_264 : vector<16xf32>
          %add3A_269 = arith.addf %add3A_260, %abs3A_268 : vector<16xf32>
          %add3A_270 = arith.constant 48 : i32
          %add3A_271 = vector.broadcast %add3A_270 : i32 to vector<16xi32>
          %add3A_272 = arith.addi %add3A_271, %iota3A : vector<16xi32>
          %gather3A_273 = tpu.vector_load_idx %arg10[%add3A_272, %broadcast_in_dim3A_237] : memref<64x128xf32, #tpu.memory_space<vmem>>[vector<16xi32>, vector<16xi32>], vector<16xf32>,
          %add3A_274 = arith.constant 48 : i32
          %add3A_275 = vector.broadcast %add3A_274 : i32 to vector<16xi32>
          %add3A_276 = arith.addi %add3A_275, %iota3A : vector<16xi32>
          tpu.vector_store_idx %arg14[%broadcast_in_dim3A_241, %add3A_276], %gather3A_273 : memref<64x128xf32, #tpu.memory_space<vmem>>[vector<16xi32>, vector<16xi32>], vector<16xf32>,
          %abs3A_277 = math.absf %gather3A_273 : vector<16xf32>
          %add3A_278 = arith.addf %add3A_269, %abs3A_277 : vector<16xf32>
          %reduce_sum3A = arith.constant true
          %reduce_sum3A_279 = vector.broadcast %reduce_sum3A : i1 to vector<16xi1>
          %reduce_sum3A_280 = tpu.scan <sum>, %add3A_278 masked %reduce_sum3A_279 : vector<16xf32>, vector<16xi1> -> vector<16xf32>
          %reduce_sum3A_281 = vector.extract %reduce_sum3A_280[15] : f32 from vector<16xf32>
          %mul3A_282 = arith.mulf %reduce_sum3A_281, %scan3A_116 : f32
          %eq3A_283 = arith.constant 0 : i32
          %eq3A_284 = vector.broadcast %eq3A_283 : i32 to vector<16xi32>
          %eq3A_285 = arith.cmpi eq, %iota3A, %eq3A_284 : vector<16xi32>
          %broadcast_in_dim3A_286 = arith.constant 64 : i32
          %broadcast_in_dim3A_287 = vector.broadcast %broadcast_in_dim3A_286 : i32 to vector<16xi32>
          %broadcast_in_dim3A_288 = vector.broadcast %mul3A_282 : f32 to vector<16xf32>
          tpu.vector_store_idx %arg14[%broadcast_in_dim3A_241, %broadcast_in_dim3A_287], %broadcast_in_dim3A_288 masked %eq3A_285 : memref<64x128xf32, #tpu.memory_space<vmem>>[vector<16xi32>, vector<16xi32>], vector<16xf32>, vector<16xi1>
          %broadcast_in_dim3A_289 = vector.broadcast %squeeze3A_236 : i32 to vector<16xi32>
          tpu.vector_store_idx %arg15[%broadcast_in_dim3A_241], %broadcast_in_dim3A_289 masked %eq3A_285 : memref<64xi32, #tpu.memory_space<vmem>>[vector<16xi32>], vector<16xi32>, vector<16xi1>
          %add3A_290 = arith.constant 1 : i32
          %add3A_291 = arith.addi %get3A_240, %add3A_290 : i32
          %swap3A_292 = arith.constant 1020 : i32
          %swap3A_293 = arith.index_cast %swap3A_292 : i32 to index
          %swap3A_294 = memref.load %arg16[%swap3A_293] : memref<1024xi32, #tpu.memory_space<smem>>
          memref.store %add3A_291, %arg16[%swap3A_293] : memref<1024xi32, #tpu.memory_space<smem>>
          %add3A_295 = arith.constant 1 : i32
          %add3A_296 = arith.addi %get3A_240, %add3A_295 : i32
          %eq3A_297 = arith.constant 64 : i32
          %eq3A_298 = arith.cmpi eq, %add3A_296, %eq3A_297 : i32
          %convert_element_type3A_299 = arith.extui %eq3A_298 : i1 to i32
          %cond3A_300 = arith.constant 0 : i32
          %cond3A_301 = arith.cmpi ne, %convert_element_type3A_299, %cond3A_300 : i32
          scf.if %cond3A_301 {
            %dma_start3A_302 = arith.constant 0 : i32
            %dma_start3A_303 = arith.constant 0 : i32
            %dma_start3A_304 = tpu.memref_slice %arg4[%dma_start3A_302, %dma_start3A_303] : memref<16448x128xf32, #tpu.memory_space<hbm>> -> memref<16448x128xf32, #tpu.memory_space<hbm>>
            tpu.enqueue_indirect_dma source(%arg14 : memref<64x128xf32, #tpu.memory_space<vmem>>) target(%dma_start3A_304 : memref<16448x128xf32, #tpu.memory_space<hbm>>) offsets(%arg15 : memref<64xi32, #tpu.memory_space<vmem>>) semaphore(%arg21 : memref<!tpu.dma_semaphore, #tpu.memory_space<semaphore_mem>>)
            %dma_wait3A_305 = arith.constant 0 : i32
            %dma_wait3A_306 = arith.constant 0 : i32
            %dma_wait3A_307 = tpu.memref_slice %arg4[%dma_wait3A_305, %dma_wait3A_306] : memref<16448x128xf32, #tpu.memory_space<hbm>> -> memref<16448x128xf32, #tpu.memory_space<hbm>>
            tpu.wait_indirect_dma semaphore(%arg21 : memref<!tpu.dma_semaphore, #tpu.memory_space<semaphore_mem>>) src(%arg14 : memref<64x128xf32, #tpu.memory_space<vmem>>) dst(%dma_wait3A_307 : memref<16448x128xf32, #tpu.memory_space<hbm>>)
            %add3A_308 = arith.constant 16384 : i32
            %add3A_309 = vector.broadcast %add3A_308 : i32 to vector<16xi32>
            %add3A_310 = arith.addi %add3A_309, %iota3A : vector<16xi32>
            %swap3A_311 = arith.constant 0 : index
            %swap3A_312 = tpu.vector_load %arg15[%swap3A_311] {strides = array<i32>} : memref<64xi32, #tpu.memory_space<vmem>>, vector<16xi32>,
            tpu.vector_store %arg15[%swap3A_311], %add3A_310 {strides = array<i32>} : memref<64xi32, #tpu.memory_space<vmem>>, vector<16xi32>,
            %add3A_313 = arith.constant 16400 : i32
            %add3A_314 = vector.broadcast %add3A_313 : i32 to vector<16xi32>
            %add3A_315 = arith.addi %add3A_314, %iota3A : vector<16xi32>
            %swap3A_316 = arith.constant 16 : index
            %swap3A_317 = tpu.vector_load %arg15[%swap3A_316] {strides = array<i32>} : memref<64xi32, #tpu.memory_space<vmem>>, vector<16xi32>,
            tpu.vector_store %arg15[%swap3A_316], %add3A_315 {strides = array<i32>} : memref<64xi32, #tpu.memory_space<vmem>>, vector<16xi32>,
            %add3A_318 = arith.constant 16416 : i32
            %add3A_319 = vector.broadcast %add3A_318 : i32 to vector<16xi32>
            %add3A_320 = arith.addi %add3A_319, %iota3A : vector<16xi32>
            %swap3A_321 = arith.constant 32 : index
            %swap3A_322 = tpu.vector_load %arg15[%swap3A_321] {strides = array<i32>} : memref<64xi32, #tpu.memory_space<vmem>>, vector<16xi32>,
            tpu.vector_store %arg15[%swap3A_321], %add3A_320 {strides = array<i32>} : memref<64xi32, #tpu.memory_space<vmem>>, vector<16xi32>,
            %add3A_323 = arith.constant 16432 : i32
            %add3A_324 = vector.broadcast %add3A_323 : i32 to vector<16xi32>
            %add3A_325 = arith.addi %add3A_324, %iota3A : vector<16xi32>
            %swap3A_326 = arith.constant 48 : index
            %swap3A_327 = tpu.vector_load %arg15[%swap3A_326] {strides = array<i32>} : memref<64xi32, #tpu.memory_space<vmem>>, vector<16xi32>,
            tpu.vector_store %arg15[%swap3A_326], %add3A_325 {strides = array<i32>} : memref<64xi32, #tpu.memory_space<vmem>>, vector<16xi32>,
            %swap3A_328 = arith.constant 0 : i32
            %swap3A_329 = arith.constant 1020 : i32
            %swap3A_330 = arith.index_cast %swap3A_329 : i32 to index
            %swap3A_331 = memref.load %arg16[%swap3A_330] : memref<1024xi32, #tpu.memory_space<smem>>
            memref.store %swap3A_328, %arg16[%swap3A_330] : memref<1024xi32, #tpu.memory_space<smem>>
          } else {
          }
        }
        %add3A_224 = arith.constant 4 : i32
        %add3A_225 = arith.addi %add3A_166, %add3A_224 : i32
        %get3A_226 = arith.constant 1022 : i32
        %get3A_227 = arith.index_cast %get3A_226 : i32 to index
        %get3A_228 = memref.load %arg16[%get3A_227] : memref<1024xi32, #tpu.memory_space<smem>>
        %lt3A_229 = arith.cmpi slt, %add3A_225, %get3A_228 : i32
        %convert_element_type3A_230 = arith.extui %lt3A_229 : i1 to i32
        %cond3A_231 = arith.constant 0 : i32
        %cond3A_232 = arith.cmpi ne, %convert_element_type3A_230, %cond3A_231 : i32
        scf.if %cond3A_232 {
          %add3A_233 = arith.constant 4 : i32
          %add3A_234 = arith.addi %add3A_166, %add3A_233 : i32
          %add3A_235 = arith.constant 768 : i32
          %add3A_236 = arith.addi %add3A_235, %add3A_234 : i32
          %get3A_237 = arith.index_cast %add3A_236 : i32 to index
          %get3A_238 = memref.load %arg16[%get3A_237] : memref<1024xi32, #tpu.memory_space<smem>>
          %add3A_239 = arith.addi %mul3A_3, %get3A_238 : i32
          %mul3A_240 = arith.constant 128 : i32
          %mul3A_241 = arith.muli %add3A_239, %mul3A_240 : i32
          %multiple_of3A_242 = tpu.assume_multiple %mul3A_241, 128 : i32
          %dma_start3A_243 = arith.constant 0 : i32
          %dma_start3A_244 = tpu.memref_slice %arg3[%dma_start3A_243, %multiple_of3A_242] : memref<64x1000000xf32, #tpu.memory_space<hbm>> -> memref<64x128xf32, #tpu.memory_space<hbm>>
          %dma_start3A_245 = arith.constant 0 : i32
          %dma_start3A_246 = tpu.memref_slice %arg3[%dma_start3A_245, %multiple_of3A_242] : memref<64x1000000xf32, #tpu.memory_space<hbm>> -> memref<64x128xf32, #tpu.memory_space<hbm>>
          tpu.enqueue_dma source(%dma_start3A_246 : memref<64x128xf32, #tpu.memory_space<hbm>>) target(%arg10 : memref<64x128xf32, #tpu.memory_space<vmem>>) target_semaphore(%arg18 : memref<!tpu.dma_semaphore, #tpu.memory_space<semaphore_mem>>)
        } else {
        }
      } else {
      }
      %mul3A_174 = arith.constant 4 : i32
      %mul3A_175 = arith.muli %scan3A_153, %mul3A_174 : i32
      %add3A_176 = arith.constant 2 : i32
      %add3A_177 = arith.addi %mul3A_175, %add3A_176 : i32
      %get3A_178 = arith.constant 1022 : i32
      %get3A_179 = arith.index_cast %get3A_178 : i32 to index
      %get3A_180 = memref.load %arg16[%get3A_179] : memref<1024xi32, #tpu.memory_space<smem>>
      %lt3A_181 = arith.cmpi slt, %add3A_177, %get3A_180 : i32
      %convert_element_type3A_182 = arith.extui %lt3A_181 : i1 to i32
      %cond3A_183 = arith.constant 0 : i32
      %cond3A_184 = arith.cmpi ne, %convert_element_type3A_182, %cond3A_183 : i32
      scf.if %cond3A_184 {
        %dma_wait3A_196 = arith.constant 0 : i32
        %dma_wait3A_197 = arith.constant 0 : i32
        %dma_wait3A_198 = tpu.memref_slice %arg3[%dma_wait3A_196, %dma_wait3A_197] : memref<64x1000000xf32, #tpu.memory_space<hbm>> -> memref<64x128xf32, #tpu.memory_space<hbm>>
        %dma_wait3A_199 = arith.constant 0 : i32
        %dma_wait3A_200 = arith.constant 0 : i32
        %dma_wait3A_201 = tpu.memref_slice %arg3[%dma_wait3A_199, %dma_wait3A_200] : memref<64x1000000xf32, #tpu.memory_space<hbm>> -> memref<64x128xf32, #tpu.memory_space<hbm>>
        tpu.wait_dma2 semaphore(%arg19 : memref<!tpu.dma_semaphore, #tpu.memory_space<semaphore_mem>>) src(%dma_wait3A_201 : memref<64x128xf32, #tpu.memory_space<hbm>>) dst(%arg11 : memref<64x128xf32, #tpu.memory_space<vmem>>)
        %add3A_202 = arith.constant 768 : i32
        %add3A_203 = arith.addi %add3A_202, %add3A_177 : i32
        %get3A_204 = arith.index_cast %add3A_203 : i32 to index
        %get3A_205 = memref.load %arg16[%get3A_204] : memref<1024xi32, #tpu.memory_space<smem>>
        %add3A_206 = arith.constant 256 : i32
        %add3A_207 = arith.addi %add3A_206, %get3A_205 : i32
        %get3A_208 = arith.index_cast %add3A_207 : i32 to index
        %get3A_209 = memref.load %arg16[%get3A_208] : memref<1024xi32, #tpu.memory_space<smem>>
        %add3A_210 = arith.constant 0 : i32
        %add3A_211 = arith.addi %add3A_210, %get3A_205 : i32
        %get3A_212 = arith.index_cast %add3A_211 : i32 to index
        %get3A_213 = memref.load %arg16[%get3A_212] : memref<1024xi32, #tpu.memory_space<smem>>
        %add3A_214 = arith.addi %get3A_209, %get3A_213 : i32
        %while3A_215 = arith.constant 0 : i32
        %while3A_216 = arith.subi %add3A_214, %get3A_209 : i32
        %while3A_217 = arith.addi %get3A_209, %while3A_216 : i32
        %while3A_218 = arith.constant 1 : i32
        %while3A_219 = arith.divsi %while3A_216, %while3A_218 : i32
        %while3A_220 = arith.muli %while3A_219, %while3A_218 : i32
        %while3A_221 = arith.addi %get3A_209, %while3A_220 : i32
        %while3A_222 = arith.constant 1 : i32
        scf.for %while3A_233 = %get3A_209 to %while3A_221 step %while3A_222  : i32 {
          %broadcast_in_dim3A = vector.broadcast %while3A_233 : i32 to vector<16xi32>
          %gather3A = tpu.vector_load_idx %arg5[%broadcast_in_dim3A] : memref<16400xi32, #tpu.memory_space<vmem>>[vector<16xi32>], vector<16xi32>,
          %slice3A = vector.extract_strided_slice %gather3A {offsets = [0], sizes = [1], strides = [1]} : vector<16xi32> to vector<1xi32>
          %squeeze3A = vector.extract %slice3A[0] : i32 from vector<1xi32>
          %gather3A_234 = tpu.vector_load_idx %arg8[%broadcast_in_dim3A] : memref<16400xi32, #tpu.memory_space<vmem>>[vector<16xi32>], vector<16xi32>,
          %slice3A_235 = vector.extract_strided_slice %gather3A_234 {offsets = [0], sizes = [1], strides = [1]} : vector<16xi32> to vector<1xi32>
          %squeeze3A_236 = vector.extract %slice3A_235[0] : i32 from vector<1xi32>
          %broadcast_in_dim3A_237 = vector.broadcast %squeeze3A : i32 to vector<16xi32>
          %get3A_238 = arith.constant 1020 : i32
          %get3A_239 = arith.index_cast %get3A_238 : i32 to index
          %get3A_240 = memref.load %arg16[%get3A_239] : memref<1024xi32, #tpu.memory_space<smem>>
          %broadcast_in_dim3A_241 = vector.broadcast %get3A_240 : i32 to vector<16xi32>
          %broadcast_in_dim3A_242 = arith.constant 0.000000e+00 : f32
          %broadcast_in_dim3A_243 = vector.broadcast %broadcast_in_dim3A_242 : f32 to vector<16xf32>
          %add3A_244 = arith.constant 0 : i32
          %add3A_245 = vector.broadcast %add3A_244 : i32 to vector<16xi32>
          %add3A_246 = arith.addi %add3A_245, %iota3A : vector<16xi32>
          %gather3A_247 = tpu.vector_load_idx %arg11[%add3A_246, %broadcast_in_dim3A_237] : memref<64x128xf32, #tpu.memory_space<vmem>>[vector<16xi32>, vector<16xi32>], vector<16xf32>,
          %add3A_248 = arith.constant 0 : i32
          %add3A_249 = vector.broadcast %add3A_248 : i32 to vector<16xi32>
          %add3A_250 = arith.addi %add3A_249, %iota3A : vector<16xi32>
          tpu.vector_store_idx %arg14[%broadcast_in_dim3A_241, %add3A_250], %gather3A_247 : memref<64x128xf32, #tpu.memory_space<vmem>>[vector<16xi32>, vector<16xi32>], vector<16xf32>,
          %abs3A = math.absf %gather3A_247 : vector<16xf32>
          %add3A_251 = arith.addf %broadcast_in_dim3A_243, %abs3A : vector<16xf32>
          %add3A_252 = arith.constant 16 : i32
          %add3A_253 = vector.broadcast %add3A_252 : i32 to vector<16xi32>
          %add3A_254 = arith.addi %add3A_253, %iota3A : vector<16xi32>
          %gather3A_255 = tpu.vector_load_idx %arg11[%add3A_254, %broadcast_in_dim3A_237] : memref<64x128xf32, #tpu.memory_space<vmem>>[vector<16xi32>, vector<16xi32>], vector<16xf32>,
          %add3A_256 = arith.constant 16 : i32
          %add3A_257 = vector.broadcast %add3A_256 : i32 to vector<16xi32>
          %add3A_258 = arith.addi %add3A_257, %iota3A : vector<16xi32>
          tpu.vector_store_idx %arg14[%broadcast_in_dim3A_241, %add3A_258], %gather3A_255 : memref<64x128xf32, #tpu.memory_space<vmem>>[vector<16xi32>, vector<16xi32>], vector<16xf32>,
          %abs3A_259 = math.absf %gather3A_255 : vector<16xf32>
          %add3A_260 = arith.addf %add3A_251, %abs3A_259 : vector<16xf32>
          %add3A_261 = arith.constant 32 : i32
          %add3A_262 = vector.broadcast %add3A_261 : i32 to vector<16xi32>
          %add3A_263 = arith.addi %add3A_262, %iota3A : vector<16xi32>
          %gather3A_264 = tpu.vector_load_idx %arg11[%add3A_263, %broadcast_in_dim3A_237] : memref<64x128xf32, #tpu.memory_space<vmem>>[vector<16xi32>, vector<16xi32>], vector<16xf32>,
          %add3A_265 = arith.constant 32 : i32
          %add3A_266 = vector.broadcast %add3A_265 : i32 to vector<16xi32>
          %add3A_267 = arith.addi %add3A_266, %iota3A : vector<16xi32>
          tpu.vector_store_idx %arg14[%broadcast_in_dim3A_241, %add3A_267], %gather3A_264 : memref<64x128xf32, #tpu.memory_space<vmem>>[vector<16xi32>, vector<16xi32>], vector<16xf32>,
          %abs3A_268 = math.absf %gather3A_264 : vector<16xf32>
          %add3A_269 = arith.addf %add3A_260, %abs3A_268 : vector<16xf32>
          %add3A_270 = arith.constant 48 : i32
          %add3A_271 = vector.broadcast %add3A_270 : i32 to vector<16xi32>
          %add3A_272 = arith.addi %add3A_271, %iota3A : vector<16xi32>
          %gather3A_273 = tpu.vector_load_idx %arg11[%add3A_272, %broadcast_in_dim3A_237] : memref<64x128xf32, #tpu.memory_space<vmem>>[vector<16xi32>, vector<16xi32>], vector<16xf32>,
          %add3A_274 = arith.constant 48 : i32
          %add3A_275 = vector.broadcast %add3A_274 : i32 to vector<16xi32>
          %add3A_276 = arith.addi %add3A_275, %iota3A : vector<16xi32>
          tpu.vector_store_idx %arg14[%broadcast_in_dim3A_241, %add3A_276], %gather3A_273 : memref<64x128xf32, #tpu.memory_space<vmem>>[vector<16xi32>, vector<16xi32>], vector<16xf32>,
          %abs3A_277 = math.absf %gather3A_273 : vector<16xf32>
          %add3A_278 = arith.addf %add3A_269, %abs3A_277 : vector<16xf32>
          %reduce_sum3A = arith.constant true
          %reduce_sum3A_279 = vector.broadcast %reduce_sum3A : i1 to vector<16xi1>
          %reduce_sum3A_280 = tpu.scan <sum>, %add3A_278 masked %reduce_sum3A_279 : vector<16xf32>, vector<16xi1> -> vector<16xf32>
          %reduce_sum3A_281 = vector.extract %reduce_sum3A_280[15] : f32 from vector<16xf32>
          %mul3A_282 = arith.mulf %reduce_sum3A_281, %scan3A_116 : f32
          %eq3A_283 = arith.constant 0 : i32
          %eq3A_284 = vector.broadcast %eq3A_283 : i32 to vector<16xi32>
          %eq3A_285 = arith.cmpi eq, %iota3A, %eq3A_284 : vector<16xi32>
          %broadcast_in_dim3A_286 = arith.constant 64 : i32
          %broadcast_in_dim3A_287 = vector.broadcast %broadcast_in_dim3A_286 : i32 to vector<16xi32>
          %broadcast_in_dim3A_288 = vector.broadcast %mul3A_282 : f32 to vector<16xf32>
          tpu.vector_store_idx %arg14[%broadcast_in_dim3A_241, %broadcast_in_dim3A_287], %broadcast_in_dim3A_288 masked %eq3A_285 : memref<64x128xf32, #tpu.memory_space<vmem>>[vector<16xi32>, vector<16xi32>], vector<16xf32>, vector<16xi1>
          %broadcast_in_dim3A_289 = vector.broadcast %squeeze3A_236 : i32 to vector<16xi32>
          tpu.vector_store_idx %arg15[%broadcast_in_dim3A_241], %broadcast_in_dim3A_289 masked %eq3A_285 : memref<64xi32, #tpu.memory_space<vmem>>[vector<16xi32>], vector<16xi32>, vector<16xi1>
          %add3A_290 = arith.constant 1 : i32
          %add3A_291 = arith.addi %get3A_240, %add3A_290 : i32
          %swap3A_292 = arith.constant 1020 : i32
          %swap3A_293 = arith.index_cast %swap3A_292 : i32 to index
          %swap3A_294 = memref.load %arg16[%swap3A_293] : memref<1024xi32, #tpu.memory_space<smem>>
          memref.store %add3A_291, %arg16[%swap3A_293] : memref<1024xi32, #tpu.memory_space<smem>>
          %add3A_295 = arith.constant 1 : i32
          %add3A_296 = arith.addi %get3A_240, %add3A_295 : i32
          %eq3A_297 = arith.constant 64 : i32
          %eq3A_298 = arith.cmpi eq, %add3A_296, %eq3A_297 : i32
          %convert_element_type3A_299 = arith.extui %eq3A_298 : i1 to i32
          %cond3A_300 = arith.constant 0 : i32
          %cond3A_301 = arith.cmpi ne, %convert_element_type3A_299, %cond3A_300 : i32
          scf.if %cond3A_301 {
            %dma_start3A_302 = arith.constant 0 : i32
            %dma_start3A_303 = arith.constant 0 : i32
            %dma_start3A_304 = tpu.memref_slice %arg4[%dma_start3A_302, %dma_start3A_303] : memref<16448x128xf32, #tpu.memory_space<hbm>> -> memref<16448x128xf32, #tpu.memory_space<hbm>>
            tpu.enqueue_indirect_dma source(%arg14 : memref<64x128xf32, #tpu.memory_space<vmem>>) target(%dma_start3A_304 : memref<16448x128xf32, #tpu.memory_space<hbm>>) offsets(%arg15 : memref<64xi32, #tpu.memory_space<vmem>>) semaphore(%arg21 : memref<!tpu.dma_semaphore, #tpu.memory_space<semaphore_mem>>)
            %dma_wait3A_305 = arith.constant 0 : i32
            %dma_wait3A_306 = arith.constant 0 : i32
            %dma_wait3A_307 = tpu.memref_slice %arg4[%dma_wait3A_305, %dma_wait3A_306] : memref<16448x128xf32, #tpu.memory_space<hbm>> -> memref<16448x128xf32, #tpu.memory_space<hbm>>
            tpu.wait_indirect_dma semaphore(%arg21 : memref<!tpu.dma_semaphore, #tpu.memory_space<semaphore_mem>>) src(%arg14 : memref<64x128xf32, #tpu.memory_space<vmem>>) dst(%dma_wait3A_307 : memref<16448x128xf32, #tpu.memory_space<hbm>>)
            %add3A_308 = arith.constant 16384 : i32
            %add3A_309 = vector.broadcast %add3A_308 : i32 to vector<16xi32>
            %add3A_310 = arith.addi %add3A_309, %iota3A : vector<16xi32>
            %swap3A_311 = arith.constant 0 : index
            %swap3A_312 = tpu.vector_load %arg15[%swap3A_311] {strides = array<i32>} : memref<64xi32, #tpu.memory_space<vmem>>, vector<16xi32>,
            tpu.vector_store %arg15[%swap3A_311], %add3A_310 {strides = array<i32>} : memref<64xi32, #tpu.memory_space<vmem>>, vector<16xi32>,
            %add3A_313 = arith.constant 16400 : i32
            %add3A_314 = vector.broadcast %add3A_313 : i32 to vector<16xi32>
            %add3A_315 = arith.addi %add3A_314, %iota3A : vector<16xi32>
            %swap3A_316 = arith.constant 16 : index
            %swap3A_317 = tpu.vector_load %arg15[%swap3A_316] {strides = array<i32>} : memref<64xi32, #tpu.memory_space<vmem>>, vector<16xi32>,
            tpu.vector_store %arg15[%swap3A_316], %add3A_315 {strides = array<i32>} : memref<64xi32, #tpu.memory_space<vmem>>, vector<16xi32>,
            %add3A_318 = arith.constant 16416 : i32
            %add3A_319 = vector.broadcast %add3A_318 : i32 to vector<16xi32>
            %add3A_320 = arith.addi %add3A_319, %iota3A : vector<16xi32>
            %swap3A_321 = arith.constant 32 : index
            %swap3A_322 = tpu.vector_load %arg15[%swap3A_321] {strides = array<i32>} : memref<64xi32, #tpu.memory_space<vmem>>, vector<16xi32>,
            tpu.vector_store %arg15[%swap3A_321], %add3A_320 {strides = array<i32>} : memref<64xi32, #tpu.memory_space<vmem>>, vector<16xi32>,
            %add3A_323 = arith.constant 16432 : i32
            %add3A_324 = vector.broadcast %add3A_323 : i32 to vector<16xi32>
            %add3A_325 = arith.addi %add3A_324, %iota3A : vector<16xi32>
            %swap3A_326 = arith.constant 48 : index
            %swap3A_327 = tpu.vector_load %arg15[%swap3A_326] {strides = array<i32>} : memref<64xi32, #tpu.memory_space<vmem>>, vector<16xi32>,
            tpu.vector_store %arg15[%swap3A_326], %add3A_325 {strides = array<i32>} : memref<64xi32, #tpu.memory_space<vmem>>, vector<16xi32>,
            %swap3A_328 = arith.constant 0 : i32
            %swap3A_329 = arith.constant 1020 : i32
            %swap3A_330 = arith.index_cast %swap3A_329 : i32 to index
            %swap3A_331 = memref.load %arg16[%swap3A_330] : memref<1024xi32, #tpu.memory_space<smem>>
            memref.store %swap3A_328, %arg16[%swap3A_330] : memref<1024xi32, #tpu.memory_space<smem>>
          } else {
          }
        }
        %while3A_223 = arith.constant 1 : i32
        scf.for %while3A_233 = %while3A_221 to %while3A_217 step %while3A_223  : i32 {
          %broadcast_in_dim3A = vector.broadcast %while3A_233 : i32 to vector<16xi32>
          %gather3A = tpu.vector_load_idx %arg5[%broadcast_in_dim3A] : memref<16400xi32, #tpu.memory_space<vmem>>[vector<16xi32>], vector<16xi32>,
          %slice3A = vector.extract_strided_slice %gather3A {offsets = [0], sizes = [1], strides = [1]} : vector<16xi32> to vector<1xi32>
          %squeeze3A = vector.extract %slice3A[0] : i32 from vector<1xi32>
          %gather3A_234 = tpu.vector_load_idx %arg8[%broadcast_in_dim3A] : memref<16400xi32, #tpu.memory_space<vmem>>[vector<16xi32>], vector<16xi32>,
          %slice3A_235 = vector.extract_strided_slice %gather3A_234 {offsets = [0], sizes = [1], strides = [1]} : vector<16xi32> to vector<1xi32>
          %squeeze3A_236 = vector.extract %slice3A_235[0] : i32 from vector<1xi32>
          %broadcast_in_dim3A_237 = vector.broadcast %squeeze3A : i32 to vector<16xi32>
          %get3A_238 = arith.constant 1020 : i32
          %get3A_239 = arith.index_cast %get3A_238 : i32 to index
          %get3A_240 = memref.load %arg16[%get3A_239] : memref<1024xi32, #tpu.memory_space<smem>>
          %broadcast_in_dim3A_241 = vector.broadcast %get3A_240 : i32 to vector<16xi32>
          %broadcast_in_dim3A_242 = arith.constant 0.000000e+00 : f32
          %broadcast_in_dim3A_243 = vector.broadcast %broadcast_in_dim3A_242 : f32 to vector<16xf32>
          %add3A_244 = arith.constant 0 : i32
          %add3A_245 = vector.broadcast %add3A_244 : i32 to vector<16xi32>
          %add3A_246 = arith.addi %add3A_245, %iota3A : vector<16xi32>
          %gather3A_247 = tpu.vector_load_idx %arg11[%add3A_246, %broadcast_in_dim3A_237] : memref<64x128xf32, #tpu.memory_space<vmem>>[vector<16xi32>, vector<16xi32>], vector<16xf32>,
          %add3A_248 = arith.constant 0 : i32
          %add3A_249 = vector.broadcast %add3A_248 : i32 to vector<16xi32>
          %add3A_250 = arith.addi %add3A_249, %iota3A : vector<16xi32>
          tpu.vector_store_idx %arg14[%broadcast_in_dim3A_241, %add3A_250], %gather3A_247 : memref<64x128xf32, #tpu.memory_space<vmem>>[vector<16xi32>, vector<16xi32>], vector<16xf32>,
          %abs3A = math.absf %gather3A_247 : vector<16xf32>
          %add3A_251 = arith.addf %broadcast_in_dim3A_243, %abs3A : vector<16xf32>
          %add3A_252 = arith.constant 16 : i32
          %add3A_253 = vector.broadcast %add3A_252 : i32 to vector<16xi32>
          %add3A_254 = arith.addi %add3A_253, %iota3A : vector<16xi32>
          %gather3A_255 = tpu.vector_load_idx %arg11[%add3A_254, %broadcast_in_dim3A_237] : memref<64x128xf32, #tpu.memory_space<vmem>>[vector<16xi32>, vector<16xi32>], vector<16xf32>,
          %add3A_256 = arith.constant 16 : i32
          %add3A_257 = vector.broadcast %add3A_256 : i32 to vector<16xi32>
          %add3A_258 = arith.addi %add3A_257, %iota3A : vector<16xi32>
          tpu.vector_store_idx %arg14[%broadcast_in_dim3A_241, %add3A_258], %gather3A_255 : memref<64x128xf32, #tpu.memory_space<vmem>>[vector<16xi32>, vector<16xi32>], vector<16xf32>,
          %abs3A_259 = math.absf %gather3A_255 : vector<16xf32>
          %add3A_260 = arith.addf %add3A_251, %abs3A_259 : vector<16xf32>
          %add3A_261 = arith.constant 32 : i32
          %add3A_262 = vector.broadcast %add3A_261 : i32 to vector<16xi32>
          %add3A_263 = arith.addi %add3A_262, %iota3A : vector<16xi32>
          %gather3A_264 = tpu.vector_load_idx %arg11[%add3A_263, %broadcast_in_dim3A_237] : memref<64x128xf32, #tpu.memory_space<vmem>>[vector<16xi32>, vector<16xi32>], vector<16xf32>,
          %add3A_265 = arith.constant 32 : i32
          %add3A_266 = vector.broadcast %add3A_265 : i32 to vector<16xi32>
          %add3A_267 = arith.addi %add3A_266, %iota3A : vector<16xi32>
          tpu.vector_store_idx %arg14[%broadcast_in_dim3A_241, %add3A_267], %gather3A_264 : memref<64x128xf32, #tpu.memory_space<vmem>>[vector<16xi32>, vector<16xi32>], vector<16xf32>,
          %abs3A_268 = math.absf %gather3A_264 : vector<16xf32>
          %add3A_269 = arith.addf %add3A_260, %abs3A_268 : vector<16xf32>
          %add3A_270 = arith.constant 48 : i32
          %add3A_271 = vector.broadcast %add3A_270 : i32 to vector<16xi32>
          %add3A_272 = arith.addi %add3A_271, %iota3A : vector<16xi32>
          %gather3A_273 = tpu.vector_load_idx %arg11[%add3A_272, %broadcast_in_dim3A_237] : memref<64x128xf32, #tpu.memory_space<vmem>>[vector<16xi32>, vector<16xi32>], vector<16xf32>,
          %add3A_274 = arith.constant 48 : i32
          %add3A_275 = vector.broadcast %add3A_274 : i32 to vector<16xi32>
          %add3A_276 = arith.addi %add3A_275, %iota3A : vector<16xi32>
          tpu.vector_store_idx %arg14[%broadcast_in_dim3A_241, %add3A_276], %gather3A_273 : memref<64x128xf32, #tpu.memory_space<vmem>>[vector<16xi32>, vector<16xi32>], vector<16xf32>,
          %abs3A_277 = math.absf %gather3A_273 : vector<16xf32>
          %add3A_278 = arith.addf %add3A_269, %abs3A_277 : vector<16xf32>
          %reduce_sum3A = arith.constant true
          %reduce_sum3A_279 = vector.broadcast %reduce_sum3A : i1 to vector<16xi1>
          %reduce_sum3A_280 = tpu.scan <sum>, %add3A_278 masked %reduce_sum3A_279 : vector<16xf32>, vector<16xi1> -> vector<16xf32>
          %reduce_sum3A_281 = vector.extract %reduce_sum3A_280[15] : f32 from vector<16xf32>
          %mul3A_282 = arith.mulf %reduce_sum3A_281, %scan3A_116 : f32
          %eq3A_283 = arith.constant 0 : i32
          %eq3A_284 = vector.broadcast %eq3A_283 : i32 to vector<16xi32>
          %eq3A_285 = arith.cmpi eq, %iota3A, %eq3A_284 : vector<16xi32>
          %broadcast_in_dim3A_286 = arith.constant 64 : i32
          %broadcast_in_dim3A_287 = vector.broadcast %broadcast_in_dim3A_286 : i32 to vector<16xi32>
          %broadcast_in_dim3A_288 = vector.broadcast %mul3A_282 : f32 to vector<16xf32>
          tpu.vector_store_idx %arg14[%broadcast_in_dim3A_241, %broadcast_in_dim3A_287], %broadcast_in_dim3A_288 masked %eq3A_285 : memref<64x128xf32, #tpu.memory_space<vmem>>[vector<16xi32>, vector<16xi32>], vector<16xf32>, vector<16xi1>
          %broadcast_in_dim3A_289 = vector.broadcast %squeeze3A_236 : i32 to vector<16xi32>
          tpu.vector_store_idx %arg15[%broadcast_in_dim3A_241], %broadcast_in_dim3A_289 masked %eq3A_285 : memref<64xi32, #tpu.memory_space<vmem>>[vector<16xi32>], vector<16xi32>, vector<16xi1>
          %add3A_290 = arith.constant 1 : i32
          %add3A_291 = arith.addi %get3A_240, %add3A_290 : i32
          %swap3A_292 = arith.constant 1020 : i32
          %swap3A_293 = arith.index_cast %swap3A_292 : i32 to index
          %swap3A_294 = memref.load %arg16[%swap3A_293] : memref<1024xi32, #tpu.memory_space<smem>>
          memref.store %add3A_291, %arg16[%swap3A_293] : memref<1024xi32, #tpu.memory_space<smem>>
          %add3A_295 = arith.constant 1 : i32
          %add3A_296 = arith.addi %get3A_240, %add3A_295 : i32
          %eq3A_297 = arith.constant 64 : i32
          %eq3A_298 = arith.cmpi eq, %add3A_296, %eq3A_297 : i32
          %convert_element_type3A_299 = arith.extui %eq3A_298 : i1 to i32
          %cond3A_300 = arith.constant 0 : i32
          %cond3A_301 = arith.cmpi ne, %convert_element_type3A_299, %cond3A_300 : i32
          scf.if %cond3A_301 {
            %dma_start3A_302 = arith.constant 0 : i32
            %dma_start3A_303 = arith.constant 0 : i32
            %dma_start3A_304 = tpu.memref_slice %arg4[%dma_start3A_302, %dma_start3A_303] : memref<16448x128xf32, #tpu.memory_space<hbm>> -> memref<16448x128xf32, #tpu.memory_space<hbm>>
            tpu.enqueue_indirect_dma source(%arg14 : memref<64x128xf32, #tpu.memory_space<vmem>>) target(%dma_start3A_304 : memref<16448x128xf32, #tpu.memory_space<hbm>>) offsets(%arg15 : memref<64xi32, #tpu.memory_space<vmem>>) semaphore(%arg21 : memref<!tpu.dma_semaphore, #tpu.memory_space<semaphore_mem>>)
            %dma_wait3A_305 = arith.constant 0 : i32
            %dma_wait3A_306 = arith.constant 0 : i32
            %dma_wait3A_307 = tpu.memref_slice %arg4[%dma_wait3A_305, %dma_wait3A_306] : memref<16448x128xf32, #tpu.memory_space<hbm>> -> memref<16448x128xf32, #tpu.memory_space<hbm>>
            tpu.wait_indirect_dma semaphore(%arg21 : memref<!tpu.dma_semaphore, #tpu.memory_space<semaphore_mem>>) src(%arg14 : memref<64x128xf32, #tpu.memory_space<vmem>>) dst(%dma_wait3A_307 : memref<16448x128xf32, #tpu.memory_space<hbm>>)
            %add3A_308 = arith.constant 16384 : i32
            %add3A_309 = vector.broadcast %add3A_308 : i32 to vector<16xi32>
            %add3A_310 = arith.addi %add3A_309, %iota3A : vector<16xi32>
            %swap3A_311 = arith.constant 0 : index
            %swap3A_312 = tpu.vector_load %arg15[%swap3A_311] {strides = array<i32>} : memref<64xi32, #tpu.memory_space<vmem>>, vector<16xi32>,
            tpu.vector_store %arg15[%swap3A_311], %add3A_310 {strides = array<i32>} : memref<64xi32, #tpu.memory_space<vmem>>, vector<16xi32>,
            %add3A_313 = arith.constant 16400 : i32
            %add3A_314 = vector.broadcast %add3A_313 : i32 to vector<16xi32>
            %add3A_315 = arith.addi %add3A_314, %iota3A : vector<16xi32>
            %swap3A_316 = arith.constant 16 : index
            %swap3A_317 = tpu.vector_load %arg15[%swap3A_316] {strides = array<i32>} : memref<64xi32, #tpu.memory_space<vmem>>, vector<16xi32>,
            tpu.vector_store %arg15[%swap3A_316], %add3A_315 {strides = array<i32>} : memref<64xi32, #tpu.memory_space<vmem>>, vector<16xi32>,
            %add3A_318 = arith.constant 16416 : i32
            %add3A_319 = vector.broadcast %add3A_318 : i32 to vector<16xi32>
            %add3A_320 = arith.addi %add3A_319, %iota3A : vector<16xi32>
            %swap3A_321 = arith.constant 32 : index
            %swap3A_322 = tpu.vector_load %arg15[%swap3A_321] {strides = array<i32>} : memref<64xi32, #tpu.memory_space<vmem>>, vector<16xi32>,
            tpu.vector_store %arg15[%swap3A_321], %add3A_320 {strides = array<i32>} : memref<64xi32, #tpu.memory_space<vmem>>, vector<16xi32>,
            %add3A_323 = arith.constant 16432 : i32
            %add3A_324 = vector.broadcast %add3A_323 : i32 to vector<16xi32>
            %add3A_325 = arith.addi %add3A_324, %iota3A : vector<16xi32>
            %swap3A_326 = arith.constant 48 : index
            %swap3A_327 = tpu.vector_load %arg15[%swap3A_326] {strides = array<i32>} : memref<64xi32, #tpu.memory_space<vmem>>, vector<16xi32>,
            tpu.vector_store %arg15[%swap3A_326], %add3A_325 {strides = array<i32>} : memref<64xi32, #tpu.memory_space<vmem>>, vector<16xi32>,
            %swap3A_328 = arith.constant 0 : i32
            %swap3A_329 = arith.constant 1020 : i32
            %swap3A_330 = arith.index_cast %swap3A_329 : i32 to index
            %swap3A_331 = memref.load %arg16[%swap3A_330] : memref<1024xi32, #tpu.memory_space<smem>>
            memref.store %swap3A_328, %arg16[%swap3A_330] : memref<1024xi32, #tpu.memory_space<smem>>
          } else {
          }
        }
        %add3A_224 = arith.constant 4 : i32
        %add3A_225 = arith.addi %add3A_177, %add3A_224 : i32
        %get3A_226 = arith.constant 1022 : i32
        %get3A_227 = arith.index_cast %get3A_226 : i32 to index
        %get3A_228 = memref.load %arg16[%get3A_227] : memref<1024xi32, #tpu.memory_space<smem>>
        %lt3A_229 = arith.cmpi slt, %add3A_225, %get3A_228 : i32
        %convert_element_type3A_230 = arith.extui %lt3A_229 : i1 to i32
        %cond3A_231 = arith.constant 0 : i32
        %cond3A_232 = arith.cmpi ne, %convert_element_type3A_230, %cond3A_231 : i32
        scf.if %cond3A_232 {
          %add3A_233 = arith.constant 4 : i32
          %add3A_234 = arith.addi %add3A_177, %add3A_233 : i32
          %add3A_235 = arith.constant 768 : i32
          %add3A_236 = arith.addi %add3A_235, %add3A_234 : i32
          %get3A_237 = arith.index_cast %add3A_236 : i32 to index
          %get3A_238 = memref.load %arg16[%get3A_237] : memref<1024xi32, #tpu.memory_space<smem>>
          %add3A_239 = arith.addi %mul3A_3, %get3A_238 : i32
          %mul3A_240 = arith.constant 128 : i32
          %mul3A_241 = arith.muli %add3A_239, %mul3A_240 : i32
          %multiple_of3A_242 = tpu.assume_multiple %mul3A_241, 128 : i32
          %dma_start3A_243 = arith.constant 0 : i32
          %dma_start3A_244 = tpu.memref_slice %arg3[%dma_start3A_243, %multiple_of3A_242] : memref<64x1000000xf32, #tpu.memory_space<hbm>> -> memref<64x128xf32, #tpu.memory_space<hbm>>
          %dma_start3A_245 = arith.constant 0 : i32
          %dma_start3A_246 = tpu.memref_slice %arg3[%dma_start3A_245, %multiple_of3A_242] : memref<64x1000000xf32, #tpu.memory_space<hbm>> -> memref<64x128xf32, #tpu.memory_space<hbm>>
          tpu.enqueue_dma source(%dma_start3A_246 : memref<64x128xf32, #tpu.memory_space<hbm>>) target(%arg11 : memref<64x128xf32, #tpu.memory_space<vmem>>) target_semaphore(%arg19 : memref<!tpu.dma_semaphore, #tpu.memory_space<semaphore_mem>>)
        } else {
        }
      } else {
      }
      %mul3A_185 = arith.constant 4 : i32
      %mul3A_186 = arith.muli %scan3A_153, %mul3A_185 : i32
      %add3A_187 = arith.constant 3 : i32
      %add3A_188 = arith.addi %mul3A_186, %add3A_187 : i32
      %get3A_189 = arith.constant 1022 : i32
      %get3A_190 = arith.index_cast %get3A_189 : i32 to index
      %get3A_191 = memref.load %arg16[%get3A_190] : memref<1024xi32, #tpu.memory_space<smem>>
      %lt3A_192 = arith.cmpi slt, %add3A_188, %get3A_191 : i32
      %convert_element_type3A_193 = arith.extui %lt3A_192 : i1 to i32
      %cond3A_194 = arith.constant 0 : i32
      %cond3A_195 = arith.cmpi ne, %convert_element_type3A_193, %cond3A_194 : i32
      scf.if %cond3A_195 {
        %dma_wait3A_196 = arith.constant 0 : i32
        %dma_wait3A_197 = arith.constant 0 : i32
        %dma_wait3A_198 = tpu.memref_slice %arg3[%dma_wait3A_196, %dma_wait3A_197] : memref<64x1000000xf32, #tpu.memory_space<hbm>> -> memref<64x128xf32, #tpu.memory_space<hbm>>
        %dma_wait3A_199 = arith.constant 0 : i32
        %dma_wait3A_200 = arith.constant 0 : i32
        %dma_wait3A_201 = tpu.memref_slice %arg3[%dma_wait3A_199, %dma_wait3A_200] : memref<64x1000000xf32, #tpu.memory_space<hbm>> -> memref<64x128xf32, #tpu.memory_space<hbm>>
        tpu.wait_dma2 semaphore(%arg20 : memref<!tpu.dma_semaphore, #tpu.memory_space<semaphore_mem>>) src(%dma_wait3A_201 : memref<64x128xf32, #tpu.memory_space<hbm>>) dst(%arg12 : memref<64x128xf32, #tpu.memory_space<vmem>>)
        %add3A_202 = arith.constant 768 : i32
        %add3A_203 = arith.addi %add3A_202, %add3A_188 : i32
        %get3A_204 = arith.index_cast %add3A_203 : i32 to index
        %get3A_205 = memref.load %arg16[%get3A_204] : memref<1024xi32, #tpu.memory_space<smem>>
        %add3A_206 = arith.constant 256 : i32
        %add3A_207 = arith.addi %add3A_206, %get3A_205 : i32
        %get3A_208 = arith.index_cast %add3A_207 : i32 to index
        %get3A_209 = memref.load %arg16[%get3A_208] : memref<1024xi32, #tpu.memory_space<smem>>
        %add3A_210 = arith.constant 0 : i32
        %add3A_211 = arith.addi %add3A_210, %get3A_205 : i32
        %get3A_212 = arith.index_cast %add3A_211 : i32 to index
        %get3A_213 = memref.load %arg16[%get3A_212] : memref<1024xi32, #tpu.memory_space<smem>>
        %add3A_214 = arith.addi %get3A_209, %get3A_213 : i32
        %while3A_215 = arith.constant 0 : i32
        %while3A_216 = arith.subi %add3A_214, %get3A_209 : i32
        %while3A_217 = arith.addi %get3A_209, %while3A_216 : i32
        %while3A_218 = arith.constant 1 : i32
        %while3A_219 = arith.divsi %while3A_216, %while3A_218 : i32
        %while3A_220 = arith.muli %while3A_219, %while3A_218 : i32
        %while3A_221 = arith.addi %get3A_209, %while3A_220 : i32
        %while3A_222 = arith.constant 1 : i32
        scf.for %while3A_233 = %get3A_209 to %while3A_221 step %while3A_222  : i32 {
          %broadcast_in_dim3A = vector.broadcast %while3A_233 : i32 to vector<16xi32>
          %gather3A = tpu.vector_load_idx %arg5[%broadcast_in_dim3A] : memref<16400xi32, #tpu.memory_space<vmem>>[vector<16xi32>], vector<16xi32>,
          %slice3A = vector.extract_strided_slice %gather3A {offsets = [0], sizes = [1], strides = [1]} : vector<16xi32> to vector<1xi32>
          %squeeze3A = vector.extract %slice3A[0] : i32 from vector<1xi32>
          %gather3A_234 = tpu.vector_load_idx %arg8[%broadcast_in_dim3A] : memref<16400xi32, #tpu.memory_space<vmem>>[vector<16xi32>], vector<16xi32>,
          %slice3A_235 = vector.extract_strided_slice %gather3A_234 {offsets = [0], sizes = [1], strides = [1]} : vector<16xi32> to vector<1xi32>
          %squeeze3A_236 = vector.extract %slice3A_235[0] : i32 from vector<1xi32>
          %broadcast_in_dim3A_237 = vector.broadcast %squeeze3A : i32 to vector<16xi32>
          %get3A_238 = arith.constant 1020 : i32
          %get3A_239 = arith.index_cast %get3A_238 : i32 to index
          %get3A_240 = memref.load %arg16[%get3A_239] : memref<1024xi32, #tpu.memory_space<smem>>
          %broadcast_in_dim3A_241 = vector.broadcast %get3A_240 : i32 to vector<16xi32>
          %broadcast_in_dim3A_242 = arith.constant 0.000000e+00 : f32
          %broadcast_in_dim3A_243 = vector.broadcast %broadcast_in_dim3A_242 : f32 to vector<16xf32>
          %add3A_244 = arith.constant 0 : i32
          %add3A_245 = vector.broadcast %add3A_244 : i32 to vector<16xi32>
          %add3A_246 = arith.addi %add3A_245, %iota3A : vector<16xi32>
          %gather3A_247 = tpu.vector_load_idx %arg12[%add3A_246, %broadcast_in_dim3A_237] : memref<64x128xf32, #tpu.memory_space<vmem>>[vector<16xi32>, vector<16xi32>], vector<16xf32>,
          %add3A_248 = arith.constant 0 : i32
          %add3A_249 = vector.broadcast %add3A_248 : i32 to vector<16xi32>
          %add3A_250 = arith.addi %add3A_249, %iota3A : vector<16xi32>
          tpu.vector_store_idx %arg14[%broadcast_in_dim3A_241, %add3A_250], %gather3A_247 : memref<64x128xf32, #tpu.memory_space<vmem>>[vector<16xi32>, vector<16xi32>], vector<16xf32>,
          %abs3A = math.absf %gather3A_247 : vector<16xf32>
          %add3A_251 = arith.addf %broadcast_in_dim3A_243, %abs3A : vector<16xf32>
          %add3A_252 = arith.constant 16 : i32
          %add3A_253 = vector.broadcast %add3A_252 : i32 to vector<16xi32>
          %add3A_254 = arith.addi %add3A_253, %iota3A : vector<16xi32>
          %gather3A_255 = tpu.vector_load_idx %arg12[%add3A_254, %broadcast_in_dim3A_237] : memref<64x128xf32, #tpu.memory_space<vmem>>[vector<16xi32>, vector<16xi32>], vector<16xf32>,
          %add3A_256 = arith.constant 16 : i32
          %add3A_257 = vector.broadcast %add3A_256 : i32 to vector<16xi32>
          %add3A_258 = arith.addi %add3A_257, %iota3A : vector<16xi32>
          tpu.vector_store_idx %arg14[%broadcast_in_dim3A_241, %add3A_258], %gather3A_255 : memref<64x128xf32, #tpu.memory_space<vmem>>[vector<16xi32>, vector<16xi32>], vector<16xf32>,
          %abs3A_259 = math.absf %gather3A_255 : vector<16xf32>
          %add3A_260 = arith.addf %add3A_251, %abs3A_259 : vector<16xf32>
          %add3A_261 = arith.constant 32 : i32
          %add3A_262 = vector.broadcast %add3A_261 : i32 to vector<16xi32>
          %add3A_263 = arith.addi %add3A_262, %iota3A : vector<16xi32>
          %gather3A_264 = tpu.vector_load_idx %arg12[%add3A_263, %broadcast_in_dim3A_237] : memref<64x128xf32, #tpu.memory_space<vmem>>[vector<16xi32>, vector<16xi32>], vector<16xf32>,
          %add3A_265 = arith.constant 32 : i32
          %add3A_266 = vector.broadcast %add3A_265 : i32 to vector<16xi32>
          %add3A_267 = arith.addi %add3A_266, %iota3A : vector<16xi32>
          tpu.vector_store_idx %arg14[%broadcast_in_dim3A_241, %add3A_267], %gather3A_264 : memref<64x128xf32, #tpu.memory_space<vmem>>[vector<16xi32>, vector<16xi32>], vector<16xf32>,
          %abs3A_268 = math.absf %gather3A_264 : vector<16xf32>
          %add3A_269 = arith.addf %add3A_260, %abs3A_268 : vector<16xf32>
          %add3A_270 = arith.constant 48 : i32
          %add3A_271 = vector.broadcast %add3A_270 : i32 to vector<16xi32>
          %add3A_272 = arith.addi %add3A_271, %iota3A : vector<16xi32>
          %gather3A_273 = tpu.vector_load_idx %arg12[%add3A_272, %broadcast_in_dim3A_237] : memref<64x128xf32, #tpu.memory_space<vmem>>[vector<16xi32>, vector<16xi32>], vector<16xf32>,
          %add3A_274 = arith.constant 48 : i32
          %add3A_275 = vector.broadcast %add3A_274 : i32 to vector<16xi32>
          %add3A_276 = arith.addi %add3A_275, %iota3A : vector<16xi32>
          tpu.vector_store_idx %arg14[%broadcast_in_dim3A_241, %add3A_276], %gather3A_273 : memref<64x128xf32, #tpu.memory_space<vmem>>[vector<16xi32>, vector<16xi32>], vector<16xf32>,
          %abs3A_277 = math.absf %gather3A_273 : vector<16xf32>
          %add3A_278 = arith.addf %add3A_269, %abs3A_277 : vector<16xf32>
          %reduce_sum3A = arith.constant true
          %reduce_sum3A_279 = vector.broadcast %reduce_sum3A : i1 to vector<16xi1>
          %reduce_sum3A_280 = tpu.scan <sum>, %add3A_278 masked %reduce_sum3A_279 : vector<16xf32>, vector<16xi1> -> vector<16xf32>
          %reduce_sum3A_281 = vector.extract %reduce_sum3A_280[15] : f32 from vector<16xf32>
          %mul3A_282 = arith.mulf %reduce_sum3A_281, %scan3A_116 : f32
          %eq3A_283 = arith.constant 0 : i32
          %eq3A_284 = vector.broadcast %eq3A_283 : i32 to vector<16xi32>
          %eq3A_285 = arith.cmpi eq, %iota3A, %eq3A_284 : vector<16xi32>
          %broadcast_in_dim3A_286 = arith.constant 64 : i32
          %broadcast_in_dim3A_287 = vector.broadcast %broadcast_in_dim3A_286 : i32 to vector<16xi32>
          %broadcast_in_dim3A_288 = vector.broadcast %mul3A_282 : f32 to vector<16xf32>
          tpu.vector_store_idx %arg14[%broadcast_in_dim3A_241, %broadcast_in_dim3A_287], %broadcast_in_dim3A_288 masked %eq3A_285 : memref<64x128xf32, #tpu.memory_space<vmem>>[vector<16xi32>, vector<16xi32>], vector<16xf32>, vector<16xi1>
          %broadcast_in_dim3A_289 = vector.broadcast %squeeze3A_236 : i32 to vector<16xi32>
          tpu.vector_store_idx %arg15[%broadcast_in_dim3A_241], %broadcast_in_dim3A_289 masked %eq3A_285 : memref<64xi32, #tpu.memory_space<vmem>>[vector<16xi32>], vector<16xi32>, vector<16xi1>
          %add3A_290 = arith.constant 1 : i32
          %add3A_291 = arith.addi %get3A_240, %add3A_290 : i32
          %swap3A_292 = arith.constant 1020 : i32
          %swap3A_293 = arith.index_cast %swap3A_292 : i32 to index
          %swap3A_294 = memref.load %arg16[%swap3A_293] : memref<1024xi32, #tpu.memory_space<smem>>
          memref.store %add3A_291, %arg16[%swap3A_293] : memref<1024xi32, #tpu.memory_space<smem>>
          %add3A_295 = arith.constant 1 : i32
          %add3A_296 = arith.addi %get3A_240, %add3A_295 : i32
          %eq3A_297 = arith.constant 64 : i32
          %eq3A_298 = arith.cmpi eq, %add3A_296, %eq3A_297 : i32
          %convert_element_type3A_299 = arith.extui %eq3A_298 : i1 to i32
          %cond3A_300 = arith.constant 0 : i32
          %cond3A_301 = arith.cmpi ne, %convert_element_type3A_299, %cond3A_300 : i32
          scf.if %cond3A_301 {
            %dma_start3A_302 = arith.constant 0 : i32
            %dma_start3A_303 = arith.constant 0 : i32
            %dma_start3A_304 = tpu.memref_slice %arg4[%dma_start3A_302, %dma_start3A_303] : memref<16448x128xf32, #tpu.memory_space<hbm>> -> memref<16448x128xf32, #tpu.memory_space<hbm>>
            tpu.enqueue_indirect_dma source(%arg14 : memref<64x128xf32, #tpu.memory_space<vmem>>) target(%dma_start3A_304 : memref<16448x128xf32, #tpu.memory_space<hbm>>) offsets(%arg15 : memref<64xi32, #tpu.memory_space<vmem>>) semaphore(%arg21 : memref<!tpu.dma_semaphore, #tpu.memory_space<semaphore_mem>>)
            %dma_wait3A_305 = arith.constant 0 : i32
            %dma_wait3A_306 = arith.constant 0 : i32
            %dma_wait3A_307 = tpu.memref_slice %arg4[%dma_wait3A_305, %dma_wait3A_306] : memref<16448x128xf32, #tpu.memory_space<hbm>> -> memref<16448x128xf32, #tpu.memory_space<hbm>>
            tpu.wait_indirect_dma semaphore(%arg21 : memref<!tpu.dma_semaphore, #tpu.memory_space<semaphore_mem>>) src(%arg14 : memref<64x128xf32, #tpu.memory_space<vmem>>) dst(%dma_wait3A_307 : memref<16448x128xf32, #tpu.memory_space<hbm>>)
            %add3A_308 = arith.constant 16384 : i32
            %add3A_309 = vector.broadcast %add3A_308 : i32 to vector<16xi32>
            %add3A_310 = arith.addi %add3A_309, %iota3A : vector<16xi32>
            %swap3A_311 = arith.constant 0 : index
            %swap3A_312 = tpu.vector_load %arg15[%swap3A_311] {strides = array<i32>} : memref<64xi32, #tpu.memory_space<vmem>>, vector<16xi32>,
            tpu.vector_store %arg15[%swap3A_311], %add3A_310 {strides = array<i32>} : memref<64xi32, #tpu.memory_space<vmem>>, vector<16xi32>,
            %add3A_313 = arith.constant 16400 : i32
            %add3A_314 = vector.broadcast %add3A_313 : i32 to vector<16xi32>
            %add3A_315 = arith.addi %add3A_314, %iota3A : vector<16xi32>
            %swap3A_316 = arith.constant 16 : index
            %swap3A_317 = tpu.vector_load %arg15[%swap3A_316] {strides = array<i32>} : memref<64xi32, #tpu.memory_space<vmem>>, vector<16xi32>,
            tpu.vector_store %arg15[%swap3A_316], %add3A_315 {strides = array<i32>} : memref<64xi32, #tpu.memory_space<vmem>>, vector<16xi32>,
            %add3A_318 = arith.constant 16416 : i32
            %add3A_319 = vector.broadcast %add3A_318 : i32 to vector<16xi32>
            %add3A_320 = arith.addi %add3A_319, %iota3A : vector<16xi32>
            %swap3A_321 = arith.constant 32 : index
            %swap3A_322 = tpu.vector_load %arg15[%swap3A_321] {strides = array<i32>} : memref<64xi32, #tpu.memory_space<vmem>>, vector<16xi32>,
            tpu.vector_store %arg15[%swap3A_321], %add3A_320 {strides = array<i32>} : memref<64xi32, #tpu.memory_space<vmem>>, vector<16xi32>,
            %add3A_323 = arith.constant 16432 : i32
            %add3A_324 = vector.broadcast %add3A_323 : i32 to vector<16xi32>
            %add3A_325 = arith.addi %add3A_324, %iota3A : vector<16xi32>
            %swap3A_326 = arith.constant 48 : index
            %swap3A_327 = tpu.vector_load %arg15[%swap3A_326] {strides = array<i32>} : memref<64xi32, #tpu.memory_space<vmem>>, vector<16xi32>,
            tpu.vector_store %arg15[%swap3A_326], %add3A_325 {strides = array<i32>} : memref<64xi32, #tpu.memory_space<vmem>>, vector<16xi32>,
            %swap3A_328 = arith.constant 0 : i32
            %swap3A_329 = arith.constant 1020 : i32
            %swap3A_330 = arith.index_cast %swap3A_329 : i32 to index
            %swap3A_331 = memref.load %arg16[%swap3A_330] : memref<1024xi32, #tpu.memory_space<smem>>
            memref.store %swap3A_328, %arg16[%swap3A_330] : memref<1024xi32, #tpu.memory_space<smem>>
          } else {
          }
        }
        %while3A_223 = arith.constant 1 : i32
        scf.for %while3A_233 = %while3A_221 to %while3A_217 step %while3A_223  : i32 {
          %broadcast_in_dim3A = vector.broadcast %while3A_233 : i32 to vector<16xi32>
          %gather3A = tpu.vector_load_idx %arg5[%broadcast_in_dim3A] : memref<16400xi32, #tpu.memory_space<vmem>>[vector<16xi32>], vector<16xi32>,
          %slice3A = vector.extract_strided_slice %gather3A {offsets = [0], sizes = [1], strides = [1]} : vector<16xi32> to vector<1xi32>
          %squeeze3A = vector.extract %slice3A[0] : i32 from vector<1xi32>
          %gather3A_234 = tpu.vector_load_idx %arg8[%broadcast_in_dim3A] : memref<16400xi32, #tpu.memory_space<vmem>>[vector<16xi32>], vector<16xi32>,
          %slice3A_235 = vector.extract_strided_slice %gather3A_234 {offsets = [0], sizes = [1], strides = [1]} : vector<16xi32> to vector<1xi32>
          %squeeze3A_236 = vector.extract %slice3A_235[0] : i32 from vector<1xi32>
          %broadcast_in_dim3A_237 = vector.broadcast %squeeze3A : i32 to vector<16xi32>
          %get3A_238 = arith.constant 1020 : i32
          %get3A_239 = arith.index_cast %get3A_238 : i32 to index
          %get3A_240 = memref.load %arg16[%get3A_239] : memref<1024xi32, #tpu.memory_space<smem>>
          %broadcast_in_dim3A_241 = vector.broadcast %get3A_240 : i32 to vector<16xi32>
          %broadcast_in_dim3A_242 = arith.constant 0.000000e+00 : f32
          %broadcast_in_dim3A_243 = vector.broadcast %broadcast_in_dim3A_242 : f32 to vector<16xf32>
          %add3A_244 = arith.constant 0 : i32
          %add3A_245 = vector.broadcast %add3A_244 : i32 to vector<16xi32>
          %add3A_246 = arith.addi %add3A_245, %iota3A : vector<16xi32>
          %gather3A_247 = tpu.vector_load_idx %arg12[%add3A_246, %broadcast_in_dim3A_237] : memref<64x128xf32, #tpu.memory_space<vmem>>[vector<16xi32>, vector<16xi32>], vector<16xf32>,
          %add3A_248 = arith.constant 0 : i32
          %add3A_249 = vector.broadcast %add3A_248 : i32 to vector<16xi32>
          %add3A_250 = arith.addi %add3A_249, %iota3A : vector<16xi32>
          tpu.vector_store_idx %arg14[%broadcast_in_dim3A_241, %add3A_250], %gather3A_247 : memref<64x128xf32, #tpu.memory_space<vmem>>[vector<16xi32>, vector<16xi32>], vector<16xf32>,
          %abs3A = math.absf %gather3A_247 : vector<16xf32>
          %add3A_251 = arith.addf %broadcast_in_dim3A_243, %abs3A : vector<16xf32>
          %add3A_252 = arith.constant 16 : i32
          %add3A_253 = vector.broadcast %add3A_252 : i32 to vector<16xi32>
          %add3A_254 = arith.addi %add3A_253, %iota3A : vector<16xi32>
          %gather3A_255 = tpu.vector_load_idx %arg12[%add3A_254, %broadcast_in_dim3A_237] : memref<64x128xf32, #tpu.memory_space<vmem>>[vector<16xi32>, vector<16xi32>], vector<16xf32>,
          %add3A_256 = arith.constant 16 : i32
          %add3A_257 = vector.broadcast %add3A_256 : i32 to vector<16xi32>
          %add3A_258 = arith.addi %add3A_257, %iota3A : vector<16xi32>
          tpu.vector_store_idx %arg14[%broadcast_in_dim3A_241, %add3A_258], %gather3A_255 : memref<64x128xf32, #tpu.memory_space<vmem>>[vector<16xi32>, vector<16xi32>], vector<16xf32>,
          %abs3A_259 = math.absf %gather3A_255 : vector<16xf32>
          %add3A_260 = arith.addf %add3A_251, %abs3A_259 : vector<16xf32>
          %add3A_261 = arith.constant 32 : i32
          %add3A_262 = vector.broadcast %add3A_261 : i32 to vector<16xi32>
          %add3A_263 = arith.addi %add3A_262, %iota3A : vector<16xi32>
          %gather3A_264 = tpu.vector_load_idx %arg12[%add3A_263, %broadcast_in_dim3A_237] : memref<64x128xf32, #tpu.memory_space<vmem>>[vector<16xi32>, vector<16xi32>], vector<16xf32>,
          %add3A_265 = arith.constant 32 : i32
          %add3A_266 = vector.broadcast %add3A_265 : i32 to vector<16xi32>
          %add3A_267 = arith.addi %add3A_266, %iota3A : vector<16xi32>
          tpu.vector_store_idx %arg14[%broadcast_in_dim3A_241, %add3A_267], %gather3A_264 : memref<64x128xf32, #tpu.memory_space<vmem>>[vector<16xi32>, vector<16xi32>], vector<16xf32>,
          %abs3A_268 = math.absf %gather3A_264 : vector<16xf32>
          %add3A_269 = arith.addf %add3A_260, %abs3A_268 : vector<16xf32>
          %add3A_270 = arith.constant 48 : i32
          %add3A_271 = vector.broadcast %add3A_270 : i32 to vector<16xi32>
          %add3A_272 = arith.addi %add3A_271, %iota3A : vector<16xi32>
          %gather3A_273 = tpu.vector_load_idx %arg12[%add3A_272, %broadcast_in_dim3A_237] : memref<64x128xf32, #tpu.memory_space<vmem>>[vector<16xi32>, vector<16xi32>], vector<16xf32>,
          %add3A_274 = arith.constant 48 : i32
          %add3A_275 = vector.broadcast %add3A_274 : i32 to vector<16xi32>
          %add3A_276 = arith.addi %add3A_275, %iota3A : vector<16xi32>
          tpu.vector_store_idx %arg14[%broadcast_in_dim3A_241, %add3A_276], %gather3A_273 : memref<64x128xf32, #tpu.memory_space<vmem>>[vector<16xi32>, vector<16xi32>], vector<16xf32>,
          %abs3A_277 = math.absf %gather3A_273 : vector<16xf32>
          %add3A_278 = arith.addf %add3A_269, %abs3A_277 : vector<16xf32>
          %reduce_sum3A = arith.constant true
          %reduce_sum3A_279 = vector.broadcast %reduce_sum3A : i1 to vector<16xi1>
          %reduce_sum3A_280 = tpu.scan <sum>, %add3A_278 masked %reduce_sum3A_279 : vector<16xf32>, vector<16xi1> -> vector<16xf32>
          %reduce_sum3A_281 = vector.extract %reduce_sum3A_280[15] : f32 from vector<16xf32>
          %mul3A_282 = arith.mulf %reduce_sum3A_281, %scan3A_116 : f32
          %eq3A_283 = arith.constant 0 : i32
          %eq3A_284 = vector.broadcast %eq3A_283 : i32 to vector<16xi32>
          %eq3A_285 = arith.cmpi eq, %iota3A, %eq3A_284 : vector<16xi32>
          %broadcast_in_dim3A_286 = arith.constant 64 : i32
          %broadcast_in_dim3A_287 = vector.broadcast %broadcast_in_dim3A_286 : i32 to vector<16xi32>
          %broadcast_in_dim3A_288 = vector.broadcast %mul3A_282 : f32 to vector<16xf32>
          tpu.vector_store_idx %arg14[%broadcast_in_dim3A_241, %broadcast_in_dim3A_287], %broadcast_in_dim3A_288 masked %eq3A_285 : memref<64x128xf32, #tpu.memory_space<vmem>>[vector<16xi32>, vector<16xi32>], vector<16xf32>, vector<16xi1>
          %broadcast_in_dim3A_289 = vector.broadcast %squeeze3A_236 : i32 to vector<16xi32>
          tpu.vector_store_idx %arg15[%broadcast_in_dim3A_241], %broadcast_in_dim3A_289 masked %eq3A_285 : memref<64xi32, #tpu.memory_space<vmem>>[vector<16xi32>], vector<16xi32>, vector<16xi1>
          %add3A_290 = arith.constant 1 : i32
          %add3A_291 = arith.addi %get3A_240, %add3A_290 : i32
          %swap3A_292 = arith.constant 1020 : i32
          %swap3A_293 = arith.index_cast %swap3A_292 : i32 to index
          %swap3A_294 = memref.load %arg16[%swap3A_293] : memref<1024xi32, #tpu.memory_space<smem>>
          memref.store %add3A_291, %arg16[%swap3A_293] : memref<1024xi32, #tpu.memory_space<smem>>
          %add3A_295 = arith.constant 1 : i32
          %add3A_296 = arith.addi %get3A_240, %add3A_295 : i32
          %eq3A_297 = arith.constant 64 : i32
          %eq3A_298 = arith.cmpi eq, %add3A_296, %eq3A_297 : i32
          %convert_element_type3A_299 = arith.extui %eq3A_298 : i1 to i32
          %cond3A_300 = arith.constant 0 : i32
          %cond3A_301 = arith.cmpi ne, %convert_element_type3A_299, %cond3A_300 : i32
          scf.if %cond3A_301 {
            %dma_start3A_302 = arith.constant 0 : i32
            %dma_start3A_303 = arith.constant 0 : i32
            %dma_start3A_304 = tpu.memref_slice %arg4[%dma_start3A_302, %dma_start3A_303] : memref<16448x128xf32, #tpu.memory_space<hbm>> -> memref<16448x128xf32, #tpu.memory_space<hbm>>
            tpu.enqueue_indirect_dma source(%arg14 : memref<64x128xf32, #tpu.memory_space<vmem>>) target(%dma_start3A_304 : memref<16448x128xf32, #tpu.memory_space<hbm>>) offsets(%arg15 : memref<64xi32, #tpu.memory_space<vmem>>) semaphore(%arg21 : memref<!tpu.dma_semaphore, #tpu.memory_space<semaphore_mem>>)
            %dma_wait3A_305 = arith.constant 0 : i32
            %dma_wait3A_306 = arith.constant 0 : i32
            %dma_wait3A_307 = tpu.memref_slice %arg4[%dma_wait3A_305, %dma_wait3A_306] : memref<16448x128xf32, #tpu.memory_space<hbm>> -> memref<16448x128xf32, #tpu.memory_space<hbm>>
            tpu.wait_indirect_dma semaphore(%arg21 : memref<!tpu.dma_semaphore, #tpu.memory_space<semaphore_mem>>) src(%arg14 : memref<64x128xf32, #tpu.memory_space<vmem>>) dst(%dma_wait3A_307 : memref<16448x128xf32, #tpu.memory_space<hbm>>)
            %add3A_308 = arith.constant 16384 : i32
            %add3A_309 = vector.broadcast %add3A_308 : i32 to vector<16xi32>
            %add3A_310 = arith.addi %add3A_309, %iota3A : vector<16xi32>
            %swap3A_311 = arith.constant 0 : index
            %swap3A_312 = tpu.vector_load %arg15[%swap3A_311] {strides = array<i32>} : memref<64xi32, #tpu.memory_space<vmem>>, vector<16xi32>,
            tpu.vector_store %arg15[%swap3A_311], %add3A_310 {strides = array<i32>} : memref<64xi32, #tpu.memory_space<vmem>>, vector<16xi32>,
            %add3A_313 = arith.constant 16400 : i32
            %add3A_314 = vector.broadcast %add3A_313 : i32 to vector<16xi32>
            %add3A_315 = arith.addi %add3A_314, %iota3A : vector<16xi32>
            %swap3A_316 = arith.constant 16 : index
            %swap3A_317 = tpu.vector_load %arg15[%swap3A_316] {strides = array<i32>} : memref<64xi32, #tpu.memory_space<vmem>>, vector<16xi32>,
            tpu.vector_store %arg15[%swap3A_316], %add3A_315 {strides = array<i32>} : memref<64xi32, #tpu.memory_space<vmem>>, vector<16xi32>,
            %add3A_318 = arith.constant 16416 : i32
            %add3A_319 = vector.broadcast %add3A_318 : i32 to vector<16xi32>
            %add3A_320 = arith.addi %add3A_319, %iota3A : vector<16xi32>
            %swap3A_321 = arith.constant 32 : index
            %swap3A_322 = tpu.vector_load %arg15[%swap3A_321] {strides = array<i32>} : memref<64xi32, #tpu.memory_space<vmem>>, vector<16xi32>,
            tpu.vector_store %arg15[%swap3A_321], %add3A_320 {strides = array<i32>} : memref<64xi32, #tpu.memory_space<vmem>>, vector<16xi32>,
            %add3A_323 = arith.constant 16432 : i32
            %add3A_324 = vector.broadcast %add3A_323 : i32 to vector<16xi32>
            %add3A_325 = arith.addi %add3A_324, %iota3A : vector<16xi32>
            %swap3A_326 = arith.constant 48 : index
            %swap3A_327 = tpu.vector_load %arg15[%swap3A_326] {strides = array<i32>} : memref<64xi32, #tpu.memory_space<vmem>>, vector<16xi32>,
            tpu.vector_store %arg15[%swap3A_326], %add3A_325 {strides = array<i32>} : memref<64xi32, #tpu.memory_space<vmem>>, vector<16xi32>,
            %swap3A_328 = arith.constant 0 : i32
            %swap3A_329 = arith.constant 1020 : i32
            %swap3A_330 = arith.index_cast %swap3A_329 : i32 to index
            %swap3A_331 = memref.load %arg16[%swap3A_330] : memref<1024xi32, #tpu.memory_space<smem>>
            memref.store %swap3A_328, %arg16[%swap3A_330] : memref<1024xi32, #tpu.memory_space<smem>>
          } else {
          }
        }
        %add3A_224 = arith.constant 4 : i32
        %add3A_225 = arith.addi %add3A_188, %add3A_224 : i32
        %get3A_226 = arith.constant 1022 : i32
        %get3A_227 = arith.index_cast %get3A_226 : i32 to index
        %get3A_228 = memref.load %arg16[%get3A_227] : memref<1024xi32, #tpu.memory_space<smem>>
        %lt3A_229 = arith.cmpi slt, %add3A_225, %get3A_228 : i32
        %convert_element_type3A_230 = arith.extui %lt3A_229 : i1 to i32
        %cond3A_231 = arith.constant 0 : i32
        %cond3A_232 = arith.cmpi ne, %convert_element_type3A_230, %cond3A_231 : i32
        scf.if %cond3A_232 {
          %add3A_233 = arith.constant 4 : i32
          %add3A_234 = arith.addi %add3A_188, %add3A_233 : i32
          %add3A_235 = arith.constant 768 : i32
          %add3A_236 = arith.addi %add3A_235, %add3A_234 : i32
          %get3A_237 = arith.index_cast %add3A_236 : i32 to index
          %get3A_238 = memref.load %arg16[%get3A_237] : memref<1024xi32, #tpu.memory_space<smem>>
          %add3A_239 = arith.addi %mul3A_3, %get3A_238 : i32
          %mul3A_240 = arith.constant 128 : i32
          %mul3A_241 = arith.muli %add3A_239, %mul3A_240 : i32
          %multiple_of3A_242 = tpu.assume_multiple %mul3A_241, 128 : i32
          %dma_start3A_243 = arith.constant 0 : i32
          %dma_start3A_244 = tpu.memref_slice %arg3[%dma_start3A_243, %multiple_of3A_242] : memref<64x1000000xf32, #tpu.memory_space<hbm>> -> memref<64x128xf32, #tpu.memory_space<hbm>>
          %dma_start3A_245 = arith.constant 0 : i32
          %dma_start3A_246 = tpu.memref_slice %arg3[%dma_start3A_245, %multiple_of3A_242] : memref<64x1000000xf32, #tpu.memory_space<hbm>> -> memref<64x128xf32, #tpu.memory_space<hbm>>
          tpu.enqueue_dma source(%dma_start3A_246 : memref<64x128xf32, #tpu.memory_space<hbm>>) target(%arg12 : memref<64x128xf32, #tpu.memory_space<vmem>>) target_semaphore(%arg20 : memref<!tpu.dma_semaphore, #tpu.memory_space<semaphore_mem>>)
        } else {
        }
      } else {
      }
    }
    %scan3A_121 = arith.constant 62 : i32
    %convert_element_type3A = arith.extui %eq3A_1 : i1 to i32
    %cond3A = arith.constant 1.562500e-03 : f32
    %cond3A_122 = arith.constant 0 : i32
    %cond3A_123 = arith.cmpi ne, %convert_element_type3A, %cond3A_122 : i32
    scf.if %cond3A_123 {
      "tpu.region"() ({
        %run_scoped3A = tpu.sem_alloc : memref<!tpu.dma_semaphore, #tpu.memory_space<semaphore_mem>>
        %dma_start3A_168 = arith.constant 0 : i32
        %dma_start3A_169 = arith.constant 999936 : i32
        %dma_start3A_170 = tpu.memref_slice %arg3[%dma_start3A_168, %dma_start3A_169] : memref<64x1000000xf32, #tpu.memory_space<hbm>> -> memref<64x64xf32, #tpu.memory_space<hbm>>
        %dma_start3A_171 = arith.constant 0 : i32
        %dma_start3A_172 = arith.constant 999936 : i32
        %dma_start3A_173 = tpu.memref_slice %arg3[%dma_start3A_171, %dma_start3A_172] : memref<64x1000000xf32, #tpu.memory_space<hbm>> -> memref<64x64xf32, #tpu.memory_space<hbm>>
        tpu.enqueue_dma source(%dma_start3A_173 : memref<64x64xf32, #tpu.memory_space<hbm>>) target(%arg13 : memref<64x64xf32, #tpu.memory_space<vmem>>) target_semaphore(%run_scoped3A : memref<!tpu.dma_semaphore, #tpu.memory_space<semaphore_mem>>)
        %dma_wait3A_174 = arith.constant 0 : i32
        %dma_wait3A_175 = arith.constant 999936 : i32
        %dma_wait3A_176 = tpu.memref_slice %arg3[%dma_wait3A_174, %dma_wait3A_175] : memref<64x1000000xf32, #tpu.memory_space<hbm>> -> memref<64x64xf32, #tpu.memory_space<hbm>>
        %dma_wait3A_177 = arith.constant 0 : i32
        %dma_wait3A_178 = arith.constant 999936 : i32
        %dma_wait3A_179 = tpu.memref_slice %arg3[%dma_wait3A_177, %dma_wait3A_178] : memref<64x1000000xf32, #tpu.memory_space<hbm>> -> memref<64x64xf32, #tpu.memory_space<hbm>>
        tpu.wait_dma2 semaphore(%run_scoped3A : memref<!tpu.dma_semaphore, #tpu.memory_space<semaphore_mem>>) src(%dma_wait3A_179 : memref<64x64xf32, #tpu.memory_space<hbm>>) dst(%arg13 : memref<64x64xf32, #tpu.memory_space<vmem>>)
        tpu.yield
      }) : () -> ()
      %get3A = arith.constant 473 : i32
      %get3A_153 = arith.index_cast %get3A : i32 to index
      %get3A_154 = memref.load %arg16[%get3A_153] : memref<1024xi32, #tpu.memory_space<smem>>
      %get3A_155 = arith.constant 217 : i32
      %get3A_156 = arith.index_cast %get3A_155 : i32 to index
      %get3A_157 = memref.load %arg16[%get3A_156] : memref<1024xi32, #tpu.memory_space<smem>>
      %add3A_158 = arith.addi %get3A_154, %get3A_157 : i32
      %while3A_159 = arith.constant 0 : i32
      %while3A_160 = arith.subi %add3A_158, %get3A_154 : i32
      %while3A_161 = arith.addi %get3A_154, %while3A_160 : i32
      %while3A_162 = arith.constant 1 : i32
      %while3A_163 = arith.divsi %while3A_160, %while3A_162 : i32
      %while3A_164 = arith.muli %while3A_163, %while3A_162 : i32
      %while3A_165 = arith.addi %get3A_154, %while3A_164 : i32
      %while3A_166 = arith.constant 1 : i32
      scf.for %while3A_168 = %get3A_154 to %while3A_165 step %while3A_166  : i32 {
        %broadcast_in_dim3A = vector.broadcast %while3A_168 : i32 to vector<16xi32>
        %gather3A = tpu.vector_load_idx %arg5[%broadcast_in_dim3A] : memref<16400xi32, #tpu.memory_space<vmem>>[vector<16xi32>], vector<16xi32>,
        %slice3A = vector.extract_strided_slice %gather3A {offsets = [0], sizes = [1], strides = [1]} : vector<16xi32> to vector<1xi32>
        %squeeze3A = vector.extract %slice3A[0] : i32 from vector<1xi32>
        %gather3A_169 = tpu.vector_load_idx %arg8[%broadcast_in_dim3A] : memref<16400xi32, #tpu.memory_space<vmem>>[vector<16xi32>], vector<16xi32>,
        %slice3A_170 = vector.extract_strided_slice %gather3A_169 {offsets = [0], sizes = [1], strides = [1]} : vector<16xi32> to vector<1xi32>
        %squeeze3A_171 = vector.extract %slice3A_170[0] : i32 from vector<1xi32>
        %broadcast_in_dim3A_172 = vector.broadcast %squeeze3A : i32 to vector<16xi32>
        %get3A_173 = arith.constant 1020 : i32
        %get3A_174 = arith.index_cast %get3A_173 : i32 to index
        %get3A_175 = memref.load %arg16[%get3A_174] : memref<1024xi32, #tpu.memory_space<smem>>
        %broadcast_in_dim3A_176 = vector.broadcast %get3A_175 : i32 to vector<16xi32>
        %broadcast_in_dim3A_177 = arith.constant 0.000000e+00 : f32
        %broadcast_in_dim3A_178 = vector.broadcast %broadcast_in_dim3A_177 : f32 to vector<16xf32>
        %add3A_179 = arith.constant 0 : i32
        %add3A_180 = vector.broadcast %add3A_179 : i32 to vector<16xi32>
        %add3A_181 = arith.addi %add3A_180, %iota3A : vector<16xi32>
        %gather3A_182 = tpu.vector_load_idx %arg13[%add3A_181, %broadcast_in_dim3A_172] : memref<64x64xf32, #tpu.memory_space<vmem>>[vector<16xi32>, vector<16xi32>], vector<16xf32>,
        %add3A_183 = arith.constant 0 : i32
        %add3A_184 = vector.broadcast %add3A_183 : i32 to vector<16xi32>
        %add3A_185 = arith.addi %add3A_184, %iota3A : vector<16xi32>
        tpu.vector_store_idx %arg14[%broadcast_in_dim3A_176, %add3A_185], %gather3A_182 : memref<64x128xf32, #tpu.memory_space<vmem>>[vector<16xi32>, vector<16xi32>], vector<16xf32>,
        %abs3A = math.absf %gather3A_182 : vector<16xf32>
        %add3A_186 = arith.addf %broadcast_in_dim3A_178, %abs3A : vector<16xf32>
        %add3A_187 = arith.constant 16 : i32
        %add3A_188 = vector.broadcast %add3A_187 : i32 to vector<16xi32>
        %add3A_189 = arith.addi %add3A_188, %iota3A : vector<16xi32>
        %gather3A_190 = tpu.vector_load_idx %arg13[%add3A_189, %broadcast_in_dim3A_172] : memref<64x64xf32, #tpu.memory_space<vmem>>[vector<16xi32>, vector<16xi32>], vector<16xf32>,
        %add3A_191 = arith.constant 16 : i32
        %add3A_192 = vector.broadcast %add3A_191 : i32 to vector<16xi32>
        %add3A_193 = arith.addi %add3A_192, %iota3A : vector<16xi32>
        tpu.vector_store_idx %arg14[%broadcast_in_dim3A_176, %add3A_193], %gather3A_190 : memref<64x128xf32, #tpu.memory_space<vmem>>[vector<16xi32>, vector<16xi32>], vector<16xf32>,
        %abs3A_194 = math.absf %gather3A_190 : vector<16xf32>
        %add3A_195 = arith.addf %add3A_186, %abs3A_194 : vector<16xf32>
        %add3A_196 = arith.constant 32 : i32
        %add3A_197 = vector.broadcast %add3A_196 : i32 to vector<16xi32>
        %add3A_198 = arith.addi %add3A_197, %iota3A : vector<16xi32>
        %gather3A_199 = tpu.vector_load_idx %arg13[%add3A_198, %broadcast_in_dim3A_172] : memref<64x64xf32, #tpu.memory_space<vmem>>[vector<16xi32>, vector<16xi32>], vector<16xf32>,
        %add3A_200 = arith.constant 32 : i32
        %add3A_201 = vector.broadcast %add3A_200 : i32 to vector<16xi32>
        %add3A_202 = arith.addi %add3A_201, %iota3A : vector<16xi32>
        tpu.vector_store_idx %arg14[%broadcast_in_dim3A_176, %add3A_202], %gather3A_199 : memref<64x128xf32, #tpu.memory_space<vmem>>[vector<16xi32>, vector<16xi32>], vector<16xf32>,
        %abs3A_203 = math.absf %gather3A_199 : vector<16xf32>
        %add3A_204 = arith.addf %add3A_195, %abs3A_203 : vector<16xf32>
        %add3A_205 = arith.constant 48 : i32
        %add3A_206 = vector.broadcast %add3A_205 : i32 to vector<16xi32>
        %add3A_207 = arith.addi %add3A_206, %iota3A : vector<16xi32>
        %gather3A_208 = tpu.vector_load_idx %arg13[%add3A_207, %broadcast_in_dim3A_172] : memref<64x64xf32, #tpu.memory_space<vmem>>[vector<16xi32>, vector<16xi32>], vector<16xf32>,
        %add3A_209 = arith.constant 48 : i32
        %add3A_210 = vector.broadcast %add3A_209 : i32 to vector<16xi32>
        %add3A_211 = arith.addi %add3A_210, %iota3A : vector<16xi32>
        tpu.vector_store_idx %arg14[%broadcast_in_dim3A_176, %add3A_211], %gather3A_208 : memref<64x128xf32, #tpu.memory_space<vmem>>[vector<16xi32>, vector<16xi32>], vector<16xf32>,
        %abs3A_212 = math.absf %gather3A_208 : vector<16xf32>
        %add3A_213 = arith.addf %add3A_204, %abs3A_212 : vector<16xf32>
        %reduce_sum3A = arith.constant true
        %reduce_sum3A_214 = vector.broadcast %reduce_sum3A : i1 to vector<16xi1>
        %reduce_sum3A_215 = tpu.scan <sum>, %add3A_213 masked %reduce_sum3A_214 : vector<16xf32>, vector<16xi1> -> vector<16xf32>
        %reduce_sum3A_216 = vector.extract %reduce_sum3A_215[15] : f32 from vector<16xf32>
        %mul3A_217 = arith.mulf %reduce_sum3A_216, %cond3A : f32
        %eq3A_218 = arith.constant 0 : i32
        %eq3A_219 = vector.broadcast %eq3A_218 : i32 to vector<16xi32>
        %eq3A_220 = arith.cmpi eq, %iota3A, %eq3A_219 : vector<16xi32>
        %broadcast_in_dim3A_221 = arith.constant 64 : i32
        %broadcast_in_dim3A_222 = vector.broadcast %broadcast_in_dim3A_221 : i32 to vector<16xi32>
        %broadcast_in_dim3A_223 = vector.broadcast %mul3A_217 : f32 to vector<16xf32>
        tpu.vector_store_idx %arg14[%broadcast_in_dim3A_176, %broadcast_in_dim3A_222], %broadcast_in_dim3A_223 masked %eq3A_220 : memref<64x128xf32, #tpu.memory_space<vmem>>[vector<16xi32>, vector<16xi32>], vector<16xf32>, vector<16xi1>
        %broadcast_in_dim3A_224 = vector.broadcast %squeeze3A_171 : i32 to vector<16xi32>
        tpu.vector_store_idx %arg15[%broadcast_in_dim3A_176], %broadcast_in_dim3A_224 masked %eq3A_220 : memref<64xi32, #tpu.memory_space<vmem>>[vector<16xi32>], vector<16xi32>, vector<16xi1>
        %add3A_225 = arith.constant 1 : i32
        %add3A_226 = arith.addi %get3A_175, %add3A_225 : i32
        %swap3A_227 = arith.constant 1020 : i32
        %swap3A_228 = arith.index_cast %swap3A_227 : i32 to index
        %swap3A_229 = memref.load %arg16[%swap3A_228] : memref<1024xi32, #tpu.memory_space<smem>>
        memref.store %add3A_226, %arg16[%swap3A_228] : memref<1024xi32, #tpu.memory_space<smem>>
        %add3A_230 = arith.constant 1 : i32
        %add3A_231 = arith.addi %get3A_175, %add3A_230 : i32
        %eq3A_232 = arith.constant 64 : i32
        %eq3A_233 = arith.cmpi eq, %add3A_231, %eq3A_232 : i32
        %convert_element_type3A_234 = arith.extui %eq3A_233 : i1 to i32
        %cond3A_235 = arith.constant 0 : i32
        %cond3A_236 = arith.cmpi ne, %convert_element_type3A_234, %cond3A_235 : i32
        scf.if %cond3A_236 {
          %dma_start3A_237 = arith.constant 0 : i32
          %dma_start3A_238 = arith.constant 0 : i32
          %dma_start3A_239 = tpu.memref_slice %arg4[%dma_start3A_237, %dma_start3A_238] : memref<16448x128xf32, #tpu.memory_space<hbm>> -> memref<16448x128xf32, #tpu.memory_space<hbm>>
          tpu.enqueue_indirect_dma source(%arg14 : memref<64x128xf32, #tpu.memory_space<vmem>>) target(%dma_start3A_239 : memref<16448x128xf32, #tpu.memory_space<hbm>>) offsets(%arg15 : memref<64xi32, #tpu.memory_space<vmem>>) semaphore(%arg21 : memref<!tpu.dma_semaphore, #tpu.memory_space<semaphore_mem>>)
          %dma_wait3A_240 = arith.constant 0 : i32
          %dma_wait3A_241 = arith.constant 0 : i32
          %dma_wait3A_242 = tpu.memref_slice %arg4[%dma_wait3A_240, %dma_wait3A_241] : memref<16448x128xf32, #tpu.memory_space<hbm>> -> memref<16448x128xf32, #tpu.memory_space<hbm>>
          tpu.wait_indirect_dma semaphore(%arg21 : memref<!tpu.dma_semaphore, #tpu.memory_space<semaphore_mem>>) src(%arg14 : memref<64x128xf32, #tpu.memory_space<vmem>>) dst(%dma_wait3A_242 : memref<16448x128xf32, #tpu.memory_space<hbm>>)
          %add3A_243 = arith.constant 16384 : i32
          %add3A_244 = vector.broadcast %add3A_243 : i32 to vector<16xi32>
          %add3A_245 = arith.addi %add3A_244, %iota3A : vector<16xi32>
          %swap3A_246 = arith.constant 0 : index
          %swap3A_247 = tpu.vector_load %arg15[%swap3A_246] {strides = array<i32>} : memref<64xi32, #tpu.memory_space<vmem>>, vector<16xi32>,
          tpu.vector_store %arg15[%swap3A_246], %add3A_245 {strides = array<i32>} : memref<64xi32, #tpu.memory_space<vmem>>, vector<16xi32>,
          %add3A_248 = arith.constant 16400 : i32
          %add3A_249 = vector.broadcast %add3A_248 : i32 to vector<16xi32>
          %add3A_250 = arith.addi %add3A_249, %iota3A : vector<16xi32>
          %swap3A_251 = arith.constant 16 : index
          %swap3A_252 = tpu.vector_load %arg15[%swap3A_251] {strides = array<i32>} : memref<64xi32, #tpu.memory_space<vmem>>, vector<16xi32>,
          tpu.vector_store %arg15[%swap3A_251], %add3A_250 {strides = array<i32>} : memref<64xi32, #tpu.memory_space<vmem>>, vector<16xi32>,
          %add3A_253 = arith.constant 16416 : i32
          %add3A_254 = vector.broadcast %add3A_253 : i32 to vector<16xi32>
          %add3A_255 = arith.addi %add3A_254, %iota3A : vector<16xi32>
          %swap3A_256 = arith.constant 32 : index
          %swap3A_257 = tpu.vector_load %arg15[%swap3A_256] {strides = array<i32>} : memref<64xi32, #tpu.memory_space<vmem>>, vector<16xi32>,
          tpu.vector_store %arg15[%swap3A_256], %add3A_255 {strides = array<i32>} : memref<64xi32, #tpu.memory_space<vmem>>, vector<16xi32>,
          %add3A_258 = arith.constant 16432 : i32
          %add3A_259 = vector.broadcast %add3A_258 : i32 to vector<16xi32>
          %add3A_260 = arith.addi %add3A_259, %iota3A : vector<16xi32>
          %swap3A_261 = arith.constant 48 : index
          %swap3A_262 = tpu.vector_load %arg15[%swap3A_261] {strides = array<i32>} : memref<64xi32, #tpu.memory_space<vmem>>, vector<16xi32>,
          tpu.vector_store %arg15[%swap3A_261], %add3A_260 {strides = array<i32>} : memref<64xi32, #tpu.memory_space<vmem>>, vector<16xi32>,
          %swap3A_263 = arith.constant 0 : i32
          %swap3A_264 = arith.constant 1020 : i32
          %swap3A_265 = arith.index_cast %swap3A_264 : i32 to index
          %swap3A_266 = memref.load %arg16[%swap3A_265] : memref<1024xi32, #tpu.memory_space<smem>>
          memref.store %swap3A_263, %arg16[%swap3A_265] : memref<1024xi32, #tpu.memory_space<smem>>
        } else {
        }
      }
      %while3A_167 = arith.constant 1 : i32
      scf.for %while3A_168 = %while3A_165 to %while3A_161 step %while3A_167  : i32 {
        %broadcast_in_dim3A = vector.broadcast %while3A_168 : i32 to vector<16xi32>
        %gather3A = tpu.vector_load_idx %arg5[%broadcast_in_dim3A] : memref<16400xi32, #tpu.memory_space<vmem>>[vector<16xi32>], vector<16xi32>,
        %slice3A = vector.extract_strided_slice %gather3A {offsets = [0], sizes = [1], strides = [1]} : vector<16xi32> to vector<1xi32>
        %squeeze3A = vector.extract %slice3A[0] : i32 from vector<1xi32>
        %gather3A_169 = tpu.vector_load_idx %arg8[%broadcast_in_dim3A] : memref<16400xi32, #tpu.memory_space<vmem>>[vector<16xi32>], vector<16xi32>,
        %slice3A_170 = vector.extract_strided_slice %gather3A_169 {offsets = [0], sizes = [1], strides = [1]} : vector<16xi32> to vector<1xi32>
        %squeeze3A_171 = vector.extract %slice3A_170[0] : i32 from vector<1xi32>
        %broadcast_in_dim3A_172 = vector.broadcast %squeeze3A : i32 to vector<16xi32>
        %get3A_173 = arith.constant 1020 : i32
        %get3A_174 = arith.index_cast %get3A_173 : i32 to index
        %get3A_175 = memref.load %arg16[%get3A_174] : memref<1024xi32, #tpu.memory_space<smem>>
        %broadcast_in_dim3A_176 = vector.broadcast %get3A_175 : i32 to vector<16xi32>
        %broadcast_in_dim3A_177 = arith.constant 0.000000e+00 : f32
        %broadcast_in_dim3A_178 = vector.broadcast %broadcast_in_dim3A_177 : f32 to vector<16xf32>
        %add3A_179 = arith.constant 0 : i32
        %add3A_180 = vector.broadcast %add3A_179 : i32 to vector<16xi32>
        %add3A_181 = arith.addi %add3A_180, %iota3A : vector<16xi32>
        %gather3A_182 = tpu.vector_load_idx %arg13[%add3A_181, %broadcast_in_dim3A_172] : memref<64x64xf32, #tpu.memory_space<vmem>>[vector<16xi32>, vector<16xi32>], vector<16xf32>,
        %add3A_183 = arith.constant 0 : i32
        %add3A_184 = vector.broadcast %add3A_183 : i32 to vector<16xi32>
        %add3A_185 = arith.addi %add3A_184, %iota3A : vector<16xi32>
        tpu.vector_store_idx %arg14[%broadcast_in_dim3A_176, %add3A_185], %gather3A_182 : memref<64x128xf32, #tpu.memory_space<vmem>>[vector<16xi32>, vector<16xi32>], vector<16xf32>,
        %abs3A = math.absf %gather3A_182 : vector<16xf32>
        %add3A_186 = arith.addf %broadcast_in_dim3A_178, %abs3A : vector<16xf32>
        %add3A_187 = arith.constant 16 : i32
        %add3A_188 = vector.broadcast %add3A_187 : i32 to vector<16xi32>
        %add3A_189 = arith.addi %add3A_188, %iota3A : vector<16xi32>
        %gather3A_190 = tpu.vector_load_idx %arg13[%add3A_189, %broadcast_in_dim3A_172] : memref<64x64xf32, #tpu.memory_space<vmem>>[vector<16xi32>, vector<16xi32>], vector<16xf32>,
        %add3A_191 = arith.constant 16 : i32
        %add3A_192 = vector.broadcast %add3A_191 : i32 to vector<16xi32>
        %add3A_193 = arith.addi %add3A_192, %iota3A : vector<16xi32>
        tpu.vector_store_idx %arg14[%broadcast_in_dim3A_176, %add3A_193], %gather3A_190 : memref<64x128xf32, #tpu.memory_space<vmem>>[vector<16xi32>, vector<16xi32>], vector<16xf32>,
        %abs3A_194 = math.absf %gather3A_190 : vector<16xf32>
        %add3A_195 = arith.addf %add3A_186, %abs3A_194 : vector<16xf32>
        %add3A_196 = arith.constant 32 : i32
        %add3A_197 = vector.broadcast %add3A_196 : i32 to vector<16xi32>
        %add3A_198 = arith.addi %add3A_197, %iota3A : vector<16xi32>
        %gather3A_199 = tpu.vector_load_idx %arg13[%add3A_198, %broadcast_in_dim3A_172] : memref<64x64xf32, #tpu.memory_space<vmem>>[vector<16xi32>, vector<16xi32>], vector<16xf32>,
        %add3A_200 = arith.constant 32 : i32
        %add3A_201 = vector.broadcast %add3A_200 : i32 to vector<16xi32>
        %add3A_202 = arith.addi %add3A_201, %iota3A : vector<16xi32>
        tpu.vector_store_idx %arg14[%broadcast_in_dim3A_176, %add3A_202], %gather3A_199 : memref<64x128xf32, #tpu.memory_space<vmem>>[vector<16xi32>, vector<16xi32>], vector<16xf32>,
        %abs3A_203 = math.absf %gather3A_199 : vector<16xf32>
        %add3A_204 = arith.addf %add3A_195, %abs3A_203 : vector<16xf32>
        %add3A_205 = arith.constant 48 : i32
        %add3A_206 = vector.broadcast %add3A_205 : i32 to vector<16xi32>
        %add3A_207 = arith.addi %add3A_206, %iota3A : vector<16xi32>
        %gather3A_208 = tpu.vector_load_idx %arg13[%add3A_207, %broadcast_in_dim3A_172] : memref<64x64xf32, #tpu.memory_space<vmem>>[vector<16xi32>, vector<16xi32>], vector<16xf32>,
        %add3A_209 = arith.constant 48 : i32
        %add3A_210 = vector.broadcast %add3A_209 : i32 to vector<16xi32>
        %add3A_211 = arith.addi %add3A_210, %iota3A : vector<16xi32>
        tpu.vector_store_idx %arg14[%broadcast_in_dim3A_176, %add3A_211], %gather3A_208 : memref<64x128xf32, #tpu.memory_space<vmem>>[vector<16xi32>, vector<16xi32>], vector<16xf32>,
        %abs3A_212 = math.absf %gather3A_208 : vector<16xf32>
        %add3A_213 = arith.addf %add3A_204, %abs3A_212 : vector<16xf32>
        %reduce_sum3A = arith.constant true
        %reduce_sum3A_214 = vector.broadcast %reduce_sum3A : i1 to vector<16xi1>
        %reduce_sum3A_215 = tpu.scan <sum>, %add3A_213 masked %reduce_sum3A_214 : vector<16xf32>, vector<16xi1> -> vector<16xf32>
        %reduce_sum3A_216 = vector.extract %reduce_sum3A_215[15] : f32 from vector<16xf32>
        %mul3A_217 = arith.mulf %reduce_sum3A_216, %cond3A : f32
        %eq3A_218 = arith.constant 0 : i32
        %eq3A_219 = vector.broadcast %eq3A_218 : i32 to vector<16xi32>
        %eq3A_220 = arith.cmpi eq, %iota3A, %eq3A_219 : vector<16xi32>
        %broadcast_in_dim3A_221 = arith.constant 64 : i32
        %broadcast_in_dim3A_222 = vector.broadcast %broadcast_in_dim3A_221 : i32 to vector<16xi32>
        %broadcast_in_dim3A_223 = vector.broadcast %mul3A_217 : f32 to vector<16xf32>
        tpu.vector_store_idx %arg14[%broadcast_in_dim3A_176, %broadcast_in_dim3A_222], %broadcast_in_dim3A_223 masked %eq3A_220 : memref<64x128xf32, #tpu.memory_space<vmem>>[vector<16xi32>, vector<16xi32>], vector<16xf32>, vector<16xi1>
        %broadcast_in_dim3A_224 = vector.broadcast %squeeze3A_171 : i32 to vector<16xi32>
        tpu.vector_store_idx %arg15[%broadcast_in_dim3A_176], %broadcast_in_dim3A_224 masked %eq3A_220 : memref<64xi32, #tpu.memory_space<vmem>>[vector<16xi32>], vector<16xi32>, vector<16xi1>
        %add3A_225 = arith.constant 1 : i32
        %add3A_226 = arith.addi %get3A_175, %add3A_225 : i32
        %swap3A_227 = arith.constant 1020 : i32
        %swap3A_228 = arith.index_cast %swap3A_227 : i32 to index
        %swap3A_229 = memref.load %arg16[%swap3A_228] : memref<1024xi32, #tpu.memory_space<smem>>
        memref.store %add3A_226, %arg16[%swap3A_228] : memref<1024xi32, #tpu.memory_space<smem>>
        %add3A_230 = arith.constant 1 : i32
        %add3A_231 = arith.addi %get3A_175, %add3A_230 : i32
        %eq3A_232 = arith.constant 64 : i32
        %eq3A_233 = arith.cmpi eq, %add3A_231, %eq3A_232 : i32
        %convert_element_type3A_234 = arith.extui %eq3A_233 : i1 to i32
        %cond3A_235 = arith.constant 0 : i32
        %cond3A_236 = arith.cmpi ne, %convert_element_type3A_234, %cond3A_235 : i32
        scf.if %cond3A_236 {
          %dma_start3A_237 = arith.constant 0 : i32
          %dma_start3A_238 = arith.constant 0 : i32
          %dma_start3A_239 = tpu.memref_slice %arg4[%dma_start3A_237, %dma_start3A_238] : memref<16448x128xf32, #tpu.memory_space<hbm>> -> memref<16448x128xf32, #tpu.memory_space<hbm>>
          tpu.enqueue_indirect_dma source(%arg14 : memref<64x128xf32, #tpu.memory_space<vmem>>) target(%dma_start3A_239 : memref<16448x128xf32, #tpu.memory_space<hbm>>) offsets(%arg15 : memref<64xi32, #tpu.memory_space<vmem>>) semaphore(%arg21 : memref<!tpu.dma_semaphore, #tpu.memory_space<semaphore_mem>>)
          %dma_wait3A_240 = arith.constant 0 : i32
          %dma_wait3A_241 = arith.constant 0 : i32
          %dma_wait3A_242 = tpu.memref_slice %arg4[%dma_wait3A_240, %dma_wait3A_241] : memref<16448x128xf32, #tpu.memory_space<hbm>> -> memref<16448x128xf32, #tpu.memory_space<hbm>>
          tpu.wait_indirect_dma semaphore(%arg21 : memref<!tpu.dma_semaphore, #tpu.memory_space<semaphore_mem>>) src(%arg14 : memref<64x128xf32, #tpu.memory_space<vmem>>) dst(%dma_wait3A_242 : memref<16448x128xf32, #tpu.memory_space<hbm>>)
          %add3A_243 = arith.constant 16384 : i32
          %add3A_244 = vector.broadcast %add3A_243 : i32 to vector<16xi32>
          %add3A_245 = arith.addi %add3A_244, %iota3A : vector<16xi32>
          %swap3A_246 = arith.constant 0 : index
          %swap3A_247 = tpu.vector_load %arg15[%swap3A_246] {strides = array<i32>} : memref<64xi32, #tpu.memory_space<vmem>>, vector<16xi32>,
          tpu.vector_store %arg15[%swap3A_246], %add3A_245 {strides = array<i32>} : memref<64xi32, #tpu.memory_space<vmem>>, vector<16xi32>,
          %add3A_248 = arith.constant 16400 : i32
          %add3A_249 = vector.broadcast %add3A_248 : i32 to vector<16xi32>
          %add3A_250 = arith.addi %add3A_249, %iota3A : vector<16xi32>
          %swap3A_251 = arith.constant 16 : index
          %swap3A_252 = tpu.vector_load %arg15[%swap3A_251] {strides = array<i32>} : memref<64xi32, #tpu.memory_space<vmem>>, vector<16xi32>,
          tpu.vector_store %arg15[%swap3A_251], %add3A_250 {strides = array<i32>} : memref<64xi32, #tpu.memory_space<vmem>>, vector<16xi32>,
          %add3A_253 = arith.constant 16416 : i32
          %add3A_254 = vector.broadcast %add3A_253 : i32 to vector<16xi32>
          %add3A_255 = arith.addi %add3A_254, %iota3A : vector<16xi32>
          %swap3A_256 = arith.constant 32 : index
          %swap3A_257 = tpu.vector_load %arg15[%swap3A_256] {strides = array<i32>} : memref<64xi32, #tpu.memory_space<vmem>>, vector<16xi32>,
          tpu.vector_store %arg15[%swap3A_256], %add3A_255 {strides = array<i32>} : memref<64xi32, #tpu.memory_space<vmem>>, vector<16xi32>,
          %add3A_258 = arith.constant 16432 : i32
          %add3A_259 = vector.broadcast %add3A_258 : i32 to vector<16xi32>
          %add3A_260 = arith.addi %add3A_259, %iota3A : vector<16xi32>
          %swap3A_261 = arith.constant 48 : index
          %swap3A_262 = tpu.vector_load %arg15[%swap3A_261] {strides = array<i32>} : memref<64xi32, #tpu.memory_space<vmem>>, vector<16xi32>,
          tpu.vector_store %arg15[%swap3A_261], %add3A_260 {strides = array<i32>} : memref<64xi32, #tpu.memory_space<vmem>>, vector<16xi32>,
          %swap3A_263 = arith.constant 0 : i32
          %swap3A_264 = arith.constant 1020 : i32
          %swap3A_265 = arith.index_cast %swap3A_264 : i32 to index
          %swap3A_266 = memref.load %arg16[%swap3A_265] : memref<1024xi32, #tpu.memory_space<smem>>
          memref.store %swap3A_263, %arg16[%swap3A_265] : memref<1024xi32, #tpu.memory_space<smem>>
        } else {
        }
      }
    } else {
    }
    %dma_start3A_124 = arith.constant 0 : i32
    %dma_start3A_125 = arith.constant 0 : i32
    %dma_start3A_126 = tpu.memref_slice %arg4[%dma_start3A_124, %dma_start3A_125] : memref<16448x128xf32, #tpu.memory_space<hbm>> -> memref<16448x128xf32, #tpu.memory_space<hbm>>
    tpu.enqueue_indirect_dma source(%arg14 : memref<64x128xf32, #tpu.memory_space<vmem>>) target(%dma_start3A_126 : memref<16448x128xf32, #tpu.memory_space<hbm>>) offsets(%arg15 : memref<64xi32, #tpu.memory_space<vmem>>) semaphore(%arg21 : memref<!tpu.dma_semaphore, #tpu.memory_space<semaphore_mem>>)
    %dma_wait3A = arith.constant 0 : i32
    %dma_wait3A_127 = arith.constant 0 : i32
    %dma_wait3A_128 = tpu.memref_slice %arg4[%dma_wait3A, %dma_wait3A_127] : memref<16448x128xf32, #tpu.memory_space<hbm>> -> memref<16448x128xf32, #tpu.memory_space<hbm>>
    tpu.wait_indirect_dma semaphore(%arg21 : memref<!tpu.dma_semaphore, #tpu.memory_space<semaphore_mem>>) src(%arg14 : memref<64x128xf32, #tpu.memory_space<vmem>>) dst(%dma_wait3A_128 : memref<16448x128xf32, #tpu.memory_space<hbm>>)
    %add3A_129 = arith.constant 16384 : i32
    %add3A_130 = vector.broadcast %add3A_129 : i32 to vector<16xi32>
    %add3A_131 = arith.addi %add3A_130, %iota3A : vector<16xi32>
    %swap3A_132 = arith.constant 0 : index
    %swap3A_133 = tpu.vector_load %arg15[%swap3A_132] {strides = array<i32>} : memref<64xi32, #tpu.memory_space<vmem>>, vector<16xi32>,
    tpu.vector_store %arg15[%swap3A_132], %add3A_131 {strides = array<i32>} : memref<64xi32, #tpu.memory_space<vmem>>, vector<16xi32>,
    %add3A_134 = arith.constant 16400 : i32
    %add3A_135 = vector.broadcast %add3A_134 : i32 to vector<16xi32>
    %add3A_136 = arith.addi %add3A_135, %iota3A : vector<16xi32>
    %swap3A_137 = arith.constant 16 : index
    %swap3A_138 = tpu.vector_load %arg15[%swap3A_137] {strides = array<i32>} : memref<64xi32, #tpu.memory_space<vmem>>, vector<16xi32>,
    tpu.vector_store %arg15[%swap3A_137], %add3A_136 {strides = array<i32>} : memref<64xi32, #tpu.memory_space<vmem>>, vector<16xi32>,
    %add3A_139 = arith.constant 16416 : i32
    %add3A_140 = vector.broadcast %add3A_139 : i32 to vector<16xi32>
    %add3A_141 = arith.addi %add3A_140, %iota3A : vector<16xi32>
    %swap3A_142 = arith.constant 32 : index
    %swap3A_143 = tpu.vector_load %arg15[%swap3A_142] {strides = array<i32>} : memref<64xi32, #tpu.memory_space<vmem>>, vector<16xi32>,
    tpu.vector_store %arg15[%swap3A_142], %add3A_141 {strides = array<i32>} : memref<64xi32, #tpu.memory_space<vmem>>, vector<16xi32>,
    %add3A_144 = arith.constant 16432 : i32
    %add3A_145 = vector.broadcast %add3A_144 : i32 to vector<16xi32>
    %add3A_146 = arith.addi %add3A_145, %iota3A : vector<16xi32>
    %swap3A_147 = arith.constant 48 : index
    %swap3A_148 = tpu.vector_load %arg15[%swap3A_147] {strides = array<i32>} : memref<64xi32, #tpu.memory_space<vmem>>, vector<16xi32>,
    tpu.vector_store %arg15[%swap3A_147], %add3A_146 {strides = array<i32>} : memref<64xi32, #tpu.memory_space<vmem>>, vector<16xi32>,
    %swap3A_149 = arith.constant 0 : i32
    %swap3A_150 = arith.constant 1020 : i32
    %swap3A_151 = arith.index_cast %swap3A_150 : i32 to index
    %swap3A_152 = memref.load %arg16[%swap3A_151] : memref<1024xi32, #tpu.memory_space<smem>>
    memref.store %swap3A_149, %arg16[%swap3A_151] : memref<1024xi32, #tpu.memory_space<smem>>
    return
  }
}

</mosaic_0001>

<sc_bundles>
// kernel: _dict_layer.3.cloned.1.call-start
scs
__scs_entry_jumppad:
0x0: {  	(pc) =	sbr.rel $0x88, $3  }
0x1: {  	(tag) =	ssettag $0x0;
	lr =	simm.s32 $0x1  }
0x2: {  	[smem:$0x3F9F] =	sst lr;
	_ =	strace $0xD0000000  }
0x3: {  	_ = 	snop  }
0x4: {  	_ = 	snop  }
0x5: {  	_ = 	snop  }
0x6: {  	_ = 	snop  }
0x7: {  	_ = 	snop  }
__scs_overlays_trampoline_lowered:
0x8: {  	[smem:$0x3FAE] =	sst s0  }
0x9: {  	[smem:$0x3FAF] =	sst s1  }
0xa: {  	[smem:$0x3FB0] =	sst s2  }
0xb: {  	[smem:$0x3FB1] =	sst s3  }
0xc: {  	[smem:$0x3FB2] =	sst s4  }
0xd: {  	[smem:$0x3FB3] =	sst s5  }
0xe: {  	[smem:$0x3FB4] =	sst s6  }
0xf: {  	[smem:$0x3FB5] =	sst s7  }
0x10: {  	[smem:$0x3FB6] =	sst s8  }
0x11: {  	[smem:$0x3FB7] =	sst s9;
	s0 =	simm.s32 @!p0 $0x0  }
0x12: {  	s1 =	sld [smem:$0x3F9D];
	s0 =	simm.s32 @p0 $0x1  }
0x13: {  	[smem:$0x3FB8] =	sst s0;
	s0 =	simm.s32 @!p1 $0x0  }
0x14: {  	s2 =	sld [smem:$0x3F9C];
	s0 =	simm.s32 @p1 $0x1  }
0x15: {  	[smem:$0x3FB9] =	sst s0;
	s0 =	simm.s32 @!p2 $0x0  }
0x16: {  	s3 =	sld [smem:$0x3FDB];
	s0 =	simm.s32 @p2 $0x1  }
0x17: {  	s4 =	simm.s32 $0x1BF5;
	[smem:$0x3FBB] =	sst s0  }
0x18: {  	s0 =	sld [smem:$0x3F9E];
	_ =	swait.ge [sflag:s4], $0x0  }
0x19: {  	s7 =	sld [smem:$0x3F9F]  }
0x1a: {  	s8 =	sadd.s32 $0xFFFFE003, lr  }
0x1b: {  	s9 =	sadd.s32 $0xFFFFFEF7, lr;
	s5 =	simm.s32 $0xFFFFFFFF;
	p2 =	slt.u32 s8, $0xFFFFF086  }
0x1c: {  	p1 =	slt.u32 s9, $0xF7A;
	s5 =	simm.s32 @!p2 $0x0  }
0x1d: {  	s5 =	simm.s32 @p1 $0x1;
	p0 =	seq.s32 s7, s2  }
0x1e: {  	s7 =	smul.u32 @!p0 $0xF7A, s2;
	p2 =	seq.s32 @!p0 s5, $0x0  }
0x1f: {  	s9 =	smul.u32 $0xF7A, s1;
	s8 =	simm.s32 @!p0 $0x1BF5;
	p2 =	por !p2, p0  }
0x20: {  	[sflag:s8] =	ssyncset.s32 @!p0 $0xFFFFF086;
	s6 =	sadd.s32 @!p0 s3, s7;
	s7 =	simm.s32 @!p0 $0x108  }
0x21: {  	s3 =	sadd.s32 s3, s9;
	s6 =	sadd.s32 @!p0 $0x88, s6;
	s7 =	simm.s32 @p2 $0x1082  }
0x22: {  	[simem:s7], [sflag:s8] =	dma.local @!p0 [hbm:s6], $0xF7A  }
0x23: {  	s9 =	sor.u32 $0xD0000000, s2;
	s6 =	simm.s32 $0x108;
	_ =	swait.ge @!p0 [sflag:s8], $0x0  }
0x24: {  	s3 =	sadd.s32 $0x88, s3;
	s6 =	simm.s32 @!p1 $0x1082;
	[sflag:s4] =	ssyncset.s32 $0xFFFFF086  }
0x25: {  	[simem:s6], [sflag:s4] =	dma.local [hbm:s3], $0xF7A  }
0x26: {  	[smem:$0x3F9F] =	sst s1;
	(tag) =	ssettag s2;
	_ =	strace s9  }
0x27: {  	s1 =	sld [smem:$0x3FAF]  }
0x28: {  	s2 =	sld [smem:$0x3FB0]  }
0x29: {  	s4 =	sld [smem:$0x3FB2]  }
0x2a: {  	p0 =	seq.s32 s5, $0x0;
	s5 =	sld [smem:$0x3FB3]  }
0x2b: {  	s6 =	sld [smem:$0x3FB4]  }
0x2c: {  	s7 =	sld [smem:$0x3FB5]  }
0x2d: {  	s3 =	simm.s32 $0x108;
	s8 =	sld [smem:$0x3FB6]  }
0x2e: {  	s3 =	simm.s32 @!p0 $0x1082;
	s9 =	sld [smem:$0x3FB7]  }
0x2f: {  	lr =	sadd.s32 s0, s3;
	s0 =	sld [smem:$0x3FAE]  }
0x30: {  	s3 =	sld [smem:$0x3FB1]  }
0x31: {  	[smem:$0x3FBA] =	sst s10  }
0x32: {  	s10 =	sld [smem:$0x3FB8];
	_ =	sdelay $0x3  }
0x33: {  	p0 =	seq.s32 s10, $0x1;
	s10 =	sld [smem:$0x3FBA];
	_ =	sdelay $0x3  }
0x34: {  	[smem:$0x3FBA] =	sst s10  }
0x35: {  	s10 =	sld [smem:$0x3FB9];
	_ =	sdelay $0x3  }
0x36: {  	p1 =	seq.s32 s10, $0x1;
	s10 =	sld [smem:$0x3FBA];
	_ =	sdelay $0x3  }
0x37: {  	[smem:$0x3FBA] =	sst s10  }
0x38: {  	s10 =	sld [smem:$0x3FBB]  }
0x39: {  	_ = 	snop;
	(pc) =	sbr.ind lr, $3  }
0x3a: {  	_ = 	snop  }
0x3b: {  	_ = 	snop  }
0x3c: {  	p2 =	seq.s32 s10, $0x1;
	s10 =	sld [smem:$0x3FBA]  }
0x3d: {  	_ =	shalt  }
0x3e: {  	_ =	shalt  }
0x3f: {  	_ =	shalt  }
0x40: {  	_ =	shalt  }
0x41: {  	_ =	shalt  }
0x42: {  	_ =	shalt  }
0x43: {  	_ =	shalt  }
0x44: {  	_ =	shalt  }
0x45: {  	_ =	shalt  }
0x46: {  	_ =	shalt  }
0x47: {  	_ =	shalt  }
0x48: {  	_ =	shalt  }
0x49: {  	_ =	shalt  }
0x4a: {  	_ =	shalt  }
0x4b: {  	_ =	shalt  }
0x4c: {  	_ =	shalt  }
0x4d: {  	_ =	shalt  }
0x4e: {  	_ =	shalt  }
0x4f: {  	_ =	shalt  }
0x50: {  	_ =	shalt  }
0x51: {  	_ =	shalt  }
0x52: {  	_ =	shalt  }
0x53: {  	_ =	shalt  }
0x54: {  	_ =	shalt  }
0x55: {  	_ =	shalt  }
0x56: {  	_ =	shalt  }
0x57: {  	_ =	shalt  }
0x58: {  	_ =	shalt  }
0x59: {  	_ =	shalt  }
0x5a: {  	_ =	shalt  }
0x5b: {  	_ =	shalt  }
0x5c: {  	_ =	shalt  }
0x5d: {  	_ =	shalt  }
0x5e: {  	_ =	shalt  }
0x5f: {  	_ =	shalt  }
0x60: {  	_ =	shalt  }
0x61: {  	_ =	shalt  }
0x62: {  	_ =	shalt  }
0x63: {  	_ =	shalt  }
0x64: {  	_ =	shalt  }
0x65: {  	_ =	shalt  }
0x66: {  	_ =	shalt  }
0x67: {  	_ =	shalt  }
0x68: {  	_ =	shalt  }
0x69: {  	_ =	shalt  }
0x6a: {  	_ =	shalt  }
0x6b: {  	_ =	shalt  }
0x6c: {  	_ =	shalt  }
0x6d: {  	_ =	shalt  }
0x6e: {  	_ =	shalt  }
0x6f: {  	_ =	shalt  }
0x70: {  	_ =	shalt  }
0x71: {  	_ =	shalt  }
0x72: {  	_ =	shalt  }
0x73: {  	_ =	shalt  }
0x74: {  	_ =	shalt  }
0x75: {  	_ =	shalt  }
0x76: {  	_ =	shalt  }
0x77: {  	_ =	shalt  }
0x78: {  	_ =	shalt  }
0x79: {  	_ =	shalt  }
0x7a: {  	_ =	shalt  }
0x7b: {  	_ =	shalt  }
0x7c: {  	_ =	shalt  }
0x7d: {  	_ =	shalt  }
0x7e: {  	_ =	shalt  }
0x7f: {  	_ =	shalt  }
0x80: {  	_ =	shalt  }
0x81: {  	_ =	shalt  }
0x82: {  	_ =	shalt  }
0x83: {  	_ =	shalt  }
0x84: {  	_ =	shalt  }
0x85: {  	_ =	shalt  }
0x86: {  	_ =	shalt  }
0x87: {  	_ =	shalt  }
.Lfunc_end0:
.L_simem_size_0:
called_computation_lowered:
.L_overlay_start_0:
0x88: {  	s2 =	sld [smem:$0x3FD9]  }
0x89: {  	s3 =	sld [smem:$0x3FFE];
	_ =	sdelay $0x1  }
0x8a: {  	s1 =	srdreg.scid  }
0x8b: {  	s0 =	sand.u32 $0x1, s1  }
0x8c: {  	s18 =	sshll.u32 s0, $0xA;
	s2 =	sadd.s32 s3, s2  }
0x8d: {  	s2 =	sadd.s32 s2, s18  }
0x8e: {  	[smem:$0x3FC6] =	sst s2  }
0x8f: {  	_ = 	snop  }
0x90: {  	s2 =	sld [smem:$0x3FC9]  }
0x91: {  	s19 =	sld [smem:$0x3FC8]  }
0x92: {  	s4 =	sld [smem:$0x3FD0];
	(tm) =	ssettm $0x1  }
0x93: {  	s5 =	sld [smem:$0x3FFB];
	_ =	sdelay $0x3  }
0x94: {  	_ =	strace s5  }
0x95: {  	s5 =	sld [smem:$0x3FFC];
	_ =	sdelay $0x3  }
0x96: {  	_ =	strace s5  }
0x97: {  	s5 =	sld [smem:$0x3FFD];
	_ =	sdelay $0x3  }
0x98: {  	_ =	strace s5  }
0x99: {  	_ =	strace $0x8FFFFFFF  }
0x9a: {  	s20 =	sld [smem:$0x3FDB];
	_ =	sdelay $0x1  }
0x9b: {  	s6 =	simm.s32 $_scs_section_size  }
0x9c: {  	s7 =	simm.s32 $_size__tile_overlayer_lowered;
	s8 =	simm.s32 $_tile_overlayer_lowered  }
0x9d: {  	s23 =	simm.s32 $0x1BFF;
	s22 =	sshll.u32 s8, $0x1;
	s5 =	sadd.s32 s6, s20  }
0x9e: {  	s9 =	simm.s32 $0x0;
	s21 =	sshll.u32 s7, $0x1;
	s7 =	sadd.s32 s22, s5  }
0x9f: {  	[timem:s9], [sflag:s23] =	dma.local [hbm:s7], s21  }
0xa0: {  	_ =	swait.ge [sflag:s23], s21  }
0xa1: {  	s6 =	ssub.s32 $0x0, s21;
	[sflag:s23] =	ssyncset.done $0x0  }
0xa2: {  	[sflag:s23] =	ssyncadd.s32 s6;
	_ =	sdelay $0x1  }
0xa3: {  	s24 =	simm.s32 $0x1B8B  }
0xa4: {  	_ =	swait.ge [sflag:s24], $0x1  }
0xa5: {  	[sflag:s24] =	ssyncset.done $0x0  }
0xa6: {  	s25 =	simm.s32 $0x1B8E;
	[sflag:s24] =	ssyncadd.s32 $0xFFFFFFFF  }
0xa7: {  	s26 =	simm.s32 $execute0_lowered;
	[smem:$0x3FD2] =	sst s25  }
0xa8: {  	s6 =	sshll.u32 s26, $0x1;
	_ =	strace $0x80000046;
	[dreg:$0x1] =	wrdreg $0xFFFFFFFF  }
0xa9: {  	s28 =	simm.s32 $_size_execute0_lowered;
	s5 =	sadd.s32 s5, s6;
	[dreg:$0x0] =	wrdreg $0x0  }
0xaa: {  	s6 =	sshll.u32 s28, $0x1;
	[dreg:$0x2] =	wrdreg s5  }
0xab: {  	[dreg:$0x3] =	wrdreg s6  }
0xac: {  	[dreg:$0x4] =	wrdreg $0xC0  }
0xad: {  	_ =	task [dreg:s9], $0x5FFFF  }
0xae: {  	[dreg:$0x1] =	wrdreg $0xFFFFFFFF  }
0xaf: {  	[dreg:$0x0] =	wrdreg $0x60  }
0xb0: {  	[dreg:$0x2] =	wrdreg s2  }
0xb1: {  	[dreg:$0x3] =	wrdreg s19  }
0xb2: {  	[dreg:$0x4] =	wrdreg s4  }
0xb3: {  	[dreg:$0x5] =	wrdreg $0x9  }
0xb4: {  	_ =	task.clear_ibuf [dreg:s9], $0x6FFFF;
	_ =	strace $0x90000046  }
0xb5: {  	s29 =	simm.s32 $0x9;
	_ =	strace $0x80000048  }
0xb6: {  	_ =	swait.ge [sflag:s29], $0x1  }
0xb7: {  	[sflag:s29] =	ssyncadd.s32 $0xFFFFFFFF  }
0xb8: {  	_ =	strace $0x90000048  }
0xb9: {  	_ =	sfence  }
0xba: {  	s30 =	sld [smem:$0x0];
	_ =	sdelay $0x2  }
0xbb: {  	s31 =	sshll.u32 s1, $0xD;
	s1 =	sshrl.u32 s1, $0x2  }
0xbc: {  	s3 =	sand.u32 $0x4000, s31;
	s1 =	sadd.s32 s1, s30  }
0xbd: {  	s0 =	sor.u32 s3, s0;
	s1 =	sshll.u32 s1, $0x11  }
0xbe: {  	s0 =	sor.u32 s1, s0  }
0xbf: {  	s0 =	sadd.s32 $0x8F2B, s0  }
0xc0: {  	[sflag:s0] =	ssyncadd.remote.s32 $0x1  }
0xc1: {  	_ =	sfence.sel $0xFFFF  }
0xc2: {  	[dreg:$0x0] =	wrdreg $0xFFFFFFFF;
	(pc) =	sbr.abs _section_cstart, $3  }
0xc3: {  	[dreg:$0x1] =	wrdreg $0xFFFFFFFF  }
0xc4: {  	_ =	task.clear_ibuf [dreg:s9], $0x2FFFF;
	_ =	strace $0x9FFFFFFF  }
0xc5: {  	(tm) =	ssettm $0x7FFFFFFF  }
tec
execute0_lowered:
.L_overlay_start_1:
0x0: {  	(tag) =	ssettag $0x1  }
0x1: {  	s3 =	rddreg [dreg:$0x1]  }
0x2: {  	s4 =	rddreg [dreg:$0x2]  }
0x3: {  	s0 =	srdreg.scid;
	s1 =	stileid.u32;
	s5 =	simm.s32 $0x0  }
0x4: {  	s7 =	simm.s32 $0xD9;
	s8 =	simm.s32 $0xDA;
	s17 =	simm.s32 $0x10200  }
0x5: {  	s18 =	simm.s32 $0x12200;
	s19 =	simm.s32 $0x14200;
	s20 =	simm.s32 $0x16200  }
0x6: {  	s28 =	simm.s32 $0xC180;
	s29 =	simm.s32 $0x1A200;
	s30 =	simm.s32 $0x1C200  }
0x7: {  	s31 =	simm.s32 $0x4;
	s16 =	simm.s32 $0x0;
	s0 =	sand.u32 $0x1, s0  }
0x8: {  	s1 =	sshll.u32 s1, $0x1;
	[smem:$0x7FF] =	sst s5;
	s26 =	sadd.s32 $0xF4200, s3  }
0x9: {  	s2 =	ssub.s32 $0x2, s0;
	s0 =	sor.u32 s0, s1;
	_ =	strace $0x80000047  }
0xa: {  	[dreg:$0x8] =	wrdreg s26;
	s26 =	simm.s32 $0x8100;
	s6 =	smul.u32 $0xF5, s0  }
0xb: {  	s21 =	sshrl.u32 s2, $0x1;
	s22 =	smul.u32 $0x3D400, s0;
	p0 =	seq.s32 s0, $0x1F  }
0xc: {  	s9 =	smul.u32 $0x7A80, s0;
	s1 =	ssub.s32 s2, s21;
	s7 =	simm.s32 @!p0 $0xF5  }
0xd: {  	s8 =	simm.s32 @!p0 $0xF5;
	p0 =	sne.s32 s0, $0x1F;
	s2 =	sshrl.u32 s22, $0x3  }
0xe: {  	s9 =	sadd.s32 s3, s9;
	s25 =	sadd.s32 s6, s8;
	s1 =	smax.u32 s1, $0x1  }
0xf: {  	v1 =	vlaneseq.u32;
	s0 =	simm.s32 @!p0 $0x0;
	[dreg:$0x4] =	wrdreg s9;
	s2 =	sadd.s32 s3, s2  }
.Ltmp0:
0x10: {  	v3 =	vor.u32 $0x4000, v1;
	[dreg:$0x9] =	wrdreg s1;
	s0 =	simm.s32 @p0 $0x1;
	(pc) =	sbr.rel .LBB2_1-.Ltmp0, $4  }
0x11: {  	v4 =	vmul.u32 $0x80, v1;
	v5 =	vor.u32 $0x4010, v1;
	v6 =	vor.u32 $0x4020, v1;
	s22 =	simm.s32 $0x4080;
	s23 =	sadd.s32 $0x80, s2;
	[smem:$0x7FD] =	sst s0  }
0x12: {  	v7 =	vor.u32 $0x4030, v1;
	v9 =	vor.u32 $0x10, v1;
	v2 =	vmov s25;
	s25 =	simm.s32 $0x3;
	s24 =	sadd.s32 $0x100, s2;
	[dreg:$0x5] =	wrdreg s23  }
0x13: {  	v11 =	vor.u32 $0x20, v1;
	v13 =	vor.u32 $0x30, v1;
	v8 =	vor.u32 $0x800, v4;
	s2 =	sadd.s32 $0x180, s2;
	s0 =	simm.s32 $0x18200;
	[dreg:$0x6] =	wrdreg s24  }
0x14: {  	v10 =	vor.u32 $0x1000, v4;
	v12 =	vor.u32 $0x1800, v4;
	v0 =	vmov s6;
	[dreg:$0x7] =	wrdreg s2;
	s23 =	simm.s32 $0x1;
	s24 =	simm.s32 $0x2  }
.LBB2_67:
0x15: {  	_ = 	snop  }
.LBB2_70:
0x16: {  	p0 =	por p3, !p1  }
0x17: {  	_ =	swait.ge @!p0 [sflag:s12], $0x2000  }
0x18: {  	[sflag:s12] =	ssyncset.done @!p0 $0x0  }
0x19: {  	[sflag:s12] =	ssyncadd.s32 @!p0 $0xFFFFE000  }
0x1a: {  	[tilespmem:$0x1C200] =	vst @!p0 v15  }
0x1b: {  	[tilespmem:$0x1C230] =	vst @!p0 v16  }
0x1c: {  	[tilespmem:$0x1C220] =	vst @!p0 v18  }
0x1d: {  	[tilespmem:$0x1C210] =	vst @!p0 v17  }
0x1e: {  	v15 =	vld.idx.msk [tilespmem:v14+s5+$0x0], $0xffff;
	_ =	sdelay $0x4  }
0x1f: {  	v15 =	vbroadcast v15, $0x0;
	_ =	sdelay $0x1  }
0x20: {  	v55 =	vadd.s32 v4, v15;
	_ =	sdelay $0x2  }
0x21: {  	v56 =	vmov s9  }
0x22: {  	v57 =	vshll.u32 v56, $0x7  }
0x23: {  	v19 =	vor.u32 v1, v57;
	v16 =	vld.idx.msk [tilespmem:v55+s0+$0x0], $0xffff  }
0x24: {  	v20 =	vadd.s32 v8, v15;
	_ =	sdelay $0x3  }
0x25: {  	v14 =	vld.idx.msk [tilespmem:v14+s28+$0x0], $0xffff;
	[tilespmem:v19+s29+$0x0] =	vst.idx.msk $0xffff, v16  }
0x26: {  	v58 =	vor.u32 v9, v57;
	v20 =	vld.idx.msk [tilespmem:v20+s0+$0x0], $0xffff  }
0x27: {  	v21 =	vadd.s32 v10, v15;
	_ =	sdelay $0x3  }
0x28: {  	[tilespmem:v58+s29+$0x0] =	vst.idx.msk $0xffff, v20  }
0x29: {  	v59 =	vor.u32 v11, v57;
	v21 =	vld.idx.msk [tilespmem:v21+s0+$0x0], $0xffff  }
0x2a: {  	v15 =	vadd.s32 v12, v15;
	_ =	sdelay $0x3  }
0x2b: {  	[tilespmem:v59+s29+$0x0] =	vst.idx.msk $0xffff, v21  }
0x2c: {  	v15 =	vld.idx.msk [tilespmem:v15+s0+$0x0], $0xffff  }
0x2d: {  	v16 =	vand.u32 $0x7FFFFFFF, v16;
	v60 =	vand.u32 $0x7FFFFFFF, v20  }
0x2e: {  	v16 =	vadd.f32 v60, v16  }
0x2f: {  	v61 =	vand.u32 $0x7FFFFFFF, v21  }
0x30: {  	v16 =	vadd.f32 v61, v16  }
0x31: {  	v62 =	vand.u32 $0x7FFFFFFF, v15  }
0x32: {  	v16 =	vadd.f32 v62, v16;
	_ =	sdelay $0x1  }
0x33: {  	(xrf2) =	vadd.scan.msk.f32 $0xffff, v16;
	_ =	sdelay $0x9  }
0x34: {  	v16, _, _ =	vpop (xrf2)  }
0x35: {  	(v2sf) =	vpush v16, $0xF;
	_ =	sdelay $0xc  }
0x36: {  	v63 =	vor.u32 v13, v57  }
0x37: {  	v18 =	vor.u32 $0x40, v57  }
0x38: {  	s1 =	spop (v2sf)  }
0x39: {  	s1 =	smul.f32 $1.562500020e-03, s1  }
0x3a: {  	s2 =	sadd.s32 $0x1, s9  }
0x3b: {  	p1 =	sne.s32 s2, $0x40;
	v14 =	vbroadcast v14, $0x0;
	[tilespmem:v63+s29+$0x0] =	vst.idx.msk $0xffff, v15;
	v15 =	vmov s1  }
0x3c: {  	s2 =	simm.s32 @!p1 $0x1C200;
	[tilespmem:v18+s29+$0x0] =	vst.idx.msk $0x1, v15  }
0x3d: {  	s9 =	simm.s32 @!p1 $0x1A200;
	s10 =	simm.s32 @!p1 $0x5;
	s1 =	simm.s32 @!p1 $0x40;
	[tilespmem:v56+s30+$0x0] =	vst.idx.msk $0x1, v14  }
0x3e: {  	[hbm4b:s4+s1] =	stream.indirect.scatter @!p1 [tilespmem:s9], [sflag:$0x5], $0x80, s2, s1, $0xb8;
	[tilespmem:$0x1C280] =	vst v63  }
0x3f: {  	_ =	swait.ge @!p1 [sflag:s10], $0x2000  }
0x40: {  	v14 =	vlaneseq.u32 @!p1;
	[sflag:s10] =	ssyncset.done @!p1 $0x0  }
0x41: {  	v15 =	vor.u32 @!p1 $0x4000, v14;
	[sflag:s10] =	ssyncadd.s32 @!p1 $0xFFFFE000  }
0x42: {  	v16 =	vor.u32 @!p1 $0x4030, v14;
	[tilespmem:$0x1C200] =	vst @!p1 v15  }
0x43: {  	v15 =	vor.u32 @!p1 $0x4020, v14;
	[tilespmem:$0x1C230] =	vst @!p1 v16  }
0x44: {  	v14 =	vor.u32 @!p1 $0x4010, v14;
	[tilespmem:$0x1C220] =	vst @!p1 v15  }
0x45: {  	[tilespmem:$0x1C210] =	vst @!p1 v14  }
.LBB2_71:
0x46: {  	s1 =	simm.s32 $0x40;
	s15 =	simm.s32 $0x5  }
0x47: {  	[hbm4b:s4+s1] =	stream.indirect.scatter [tilespmem:s29], [sflag:$0x5], $0x80, s30, s1, $0xb8;
	[tilespmem:$0x1C280] =	vst v63  }
0x48: {  	_ =	swait.ge [sflag:s15], $0x2000  }
0x49: {  	s16 =	sadd.s32 $0x1, s16;
	s21 =	rddreg [dreg:$0x9]  }
0x4a: {  	[sflag:s15] =	ssyncset.done $0x0;
	p0 =	sne.s32 s16, s21  }
.Ltmp1:
0x4b: {  	[sflag:s15] =	ssyncadd.s32 $0xFFFFE000;
	(pc) =	sbr.rel @!p0 .LBB2_72-.Ltmp1, $4  }
0x4c: {  	[tilespmem:$0x1C200] =	vst v3  }
0x4d: {  	[tilespmem:$0x1C210] =	vst v5  }
0x4e: {  	[tilespmem:$0x1C220] =	vst v6  }
0x4f: {  	[tilespmem:$0x1C230] =	vst v7;
	[smem:$0x3FC] =	sst s5  }
.LBB2_1:
0x50: {  	s1 =	rddreg [dreg:$0x4];
	s2 =	simm.s32 $0x400;
	s9 =	simm.s32 $0x7A1400  }
0x51: {  	[tilespmem:s17], [sflag:$0x1] =	stream.strided.gather [hbm4b:s1+s2], $0x2000, s9, s2, $0x38;
	[tilespmem:$0x1C280] =	vst v63  }
0x52: {  	s12 =	rddreg [dreg:$0x5]  }
0x53: {  	[tilespmem:s18], [sflag:$0x2] =	stream.strided.gather [hbm4b:s12+s2], $0x2000, s9, s2, $0x38;
	[tilespmem:$0x1C280] =	vst v63  }
0x54: {  	s13 =	rddreg [dreg:$0x6]  }
0x55: {  	[tilespmem:s19], [sflag:$0x3] =	stream.strided.gather [hbm4b:s13+s2], $0x2000, s9, s2, $0x38;
	[tilespmem:$0x1C280] =	vst v63  }
0x56: {  	s14 =	rddreg [dreg:$0x7]  }
0x57: {  	[tilespmem:s20], [sflag:$0x4] =	stream.strided.gather [hbm4b:s14+s2], $0x2000, s9, s2, $0x38;
	[tilespmem:$0x1C280] =	vst v63  }
0x58: {  	s15 =	rddreg [dreg:$0x0];
	s21 =	simm.s32 $0x6  }
0x59: {  	[tilespmem:s5], [sflag:$0x6] =	stream.linear.gather [hbm4b:s15+s5], $0x4000, $0x38;
	[tilespmem:$0x1C280] =	vst v63  }
0x5a: {  	_ =	swait.ge [sflag:s21], $0x4000  }
0x5b: {  	s10 =	simm.s32 $0x4;
	[sflag:s21] =	ssyncset.done $0x0  }
0x5c: {  	s2 =	simm.s32 $0x0;
	s9 =	simm.s32 $0x0;
	[sflag:s21] =	ssyncadd.s32 $0xFFFFC000  }
.LBB2_2:
0x5d: {  	p1 =	sne.s32 s10, $0xBFC  }
0x5e: {  	[smem:s2] =	sst s9;
	s2 =	smov.u32 s10;
	s10 =	sadd.s32 $0x4, s10  }
.Ltmp2:
0x5f: {  	(pc) =	sbr.rel @p1 .LBB2_2-.Ltmp2, $2  }
0x60: {  	_ =	sdelay $0x2  }
0x61: {  	s9 =	simm.s32 $0x0;
	s2 =	sshra.s32 s2, $0x2  }
0x62: {  	v14 =	vld [tilespmem:s9+$0x0];
	_ =	sdelay $0x4  }
0x63: {  	v15 =	vshrl.u32 v14, $0x7  }
0x64: {  	vm0 =	vge.u32 v15, v0;
	vm1 =	vlt.u32 v15, v2  }
0x65: {  	vm0 =	vmand vm0, vm1  }
0x66: {  	v15 =	vmpcnt.ones.xlane vm0;
	_ =	sdelay $0x1  }
0x67: {  	(v2sf) =	vpush v15, $0x0;
	_ =	sdelay $0x3  }
0x68: {  	[tilespmem:s9+$0x4080] =	vst.msk vm0, v14;
	v14 =	vor.u32 s9, v1  }
0x69: {  	s10 =	simm.s32 $0x10;
	[tilespmem:s9+$0x8100] =	vst.msk vm0, v14  }
0x6a: {  	[smem:s2] =	sst s9;
	s11 =	simm.s32 $0x20;
	s12 =	simm.s32 $0x10;
	v14 =	vld [tilespmem:s10+$0x0]  }
.LBB2_4:
0x6b: {  	p1 =	sne.s32 s11, $0x3FF0;
	_ =	sdelay $0x3  }
0x6c: {  	v15 =	vshrl.u32 v14, $0x7  }
0x6d: {  	vm0 =	vge.u32 v15, v0;
	vm1 =	vlt.u32 v15, v2  }
0x6e: {  	vm0 =	vmand vm0, vm1  }
0x6f: {  	v15 =	vmpcnt.ones.xlane vm0  }
0x70: {  	s2 =	spop (v2sf)  }
0x71: {  	(v2sf) =	vpush v15, $0x0;
	s9 =	sadd.s32 s9, s2  }
0x72: {  	[tilespmem:s9+$0x4080] =	vst.msk vm0, v14;
	v14 =	vor.u32 s10, v1;
	s10 =	smov.u32 s11  }
.Ltmp3:
0x73: {  	[tilespmem:s9+$0x8100] =	vst.msk vm0, v14;
	(pc) =	sbr.rel @p1 .LBB2_4-.Ltmp3, $3  }
0x74: {  	_ =	sdelay $0x1  }
0x75: {  	s12 =	sadd.s32 $0x10, s12  }
0x76: {  	s11 =	sadd.s32 $0x10, s11;
	v14 =	vld [tilespmem:s12+$0x0]  }
0x77: {  	_ =	sdelay $0x3  }
0x78: {  	v15 =	vshrl.u32 v14, $0x7  }
0x79: {  	vm0 =	vge.u32 v15, v0;
	vm1 =	vlt.u32 v15, v2  }
0x7a: {  	vm0 =	vmand vm0, vm1  }
0x7b: {  	v15 =	vmpcnt.ones.xlane vm0;
	_ =	sdelay $0x1  }
0x7c: {  	(v2sf) =	vpush v15, $0x0;
	_ =	sdelay $0xd  }
0x7d: {  	s2 =	spop (v2sf)  }
0x7e: {  	s2 =	sadd.s32 s9, s2;
	s21 =	spop (v2sf)  }
0x7f: {  	s11 =	sadd.s32 s2, s21  }
0x80: {  	p1 =	slt.s32 s11, $0x1  }
.Ltmp4:
0x81: {  	_ = 	snop;
	(pc) =	sbr.rel @p1 .LBB2_21-.Ltmp4, $3  }
0x82: {  	_ =	sdelay $0x1  }
0x83: {  	v15 =	vor.u32 s10, v1;
	[tilespmem:s2+$0x4080] =	vst.msk vm0, v14  }
0x84: {  	[tilespmem:s2+$0x8100] =	vst.msk vm0, v15;
	s9 =	sadd.s32 s2, s21;
	[smem:$0x3FD] =	sst s11  }
0x85: {  	p0 =	seq.s32 s9, $0x1  }
.Ltmp5:
0x86: {  	_ = 	snop;
	(pc) =	sbr.rel @p0 .LBB2_7-.Ltmp5, $4  }
0x87: {  	_ = 	snop  }
0x88: {  	s10 =	simm.s32 $0x0  }
0x89: {  	s2 =	simm.s32 $0x1;
	p2 =	por $0x0, $0x0;
	p3 =	por $0x0, $0x0  }
0x8a: {  	p4 =	por $0x0, $0x0;
	p5 =	por $0x0, $0x0;
	p6 =	por $0x0, $0x0;
	v14 =	vmov s10  }
0x8b: {  	p0 =	seq.s32 s9, $0x2  }
.Ltmp6:
0x8c: {  	_ = 	snop;
	(pc) =	sbr.rel @p0 .LBB2_9-.Ltmp6, $2  }
0x8d: {  	_ =	sdelay $0x2  }
0x8e: {  	v15 =	vld.idx.msk [tilespmem:v14+s22+$0x0], $0xffff;
	s10 =	simm.s32 $0x2;
	v14 =	vmov s2;
	p2 =	por $0x1, $0x1  }
0x8f: {  	p0 =	seq.s32 s9, $0x3  }
.Ltmp7:
0x90: {  	_ = 	snop;
	(pc) =	sbr.rel @p0 .LBB2_11-.Ltmp7, $2  }
0x91: {  	_ =	sdelay $0x2  }
0x92: {  	v17 =	vld.idx.msk [tilespmem:v14+s22+$0x0], $0xffff;
	s2 =	simm.s32 $0x3;
	v14 =	vmov s10;
	p3 =	por $0x1, $0x1;
	(v2sf) =	vpush v15, $0x0  }
0x93: {  	p0 =	seq.s32 s9, $0x4  }
.Ltmp8:
0x94: {  	_ = 	snop;
	(pc) =	sbr.rel @p0 .LBB2_13-.Ltmp8, $2  }
0x95: {  	_ =	sdelay $0x2  }
0x96: {  	v16 =	vld.idx.msk [tilespmem:v14+s22+$0x0], $0xffff;
	s10 =	simm.s32 $0x4;
	v14 =	vmov s2;
	p4 =	por $0x1, $0x1;
	(v2sf) =	vpush v17, $0x0  }
0x97: {  	_ =	sdelay $0x3  }
0x98: {  	(v2sf) =	vpush v16, $0x0;
	_ =	sdelay $0x2  }
0x99: {  	p0 =	seq.s32 s9, $0x5  }
.Ltmp9:
0x9a: {  	_ = 	snop;
	(pc) =	sbr.rel @p0 .LBB2_15-.Ltmp9, $2  }
0x9b: {  	_ =	sdelay $0x2  }
0x9c: {  	v15 =	vld.idx.msk [tilespmem:v14+s22+$0x0], $0xffff;
	s2 =	simm.s32 $0x5;
	v14 =	vmov s10;
	p5 =	por $0x1, $0x1;
	s10 =	spop (v2sf)  }
0x9d: {  	_ =	sdelay $0x3  }
0x9e: {  	(v2sf) =	vpush v15, $0x0;
	_ =	sdelay $0x2  }
0x9f: {  	s11 =	sshrl.u32 s10, $0x7;
	p0 =	seq.s32 s9, $0x6  }
.Ltmp10:
0xa0: {  	s11 =	ssub.s32 s11, s6;
	(pc) =	sbr.rel @p0 .LBB2_17-.Ltmp10, $3  }
0xa1: {  	s13 =	sld [smem:s11+$0x0];
	_ =	sdelay $0x1  }
0xa2: {  	s14 =	simm.s32 $0x6;
	v16 =	vld.idx.msk [tilespmem:v14+s22+$0x0], $0xffff;
	v14 =	vmov s2  }
0xa3: {  	p6 =	por $0x1, $0x1;
	s12 =	spop (v2sf);
	s13 =	sadd.s32 $0x1, s13  }
.LBB2_18:
0xa4: {  	s2 =	sshrl.u32 s12, $0x7;
	s12 =	smov.u32 s14;
	s14 =	sadd.s32 $0x1, s14  }
0xa5: {  	[smem:s11] =	sst s13;
	p0 =	seq.s32 s9, s14  }
.Ltmp11:
0xa6: {  	s11 =	ssub.s32 s2, s6;
	(pc) =	sbr.rel @!p0 .LBB2_18-.Ltmp11, $3  }
0xa7: {  	(v2sf) =	vpush v16, $0x0;
	v16 =	vld.idx.msk [tilespmem:v14+s22+$0x0], $0xffff;
	s2 =	sld [smem:s11+$0x0]  }
0xa8: {  	v14 =	vmov s12;
	_ =	sdelay $0x1  }
0xa9: {  	s12 =	spop (v2sf);
	s13 =	sadd.s32 $0x1, s2  }
0xaa: {  	_ = 	snop  }
0xab: {  	v15 =	vmov v16  }
.LBB2_20:
0xac: {  	_ = 	snop  }
0xad: {  	s2 =	sshrl.u32 @p5 s12, $0x7  }
0xae: {  	[smem:s11] =	sst @p6 s13;
	(v2sf) =	vpush @p2 v15, $0x0;
	s2 =	ssub.s32 @p5 s2, s6  }
0xaf: {  	s11 =	sld @p5 [smem:s2+$0x0]  }
0xb0: {  	v14 =	vld.idx.msk [tilespmem:v14+s22+$0x0], $0xffff  }
0xb1: {  	s12 =	spop @p4 (v2sf)  }
0xb2: {  	s10 =	smov.u32 @p4 s12;
	s11 =	sadd.s32 @p5 $0x1, s11  }
0xb3: {  	s2 =	smov.u32 @p5 s2;
	s10 =	sshrl.u32 @p4 s10, $0x7;
	s11 =	smov.u32 @p5 s11  }
0xb4: {  	[smem:s2] =	sst @p5 s11;
	s2 =	ssub.s32 @p4 s10, s6  }
0xb5: {  	(v2sf) =	vpush v14, $0x0;
	s10 =	sld @p4 [smem:s2+$0x0];
	_ =	sdelay $0x1  }
0xb6: {  	s11 =	spop @p3 (v2sf)  }
0xb7: {  	s11 =	smov.u32 @p3 s11;
	s10 =	sadd.s32 @p4 $0x1, s10  }
0xb8: {  	s2 =	smov.u32 @p4 s2;
	s11 =	sshrl.u32 @p3 s11, $0x7;
	s10 =	smov.u32 @p4 s10  }
0xb9: {  	[smem:s2] =	sst @p4 s10;
	s2 =	ssub.s32 @p3 s11, s6  }
0xba: {  	s10 =	sld @p3 [smem:s2+$0x0];
	_ =	sdelay $0x1  }
0xbb: {  	s11 =	spop @p2 (v2sf)  }
0xbc: {  	s11 =	smov.u32 @p2 s11;
	s10 =	sadd.s32 @p3 $0x1, s10  }
0xbd: {  	s2 =	smov.u32 @p3 s2;
	s11 =	sshrl.u32 @p2 s11, $0x7;
	s10 =	smov.u32 @p3 s10  }
0xbe: {  	[smem:s2] =	sst @p3 s10;
	s2 =	ssub.s32 @p2 s11, s6  }
0xbf: {  	s10 =	sld @p2 [smem:s2+$0x0];
	_ =	sdelay $0x2  }
0xc0: {  	s15 =	spop (v2sf);
	s10 =	sadd.s32 @p2 $0x1, s10  }
0xc1: {  	s2 =	smov.u32 @p2 s2;
	s11 =	sshrl.u32 s15, $0x7;
	s10 =	smov.u32 @p2 s10  }
0xc2: {  	s21 =	ssub.s32 s11, s6;
	[smem:s2] =	sst @p2 s10  }
0xc3: {  	s10 =	sld [smem:s21+$0x0];
	_ =	sdelay $0x2  }
0xc4: {  	s10 =	sadd.s32 $0x1, s10  }
0xc5: {  	[smem:s21] =	sst s10  }
.LBB2_21:
0xc6: {  	s2 =	sld [smem:$0x0]  }
0xc7: {  	[smem:$0x100] =	sst s5  }
0xc8: {  	[smem:$0x200] =	sst s5  }
0xc9: {  	[smem:$0x300] =	sst s5  }
0xca: {  	s10 =	sld [smem:$0x1]  }
0xcb: {  	s15 =	sld [smem:$0x2]  }
0xcc: {  	s21 =	sld [smem:$0x3]  }
0xcd: {  	[smem:$0x301] =	sst s23  }
0xce: {  	[smem:$0x302] =	sst s24  }
0xcf: {  	[smem:$0x101] =	sst s2  }
0xd0: {  	p0 =	sne.s32 s8, $0x5;
	[smem:$0x201] =	sst s2  }
.Ltmp12:
0xd1: {  	s2 =	sadd.s32 s2, s10;
	[smem:$0x303] =	sst s25;
	(pc) =	sbr.rel @!p0 .LBB2_22-.Ltmp12, $4  }
0xd2: {  	[smem:$0x102] =	sst s2  }
0xd3: {  	[smem:$0x202] =	sst s2;
	s2 =	sadd.s32 s2, s15  }
0xd4: {  	s11 =	simm.s32 $0x5;
	p2 =	por $0x0, $0x0;
	[smem:$0x103] =	sst s2  }
0xd5: {  	s10 =	simm.s32 $0x4;
	[smem:$0x203] =	sst s2;
	s15 =	sadd.s32 s2, s21  }
0xd6: {  	s31 =	smov.u32 s16;
	s12 =	sld [smem:$0x4]  }
0xd7: {  	s14 =	simm.s32 $0x6;
	s2 =	sand.u32 $0x7FFFFFFF, s10;
	p3 =	sne.s32 s8, $0x6  }
.Ltmp13:
0xd8: {  	p0 =	sgt.u32 s7, $0x4;
	[smem:s2+$0x100] =	sst s15;
	(pc) =	sbr.rel @!p3 .LBB2_24-.Ltmp13, $4  }
0xd9: {  	s13 =	simm.s32 $0x4;
	[smem:s2+$0x200] =	sst s15;
	p2 =	sgt.s32 s12, $0x0  }
0xda: {  	s2 =	simm.s32 $0x1;
	s15 =	sadd.s32 s15, s12;
	p0 =	por !p0, !p2  }
0xdb: {  	s12 =	simm.s32 $0x5;
	p2 =	por $0x1, $0x1;
	p0 =	por !p0, !p0  }
0xdc: {  	s21 =	smov.u32 s15;
	[smem:$0x304] =	sst @p0 s10;
	s2 =	simm.s32 @!p0 $0x0  }
.LBB2_25:
0xdd: {  	s16 =	sld [smem:s11+$0x0];
	s13 =	sadd.s32 s2, s13  }
0xde: {  	s2 =	smov.u32 s12;
	s12 =	smov.u32 s14;
	s14 =	sadd.s32 $0x1, s14  }
0xdf: {  	p3 =	sne.s32 s8, s14  }
0xe0: {  	p0 =	slt.u32 s2, s7;
	s1 =	sand.u32 $0x7FFFFFFF, s2  }
.Ltmp14:
0xe1: {  	p4 =	sgt.s32 s16, $0x0;
	s21 =	sadd.s32 s21, s16;
	(pc) =	sbr.rel @p3 .LBB2_25-.Ltmp14, $4  }
0xe2: {  	[smem:s1+$0x100] =	sst s15;
	p0 =	por !p0, !p4  }
0xe3: {  	[smem:s1+$0x200] =	sst s15;
	p0 =	por !p0, !p0;
	s15 =	smov.u32 s21  }
0xe4: {  	[smem:s13+$0x300] =	sst @p0 s2;
	s2 =	simm.s32 $0x1  }
0xe5: {  	s11 =	sadd.s32 $0x1, s11;
	s2 =	simm.s32 @!p0 $0x0  }
0xe6: {  	s16 =	smov.u32 s31;
	s31 =	simm.s32 $0x4  }
.LBB2_27:
0xe7: {  	s1 =	sld [smem:s11+$0x0];
	_ =	sdelay $0x2  }
0xe8: {  	p0 =	slt.u32 s12, s7;
	s21 =	sand.u32 $0x7FFFFFFF, s12;
	p3 =	sgt.s32 s1, $0x0  }
.Ltmp15:
0xe9: {  	[smem:s21+$0x100] =	sst s15;
	p0 =	por !p0, !p3;
	(pc) =	sbr.rel @p1 .LBB2_31-.Ltmp15, $4  }
0xea: {  	s1 =	sadd.s32 @p2 s2, s13;
	s2 =	simm.s32 $0x1;
	p0 =	por !p0, !p0  }
0xeb: {  	[smem:s21+$0x200] =	sst s15;
	s10 =	smov.u32 @p2 s1;
	s2 =	simm.s32 @!p0 $0x0  }
0xec: {  	[smem:s10+$0x300] =	sst @p0 s12;
	s1 =	sadd.s32 s2, s10  }
0xed: {  	[smem:$0x3FE] =	sst s1  }
0xee: {  	s1 =	simm.s32 $0x0  }
0xef: {  	v14 =	vmov s1;
	_ =	sdelay $0x4  }
0xf0: {  	v15 =	vld.idx.msk [tilespmem:v14+s22+$0x0], $0xffff;
	_ =	sdelay $0x4  }
0xf1: {  	(v2sf) =	vpush v15, $0x0;
	_ =	sdelay $0xe  }
0xf2: {  	s11 =	spop (v2sf)  }
0xf3: {  	s21 =	sshrl.u32 s11, $0x7  }
0xf4: {  	p0 =	sne.s32 s9, $0x1;
	s1 =	ssub.s32 s21, s6  }
.Ltmp16:
0xf5: {  	s2 =	sld [smem:s1+$0x200];
	(pc) =	sbr.rel @!p0 .LBB2_30-.Ltmp16, $4  }
0xf6: {  	_ = 	snop  }
0xf7: {  	v15 =	vld.idx.msk [tilespmem:v14+s26+$0x0], $0xffff  }
0xf8: {  	s12 =	sadd.s32 $0x1, s2;
	v14 =	vmov s2  }
0xf9: {  	s10 =	simm.s32 $0x1;
	[smem:s1+$0x200] =	sst s12  }
.LBB2_29:
0xfa: {  	v16 =	vmov s10  }
0xfb: {  	s10 =	sadd.s32 $0x1, s10;
	s1 =	sand.u32 $0x7F, s11  }
0xfc: {  	p1 =	sne.s32 s9, s10;
	v17 =	vmov s1;
	v15 =	vbroadcast v15, $0x0  }
0xfd: {  	[tilespmem:v14+s5+$0x0] =	vst.idx.msk $0x1, v17  }
0xfe: {  	[tilespmem:v14+s28+$0x0] =	vst.idx.msk $0x1, v15  }
0xff: {  	v14 =	vld.idx.msk [tilespmem:v16+s22+$0x0], $0xffff;
	_ =	sdelay $0x5  }
0x100: {  	(v2sf) =	vpush v14, $0x0;
	_ =	sdelay $0xe  }
0x101: {  	s11 =	spop (v2sf)  }
0x102: {  	s1 =	sshrl.u32 s11, $0x7  }
0x103: {  	s1 =	ssub.s32 s1, s6  }
.Ltmp17:
0x104: {  	s2 =	sld [smem:s1+$0x200];
	(pc) =	sbr.rel @p1 .LBB2_29-.Ltmp17, $3  }
0x105: {  	v15 =	vld.idx.msk [tilespmem:v16+s26+$0x0], $0xffff;
	_ =	sdelay $0x1  }
0x106: {  	s12 =	sadd.s32 $0x1, s2;
	v14 =	vmov s2  }
0x107: {  	[smem:s1+$0x200] =	sst s12  }
.LBB2_30:
0x108: {  	_ =	sdelay $0x1  }
0x109: {  	s1 =	sand.u32 $0x7F, s11  }
0x10a: {  	v16 =	vmov s1;
	v15 =	vbroadcast v15, $0x0  }
0x10b: {  	[tilespmem:v14+s5+$0x0] =	vst.idx.msk $0x1, v16  }
0x10c: {  	[tilespmem:v14+s28+$0x0] =	vst.idx.msk $0x1, v15  }
.LBB2_31:
.Ltmp18:
0x10d: {  	(pc) =	sbr.rel .LBB2_32-.Ltmp18, $4  }
0x10e: {  	[tilespmem:$0x1C200] =	vst v3  }
0x10f: {  	[tilespmem:$0x1C210] =	vst v5  }
0x110: {  	[tilespmem:$0x1C220] =	vst v6;
	s9 =	simm.s32 $0x0  }
0x111: {  	[tilespmem:$0x1C230] =	vst v7;
	s10 =	simm.s32 $0x0;
	[smem:$0x3FC] =	sst s9  }
.LBB2_59:
0x112: {  	_ = 	snop  }
.LBB2_62:
0x113: {  	p1 =	por p3, !p1  }
0x114: {  	_ =	swait.ge @!p1 [sflag:s21], $0x2000  }
0x115: {  	[sflag:s21] =	ssyncset.done @!p1 $0x0  }
0x116: {  	[sflag:s21] =	ssyncadd.s32 @!p1 $0xFFFFE000  }
0x117: {  	[tilespmem:$0x1C200] =	vst @!p1 v16  }
0x118: {  	[tilespmem:$0x1C230] =	vst @!p1 v15  }
0x119: {  	[tilespmem:$0x1C220] =	vst @!p1 v18  }
0x11a: {  	[tilespmem:$0x1C210] =	vst @!p1 v17  }
0x11b: {  	v15 =	vld.idx.msk [tilespmem:v14+s5+$0x0], $0xffff;
	_ =	sdelay $0x4  }
0x11c: {  	v15 =	vbroadcast v15, $0x0;
	_ =	sdelay $0x1  }
0x11d: {  	v55 =	vadd.s32 v4, v15;
	_ =	sdelay $0x2  }
0x11e: {  	v56 =	vmov s9  }
0x11f: {  	v57 =	vshll.u32 v56, $0x7  }
0x120: {  	v19 =	vor.u32 v1, v57;
	v16 =	vld.idx.msk [tilespmem:v55+s20+$0x0], $0xffff  }
0x121: {  	v20 =	vadd.s32 v8, v15;
	_ =	sdelay $0x3  }
0x122: {  	v14 =	vld.idx.msk [tilespmem:v14+s28+$0x0], $0xffff;
	[tilespmem:v19+s29+$0x0] =	vst.idx.msk $0xffff, v16  }
0x123: {  	v58 =	vor.u32 v9, v57;
	v20 =	vld.idx.msk [tilespmem:v20+s20+$0x0], $0xffff  }
0x124: {  	v21 =	vadd.s32 v10, v15;
	_ =	sdelay $0x3  }
0x125: {  	[tilespmem:v58+s29+$0x0] =	vst.idx.msk $0xffff, v20  }
0x126: {  	v59 =	vor.u32 v11, v57;
	v21 =	vld.idx.msk [tilespmem:v21+s20+$0x0], $0xffff  }
0x127: {  	v15 =	vadd.s32 v12, v15;
	_ =	sdelay $0x3  }
0x128: {  	[tilespmem:v59+s29+$0x0] =	vst.idx.msk $0xffff, v21  }
0x129: {  	v15 =	vld.idx.msk [tilespmem:v15+s20+$0x0], $0xffff  }
0x12a: {  	v16 =	vand.u32 $0x7FFFFFFF, v16;
	v60 =	vand.u32 $0x7FFFFFFF, v20  }
0x12b: {  	v16 =	vadd.f32 v60, v16  }
0x12c: {  	v61 =	vand.u32 $0x7FFFFFFF, v21  }
0x12d: {  	v16 =	vadd.f32 v61, v16  }
0x12e: {  	v62 =	vand.u32 $0x7FFFFFFF, v15  }
0x12f: {  	v16 =	vadd.f32 v62, v16;
	_ =	sdelay $0x1  }
0x130: {  	(xrf2) =	vadd.scan.msk.f32 $0xffff, v16;
	_ =	sdelay $0x9  }
0x131: {  	v16, _, _ =	vpop (xrf2)  }
0x132: {  	(v2sf) =	vpush v16, $0xF;
	_ =	sdelay $0xc  }
0x133: {  	v63 =	vor.u32 v13, v57  }
0x134: {  	v18 =	vor.u32 $0x40, v57  }
0x135: {  	s1 =	spop (v2sf)  }
0x136: {  	s1 =	smul.f32 $1.562500020e-03, s1  }
0x137: {  	s9 =	sadd.s32 $0x1, s9;
	s2 =	simm.s32 @!p1 $0x0  }
0x138: {  	[smem:$0x3FC] =	sst @!p1 s2;
	p1 =	sne.s32 s9, $0x40;
	v14 =	vbroadcast v14, $0x0;
	[tilespmem:v63+s29+$0x0] =	vst.idx.msk $0xffff, v15;
	v15 =	vmov s1  }
0x139: {  	[smem:$0x3FC] =	sst s9;
	s2 =	simm.s32 @!p1 $0x1C200;
	[tilespmem:v18+s29+$0x0] =	vst.idx.msk $0x1, v15  }
0x13a: {  	s13 =	simm.s32 @!p1 $0x1A200;
	s14 =	simm.s32 @!p1 $0x5;
	s1 =	simm.s32 @!p1 $0x40;
	[tilespmem:v56+s30+$0x0] =	vst.idx.msk $0x1, v14  }
0x13b: {  	[hbm4b:s4+s1] =	stream.indirect.scatter @!p1 [tilespmem:s13], [sflag:$0x5], $0x80, s2, s1, $0xb8;
	[tilespmem:$0x1C280] =	vst v63  }
0x13c: {  	_ =	swait.ge @!p1 [sflag:s14], $0x2000  }
0x13d: {  	v14 =	vlaneseq.u32 @!p1;
	[sflag:s14] =	ssyncset.done @!p1 $0x0  }
0x13e: {  	v15 =	vor.u32 @!p1 $0x4000, v14;
	[sflag:s14] =	ssyncadd.s32 @!p1 $0xFFFFE000  }
0x13f: {  	v16 =	vor.u32 @!p1 $0x4030, v14;
	[tilespmem:$0x1C200] =	vst @!p1 v15  }
0x140: {  	v15 =	vor.u32 @!p1 $0x4020, v14;
	[tilespmem:$0x1C230] =	vst @!p1 v16  }
0x141: {  	s1 =	simm.s32 @!p1 $0x0;
	v14 =	vor.u32 @!p1 $0x4010, v14;
	[tilespmem:$0x1C220] =	vst @!p1 v15  }
0x142: {  	s9 =	simm.s32 @!p1 $0x0;
	[smem:$0x3FC] =	sst @!p1 s1;
	[tilespmem:$0x1C210] =	vst @!p1 v14  }
.LBB2_63:
0x143: {  	s1 =	sadd.s32 $0x7, s11  }
0x144: {  	p0 =	sge.s32 s1, s12  }
0x145: {  	s1 =	sld @!p0 [smem:s11+$0x307];
	_ =	sdelay $0x2  }
0x146: {  	s1 =	sadd.s32 @!p0 s6, s1  }
0x147: {  	s1 =	sshll.u32 @!p0 s1, $0x7  }
0x148: {  	s2 =	simm.s32 @!p0 $0x400;
	s1 =	sand.u32 @!p0 $0x1FFFFF80, s1  }
0x149: {  	s11 =	simm.s32 @!p0 $0x7A1400;
	s12 =	simm.s32 @!p0 $0x16200;
	s1 =	sadd.s32 @!p0 s3, s1  }
0x14a: {  	[tilespmem:s12], [sflag:$0x4] =	stream.strided.gather @!p0 [hbm4b:s1+s2], $0x2000, s11, s2, $0x38;
	[tilespmem:$0x1C280] =	vst v63  }
.LBB2_64:
0x14b: {  	s10 =	sadd.s32 $0x1, s10  }
0x14c: {  	p0 =	sne.s32 s10, $0x3E  }
.Ltmp19:
0x14d: {  	_ = 	snop;
	(pc) =	sbr.rel @!p0 .LBB2_65-.Ltmp19, $1  }
0x14e: {  	_ =	sdelay $0x3  }
.LBB2_32:
0x14f: {  	s12 =	sld [smem:$0x3FE];
	_ =	sdelay $0x1  }
0x150: {  	s11 =	sshll.u32 s10, $0x2  }
0x151: {  	p0 =	sge.s32 s11, s12  }
.Ltmp20:
0x152: {  	_ = 	snop;
	(pc) =	sbr.rel @p0 .LBB2_40-.Ltmp20, $1  }
0x153: {  	_ =	sdelay $0x3  }
0x154: {  	_ =	swait.ge [sflag:s23], $0x2000  }
0x155: {  	s1 =	sand.u32 $0xFC, s11;
	[sflag:s23] =	ssyncset.done $0x0  }
0x156: {  	s1 =	sor.u32 $0x300, s1;
	[sflag:s23] =	ssyncadd.s32 $0xFFFFE000  }
0x157: {  	s1 =	sld [smem:s1+$0x0];
	_ =	sdelay $0x2  }
0x158: {  	s14 =	sld [smem:s1+$0x100]  }
0x159: {  	s2 =	sld [smem:s1+$0x0];
	_ =	sdelay $0x2  }
0x15a: {  	s1 =	sadd.s32 s14, s2  }
0x15b: {  	p0 =	sge.s32 s14, s1  }
.Ltmp21:
0x15c: {  	_ = 	snop;
	(pc) =	sbr.rel @p0 .LBB2_39-.Ltmp21, $1  }
0x15d: {  	_ =	sdelay $0x3  }
0x15e: {  	s13 =	sadd.s32 $0xFFFFFFFF, s2  }
0x15f: {  	p0 =	sne.s32 s13, $0x0  }
.Ltmp22:
0x160: {  	_ = 	snop;
	(pc) =	sbr.rel @!p0 .LBB2_35-.Ltmp22, $2  }
0x161: {  	_ =	sdelay $0x2  }
0x162: {  	v14 =	vmov s14;
	p1 =	por $0x0, $0x0  }
0x163: {  	_ =	sdelay $0x3  }
0x164: {  	v15 =	vld.idx.msk [tilespmem:v14+s5+$0x0], $0xffff;
	_ =	sdelay $0x4  }
0x165: {  	v15 =	vbroadcast v15, $0x0;
	_ =	sdelay $0x1  }
0x166: {  	v16 =	vadd.s32 v4, v15;
	_ =	sdelay $0x2  }
0x167: {  	v17 =	vmov s9  }
0x168: {  	v18 =	vshll.u32 v17, $0x7  }
0x169: {  	v19 =	vor.u32 v1, v18;
	v16 =	vld.idx.msk [tilespmem:v16+s17+$0x0], $0xffff  }
0x16a: {  	v20 =	vadd.s32 v8, v15;
	_ =	sdelay $0x3  }
0x16b: {  	v14 =	vld.idx.msk [tilespmem:v14+s28+$0x0], $0xffff;
	[tilespmem:v19+s29+$0x0] =	vst.idx.msk $0xffff, v16  }
0x16c: {  	v19 =	vor.u32 v9, v18;
	v20 =	vld.idx.msk [tilespmem:v20+s17+$0x0], $0xffff  }
0x16d: {  	v21 =	vadd.s32 v10, v15;
	_ =	sdelay $0x3  }
0x16e: {  	[tilespmem:v19+s29+$0x0] =	vst.idx.msk $0xffff, v20  }
0x16f: {  	v19 =	vor.u32 v11, v18;
	v21 =	vld.idx.msk [tilespmem:v21+s17+$0x0], $0xffff  }
0x170: {  	v15 =	vadd.s32 v12, v15;
	_ =	sdelay $0x3  }
0x171: {  	[tilespmem:v19+s29+$0x0] =	vst.idx.msk $0xffff, v21  }
0x172: {  	v15 =	vld.idx.msk [tilespmem:v15+s17+$0x0], $0xffff  }
0x173: {  	v16 =	vand.u32 $0x7FFFFFFF, v16;
	v19 =	vand.u32 $0x7FFFFFFF, v20  }
0x174: {  	v16 =	vadd.f32 v19, v16  }
0x175: {  	v19 =	vand.u32 $0x7FFFFFFF, v21  }
0x176: {  	v16 =	vadd.f32 v19, v16  }
0x177: {  	v19 =	vand.u32 $0x7FFFFFFF, v15  }
0x178: {  	v16 =	vadd.f32 v19, v16;
	_ =	sdelay $0x1  }
0x179: {  	(xrf2) =	vadd.scan.msk.f32 $0xffff, v16;
	_ =	sdelay $0x9  }
0x17a: {  	v16, _, _ =	vpop (xrf2)  }
0x17b: {  	(v2sf) =	vpush v16, $0xF;
	_ =	sdelay $0xc  }
0x17c: {  	v16 =	vor.u32 v13, v18  }
0x17d: {  	v18 =	vor.u32 $0x40, v18  }
0x17e: {  	s1 =	spop (v2sf)  }
0x17f: {  	s13 =	sadd.s32 $0xFFFFFFFF, s13;
	s1 =	smul.f32 $1.562500020e-03, s1  }
0x180: {  	p0 =	sne.s32 s13, $0x0  }
.Ltmp23:
0x181: {  	s9 =	sadd.s32 $0x1, s9;
	v14 =	vbroadcast v14, $0x0;
	[tilespmem:v16+s29+$0x0] =	vst.idx.msk $0xffff, v15;
	v15 =	vmov s1;
	(pc) =	sbr.rel @!p0 .LBB2_38-.Ltmp23, $4  }
0x182: {  	s14 =	sadd.s32 $0x1, s14;
	p1 =	por $0x1, $0x1;
	p3 =	sne.s32 s9, $0x40;
	[tilespmem:v18+s29+$0x0] =	vst.idx.msk $0x1, v15  }
0x183: {  	[smem:$0x3FC] =	sst s9;
	s2 =	simm.s32 @!p3 $0x1C200;
	s15 =	simm.s32 @!p3 $0x1A200;
	[tilespmem:v17+s30+$0x0] =	vst.idx.msk $0x1, v14;
	v14 =	vlaneseq.u32 @!p3  }
0x184: {  	s9 =	simm.s32 @!p3 $0x0;
	s21 =	simm.s32 @!p3 $0x5;
	s1 =	simm.s32 @!p3 $0x40;
	v16 =	vor.u32 @!p3 $0x4000, v14;
	v15 =	vor.u32 @!p3 $0x4030, v14  }
0x185: {  	[hbm4b:s4+s1] =	stream.indirect.scatter @!p3 [tilespmem:s15], [sflag:$0x5], $0x80, s2, s1, $0xb8;
	v17 =	vor.u32 @!p3 $0x4010, v14;
	v18 =	vor.u32 @!p3 $0x4020, v14;
	v14 =	vmov s14;
	[tilespmem:$0x1C280] =	vst v63  }
.LBB2_37:
0x186: {  	s13 =	sadd.s32 $0xFFFFFFFF, s13;
	_ =	swait.ge @!p3 [sflag:s21], $0x2000  }
0x187: {  	p2 =	sne.s32 s13, $0x0;
	[sflag:s21] =	ssyncset.done @!p3 $0x0  }
0x188: {  	s1 =	simm.s32 @!p3 $0x0;
	[sflag:s21] =	ssyncadd.s32 @!p3 $0xFFFFE000  }
0x189: {  	[tilespmem:$0x1C200] =	vst @!p3 v16;
	[smem:$0x3FC] =	sst @!p3 s1  }
0x18a: {  	[tilespmem:$0x1C230] =	vst @!p3 v15  }
0x18b: {  	[tilespmem:$0x1C220] =	vst @!p3 v18  }
0x18c: {  	[tilespmem:$0x1C210] =	vst @!p3 v17  }
0x18d: {  	v15 =	vld.idx.msk [tilespmem:v14+s5+$0x0], $0xffff;
	_ =	sdelay $0x5  }
0x18e: {  	v15 =	vbroadcast v15, $0x0;
	_ =	sdelay $0x1  }
0x18f: {  	v16 =	vadd.s32 v4, v15  }
0x190: {  	v19 =	vmov s9  }
0x191: {  	v17 =	vshll.u32 v19, $0x7  }
0x192: {  	v18 =	vor.u32 v1, v17  }
0x193: {  	v20 =	vadd.s32 v8, v15  }
0x194: {  	v16 =	vld.idx.msk [tilespmem:v16+s17+$0x0], $0xffff;
	_ =	sdelay $0x1  }
0x195: {  	v14 =	vld.idx.msk [tilespmem:v14+s28+$0x0], $0xffff;
	_ =	sdelay $0x2  }
0x196: {  	v21 =	vor.u32 v9, v17  }
0x197: {  	[tilespmem:v18+s29+$0x0] =	vst.idx.msk $0xffff, v16;
	v18 =	vadd.s32 v10, v15  }
0x198: {  	v20 =	vld.idx.msk [tilespmem:v20+s17+$0x0], $0xffff;
	_ =	sdelay $0x4  }
0x199: {  	v22 =	vor.u32 v11, v17  }
0x19a: {  	v15 =	vadd.s32 v12, v15;
	[tilespmem:v21+s29+$0x0] =	vst.idx.msk $0xffff, v20  }
0x19b: {  	v18 =	vld.idx.msk [tilespmem:v18+s17+$0x0], $0xffff;
	_ =	sdelay $0x4  }
0x19c: {  	v21 =	vor.u32 v13, v17  }
0x19d: {  	v16 =	vand.u32 $0x7FFFFFFF, v16;
	v20 =	vand.u32 $0x7FFFFFFF, v20;
	[tilespmem:v22+s29+$0x0] =	vst.idx.msk $0xffff, v18  }
0x19e: {  	v16 =	vadd.f32 v20, v16;
	v15 =	vld.idx.msk [tilespmem:v15+s17+$0x0], $0xffff  }
0x19f: {  	v18 =	vand.u32 $0x7FFFFFFF, v18  }
0x1a0: {  	v16 =	vadd.f32 v18, v16;
	_ =	sdelay $0x3  }
0x1a1: {  	[tilespmem:v21+s29+$0x0] =	vst.idx.msk $0xffff, v15;
	v15 =	vand.u32 $0x7FFFFFFF, v15  }
0x1a2: {  	v15 =	vadd.f32 v15, v16;
	_ =	sdelay $0x1  }
0x1a3: {  	(xrf2) =	vadd.scan.msk.f32 $0xffff, v15;
	_ =	sdelay $0x9  }
0x1a4: {  	v15, _, _ =	vpop (xrf2)  }
0x1a5: {  	(v2sf) =	vpush v15, $0xF;
	_ =	sdelay $0xa  }
0x1a6: {  	v17 =	vor.u32 $0x40, v17;
	_ =	sdelay $0x2  }
0x1a7: {  	s9 =	sadd.s32 $0x1, s9  }
0x1a8: {  	p3 =	sne.s32 s9, $0x40;
	v14 =	vbroadcast v14, $0x0;
	s1 =	spop (v2sf)  }
0x1a9: {  	s2 =	simm.s32 @!p3 $0x40;
	s1 =	smul.f32 $1.562500020e-03, s1  }
.Ltmp24:
0x1aa: {  	s15 =	simm.s32 @!p3 $0x1C200;
	v18 =	vlaneseq.u32 @!p3;
	[smem:$0x3FC] =	sst s9;
	(pc) =	sbr.rel @p2 .LBB2_37-.Ltmp24, $4  }
0x1ab: {  	v16 =	vor.u32 @!p3 $0x4000, v18;
	v15 =	vor.u32 @!p3 $0x4030, v18;
	s9 =	simm.s32 @!p3 $0x0;
	v20 =	vmov s1;
	s1 =	simm.s32 @!p3 $0x1A200  }
0x1ac: {  	[tilespmem:v17+s29+$0x0] =	vst.idx.msk $0x1, v20;
	v17 =	vor.u32 @!p3 $0x4010, v18;
	v18 =	vor.u32 @!p3 $0x4020, v18  }
0x1ad: {  	s14 =	sadd.s32 $0x1, s14;
	s21 =	simm.s32 @!p3 $0x5;
	[tilespmem:v19+s30+$0x0] =	vst.idx.msk $0x1, v14  }
0x1ae: {  	v14 =	vmov s14;
	[hbm4b:s4+s2] =	stream.indirect.scatter @!p3 [tilespmem:s1], [sflag:$0x5], $0x80, s15, s2, $0xb8;
	[tilespmem:$0x1C280] =	vst v63  }
.LBB2_38:
0x1af: {  	p1 =	por p3, !p1  }
0x1b0: {  	_ =	swait.ge @!p1 [sflag:s21], $0x2000  }
0x1b1: {  	[sflag:s21] =	ssyncset.done @!p1 $0x0  }
0x1b2: {  	[sflag:s21] =	ssyncadd.s32 @!p1 $0xFFFFE000  }
0x1b3: {  	[tilespmem:$0x1C200] =	vst @!p1 v16  }
0x1b4: {  	[tilespmem:$0x1C230] =	vst @!p1 v15  }
0x1b5: {  	[tilespmem:$0x1C220] =	vst @!p1 v18  }
0x1b6: {  	[tilespmem:$0x1C210] =	vst @!p1 v17  }
0x1b7: {  	v15 =	vld.idx.msk [tilespmem:v14+s5+$0x0], $0xffff;
	_ =	sdelay $0x4  }
0x1b8: {  	v15 =	vbroadcast v15, $0x0;
	_ =	sdelay $0x1  }
0x1b9: {  	v55 =	vadd.s32 v4, v15;
	_ =	sdelay $0x2  }
0x1ba: {  	v56 =	vmov s9  }
0x1bb: {  	v57 =	vshll.u32 v56, $0x7  }
0x1bc: {  	v19 =	vor.u32 v1, v57;
	v16 =	vld.idx.msk [tilespmem:v55+s17+$0x0], $0xffff  }
0x1bd: {  	v20 =	vadd.s32 v8, v15;
	_ =	sdelay $0x3  }
0x1be: {  	v14 =	vld.idx.msk [tilespmem:v14+s28+$0x0], $0xffff;
	[tilespmem:v19+s29+$0x0] =	vst.idx.msk $0xffff, v16  }
0x1bf: {  	v58 =	vor.u32 v9, v57;
	v20 =	vld.idx.msk [tilespmem:v20+s17+$0x0], $0xffff  }
0x1c0: {  	v21 =	vadd.s32 v10, v15;
	_ =	sdelay $0x3  }
0x1c1: {  	[tilespmem:v58+s29+$0x0] =	vst.idx.msk $0xffff, v20  }
0x1c2: {  	v59 =	vor.u32 v11, v57;
	v21 =	vld.idx.msk [tilespmem:v21+s17+$0x0], $0xffff  }
0x1c3: {  	v15 =	vadd.s32 v12, v15;
	_ =	sdelay $0x3  }
0x1c4: {  	[tilespmem:v59+s29+$0x0] =	vst.idx.msk $0xffff, v21  }
0x1c5: {  	v15 =	vld.idx.msk [tilespmem:v15+s17+$0x0], $0xffff  }
0x1c6: {  	v16 =	vand.u32 $0x7FFFFFFF, v16;
	v60 =	vand.u32 $0x7FFFFFFF, v20  }
0x1c7: {  	v16 =	vadd.f32 v60, v16  }
0x1c8: {  	v61 =	vand.u32 $0x7FFFFFFF, v21  }
0x1c9: {  	v16 =	vadd.f32 v61, v16  }
0x1ca: {  	v62 =	vand.u32 $0x7FFFFFFF, v15  }
0x1cb: {  	v16 =	vadd.f32 v62, v16;
	_ =	sdelay $0x1  }
0x1cc: {  	(xrf2) =	vadd.scan.msk.f32 $0xffff, v16;
	_ =	sdelay $0x9  }
0x1cd: {  	v16, _, _ =	vpop (xrf2)  }
0x1ce: {  	(v2sf) =	vpush v16, $0xF;
	_ =	sdelay $0xc  }
0x1cf: {  	v63 =	vor.u32 v13, v57  }
0x1d0: {  	v18 =	vor.u32 $0x40, v57  }
0x1d1: {  	s1 =	spop (v2sf)  }
0x1d2: {  	s1 =	smul.f32 $1.562500020e-03, s1  }
0x1d3: {  	s9 =	sadd.s32 $0x1, s9;
	s2 =	simm.s32 @!p1 $0x0  }
0x1d4: {  	[smem:$0x3FC] =	sst @!p1 s2;
	p1 =	sne.s32 s9, $0x40;
	v14 =	vbroadcast v14, $0x0;
	[tilespmem:v63+s29+$0x0] =	vst.idx.msk $0xffff, v15;
	v15 =	vmov s1  }
0x1d5: {  	[smem:$0x3FC] =	sst s9;
	s2 =	simm.s32 @!p1 $0x1C200;
	[tilespmem:v18+s29+$0x0] =	vst.idx.msk $0x1, v15  }
0x1d6: {  	s13 =	simm.s32 @!p1 $0x1A200;
	s14 =	simm.s32 @!p1 $0x5;
	s1 =	simm.s32 @!p1 $0x40;
	[tilespmem:v56+s30+$0x0] =	vst.idx.msk $0x1, v14  }
0x1d7: {  	[hbm4b:s4+s1] =	stream.indirect.scatter @!p1 [tilespmem:s13], [sflag:$0x5], $0x80, s2, s1, $0xb8;
	[tilespmem:$0x1C280] =	vst v63  }
0x1d8: {  	_ =	swait.ge @!p1 [sflag:s14], $0x2000  }
0x1d9: {  	v14 =	vlaneseq.u32 @!p1;
	[sflag:s14] =	ssyncset.done @!p1 $0x0  }
0x1da: {  	v15 =	vor.u32 @!p1 $0x4000, v14;
	[sflag:s14] =	ssyncadd.s32 @!p1 $0xFFFFE000  }
0x1db: {  	v16 =	vor.u32 @!p1 $0x4030, v14;
	[tilespmem:$0x1C200] =	vst @!p1 v15  }
0x1dc: {  	v15 =	vor.u32 @!p1 $0x4020, v14;
	[tilespmem:$0x1C230] =	vst @!p1 v16  }
0x1dd: {  	s1 =	simm.s32 @!p1 $0x0;
	v14 =	vor.u32 @!p1 $0x4010, v14;
	[tilespmem:$0x1C220] =	vst @!p1 v15  }
0x1de: {  	s9 =	simm.s32 @!p1 $0x0;
	[smem:$0x3FC] =	sst @!p1 s1;
	[tilespmem:$0x1C210] =	vst @!p1 v14  }
.LBB2_39:
0x1df: {  	s1 =	sadd.s32 $0x4, s11  }
0x1e0: {  	p0 =	sge.s32 s1, s12  }
0x1e1: {  	s1 =	sld @!p0 [smem:s11+$0x304];
	_ =	sdelay $0x2  }
0x1e2: {  	s1 =	sadd.s32 @!p0 s6, s1  }
0x1e3: {  	s1 =	sshll.u32 @!p0 s1, $0x7  }
0x1e4: {  	s2 =	simm.s32 @!p0 $0x400;
	s1 =	sand.u32 @!p0 $0x1FFFFF80, s1  }
0x1e5: {  	s13 =	simm.s32 @!p0 $0x7A1400;
	s14 =	simm.s32 @!p0 $0x10200;
	s1 =	sadd.s32 @!p0 s3, s1  }
0x1e6: {  	[tilespmem:s14], [sflag:$0x1] =	stream.strided.gather @!p0 [hbm4b:s1+s2], $0x2000, s13, s2, $0x38;
	[tilespmem:$0x1C280] =	vst v63  }
.LBB2_40:
0x1e7: {  	s1 =	sor.u32 $0x1, s11  }
0x1e8: {  	p0 =	sge.s32 s1, s12  }
.Ltmp25:
0x1e9: {  	_ = 	snop;
	(pc) =	sbr.rel @p0 .LBB2_48-.Ltmp25, $1  }
0x1ea: {  	_ =	sdelay $0x3  }
0x1eb: {  	_ =	swait.ge [sflag:s24], $0x2000  }
0x1ec: {  	[sflag:s24] =	ssyncset.done $0x0  }
0x1ed: {  	[sflag:s24] =	ssyncadd.s32 $0xFFFFE000  }
0x1ee: {  	s1 =	sld [smem:s11+$0x301];
	_ =	sdelay $0x2  }
0x1ef: {  	s14 =	sld [smem:s1+$0x100]  }
0x1f0: {  	s2 =	sld [smem:s1+$0x0];
	_ =	sdelay $0x2  }
0x1f1: {  	s1 =	sadd.s32 s14, s2  }
0x1f2: {  	p0 =	sge.s32 s14, s1  }
.Ltmp26:
0x1f3: {  	_ = 	snop;
	(pc) =	sbr.rel @p0 .LBB2_47-.Ltmp26, $1  }
0x1f4: {  	_ =	sdelay $0x3  }
0x1f5: {  	s13 =	sadd.s32 $0xFFFFFFFF, s2  }
0x1f6: {  	p0 =	sne.s32 s13, $0x0  }
.Ltmp27:
0x1f7: {  	_ = 	snop;
	(pc) =	sbr.rel @!p0 .LBB2_43-.Ltmp27, $2  }
0x1f8: {  	_ =	sdelay $0x2  }
0x1f9: {  	v14 =	vmov s14;
	p1 =	por $0x0, $0x0  }
0x1fa: {  	_ =	sdelay $0x3  }
0x1fb: {  	v15 =	vld.idx.msk [tilespmem:v14+s5+$0x0], $0xffff;
	_ =	sdelay $0x4  }
0x1fc: {  	v15 =	vbroadcast v15, $0x0;
	_ =	sdelay $0x1  }
0x1fd: {  	v16 =	vadd.s32 v4, v15;
	_ =	sdelay $0x2  }
0x1fe: {  	v17 =	vmov s9  }
0x1ff: {  	v18 =	vshll.u32 v17, $0x7  }
0x200: {  	v19 =	vor.u32 v1, v18;
	v16 =	vld.idx.msk [tilespmem:v16+s18+$0x0], $0xffff  }
0x201: {  	v20 =	vadd.s32 v8, v15;
	_ =	sdelay $0x3  }
0x202: {  	v14 =	vld.idx.msk [tilespmem:v14+s28+$0x0], $0xffff;
	[tilespmem:v19+s29+$0x0] =	vst.idx.msk $0xffff, v16  }
0x203: {  	v19 =	vor.u32 v9, v18;
	v20 =	vld.idx.msk [tilespmem:v20+s18+$0x0], $0xffff  }
0x204: {  	v21 =	vadd.s32 v10, v15;
	_ =	sdelay $0x3  }
0x205: {  	[tilespmem:v19+s29+$0x0] =	vst.idx.msk $0xffff, v20  }
0x206: {  	v19 =	vor.u32 v11, v18;
	v21 =	vld.idx.msk [tilespmem:v21+s18+$0x0], $0xffff  }
0x207: {  	v15 =	vadd.s32 v12, v15;
	_ =	sdelay $0x3  }
0x208: {  	[tilespmem:v19+s29+$0x0] =	vst.idx.msk $0xffff, v21  }
0x209: {  	v15 =	vld.idx.msk [tilespmem:v15+s18+$0x0], $0xffff  }
0x20a: {  	v16 =	vand.u32 $0x7FFFFFFF, v16;
	v19 =	vand.u32 $0x7FFFFFFF, v20  }
0x20b: {  	v16 =	vadd.f32 v19, v16  }
0x20c: {  	v19 =	vand.u32 $0x7FFFFFFF, v21  }
0x20d: {  	v16 =	vadd.f32 v19, v16  }
0x20e: {  	v19 =	vand.u32 $0x7FFFFFFF, v15  }
0x20f: {  	v16 =	vadd.f32 v19, v16;
	_ =	sdelay $0x1  }
0x210: {  	(xrf2) =	vadd.scan.msk.f32 $0xffff, v16;
	_ =	sdelay $0x9  }
0x211: {  	v16, _, _ =	vpop (xrf2)  }
0x212: {  	(v2sf) =	vpush v16, $0xF;
	_ =	sdelay $0xc  }
0x213: {  	v16 =	vor.u32 v13, v18  }
0x214: {  	v18 =	vor.u32 $0x40, v18  }
0x215: {  	s1 =	spop (v2sf)  }
0x216: {  	s13 =	sadd.s32 $0xFFFFFFFF, s13;
	s1 =	smul.f32 $1.562500020e-03, s1  }
0x217: {  	p0 =	sne.s32 s13, $0x0  }
.Ltmp28:
0x218: {  	s9 =	sadd.s32 $0x1, s9;
	v14 =	vbroadcast v14, $0x0;
	[tilespmem:v16+s29+$0x0] =	vst.idx.msk $0xffff, v15;
	v15 =	vmov s1;
	(pc) =	sbr.rel @!p0 .LBB2_46-.Ltmp28, $4  }
0x219: {  	s14 =	sadd.s32 $0x1, s14;
	p1 =	por $0x1, $0x1;
	p3 =	sne.s32 s9, $0x40;
	[tilespmem:v18+s29+$0x0] =	vst.idx.msk $0x1, v15  }
0x21a: {  	[smem:$0x3FC] =	sst s9;
	s2 =	simm.s32 @!p3 $0x1C200;
	s15 =	simm.s32 @!p3 $0x1A200;
	[tilespmem:v17+s30+$0x0] =	vst.idx.msk $0x1, v14;
	v14 =	vlaneseq.u32 @!p3  }
0x21b: {  	s9 =	simm.s32 @!p3 $0x0;
	s21 =	simm.s32 @!p3 $0x5;
	s1 =	simm.s32 @!p3 $0x40;
	v16 =	vor.u32 @!p3 $0x4000, v14;
	v15 =	vor.u32 @!p3 $0x4030, v14  }
0x21c: {  	[hbm4b:s4+s1] =	stream.indirect.scatter @!p3 [tilespmem:s15], [sflag:$0x5], $0x80, s2, s1, $0xb8;
	v17 =	vor.u32 @!p3 $0x4010, v14;
	v18 =	vor.u32 @!p3 $0x4020, v14;
	v14 =	vmov s14;
	[tilespmem:$0x1C280] =	vst v63  }
.LBB2_45:
0x21d: {  	s13 =	sadd.s32 $0xFFFFFFFF, s13;
	_ =	swait.ge @!p3 [sflag:s21], $0x2000  }
0x21e: {  	p2 =	sne.s32 s13, $0x0;
	[sflag:s21] =	ssyncset.done @!p3 $0x0  }
0x21f: {  	s1 =	simm.s32 @!p3 $0x0;
	[sflag:s21] =	ssyncadd.s32 @!p3 $0xFFFFE000  }
0x220: {  	[tilespmem:$0x1C200] =	vst @!p3 v16;
	[smem:$0x3FC] =	sst @!p3 s1  }
0x221: {  	[tilespmem:$0x1C230] =	vst @!p3 v15  }
0x222: {  	[tilespmem:$0x1C220] =	vst @!p3 v18  }
0x223: {  	[tilespmem:$0x1C210] =	vst @!p3 v17  }
0x224: {  	v15 =	vld.idx.msk [tilespmem:v14+s5+$0x0], $0xffff;
	_ =	sdelay $0x5  }
0x225: {  	v15 =	vbroadcast v15, $0x0;
	_ =	sdelay $0x1  }
0x226: {  	v16 =	vadd.s32 v4, v15  }
0x227: {  	v19 =	vmov s9  }
0x228: {  	v17 =	vshll.u32 v19, $0x7  }
0x229: {  	v18 =	vor.u32 v1, v17  }
0x22a: {  	v20 =	vadd.s32 v8, v15  }
0x22b: {  	v16 =	vld.idx.msk [tilespmem:v16+s18+$0x0], $0xffff;
	_ =	sdelay $0x1  }
0x22c: {  	v14 =	vld.idx.msk [tilespmem:v14+s28+$0x0], $0xffff;
	_ =	sdelay $0x2  }
0x22d: {  	v21 =	vor.u32 v9, v17  }
0x22e: {  	[tilespmem:v18+s29+$0x0] =	vst.idx.msk $0xffff, v16;
	v18 =	vadd.s32 v10, v15  }
0x22f: {  	v20 =	vld.idx.msk [tilespmem:v20+s18+$0x0], $0xffff;
	_ =	sdelay $0x4  }
0x230: {  	v22 =	vor.u32 v11, v17  }
0x231: {  	v15 =	vadd.s32 v12, v15;
	[tilespmem:v21+s29+$0x0] =	vst.idx.msk $0xffff, v20  }
0x232: {  	v18 =	vld.idx.msk [tilespmem:v18+s18+$0x0], $0xffff;
	_ =	sdelay $0x4  }
0x233: {  	v21 =	vor.u32 v13, v17  }
0x234: {  	v16 =	vand.u32 $0x7FFFFFFF, v16;
	v20 =	vand.u32 $0x7FFFFFFF, v20;
	[tilespmem:v22+s29+$0x0] =	vst.idx.msk $0xffff, v18  }
0x235: {  	v16 =	vadd.f32 v20, v16;
	v15 =	vld.idx.msk [tilespmem:v15+s18+$0x0], $0xffff  }
0x236: {  	v18 =	vand.u32 $0x7FFFFFFF, v18  }
0x237: {  	v16 =	vadd.f32 v18, v16;
	_ =	sdelay $0x3  }
0x238: {  	[tilespmem:v21+s29+$0x0] =	vst.idx.msk $0xffff, v15;
	v15 =	vand.u32 $0x7FFFFFFF, v15  }
0x239: {  	v15 =	vadd.f32 v15, v16;
	_ =	sdelay $0x1  }
0x23a: {  	(xrf2) =	vadd.scan.msk.f32 $0xffff, v15;
	_ =	sdelay $0x9  }
0x23b: {  	v15, _, _ =	vpop (xrf2)  }
0x23c: {  	(v2sf) =	vpush v15, $0xF;
	_ =	sdelay $0xa  }
0x23d: {  	v17 =	vor.u32 $0x40, v17;
	_ =	sdelay $0x2  }
0x23e: {  	s9 =	sadd.s32 $0x1, s9  }
0x23f: {  	p3 =	sne.s32 s9, $0x40;
	v14 =	vbroadcast v14, $0x0;
	s1 =	spop (v2sf)  }
0x240: {  	s2 =	simm.s32 @!p3 $0x40;
	s1 =	smul.f32 $1.562500020e-03, s1  }
.Ltmp29:
0x241: {  	s15 =	simm.s32 @!p3 $0x1C200;
	v18 =	vlaneseq.u32 @!p3;
	[smem:$0x3FC] =	sst s9;
	(pc) =	sbr.rel @p2 .LBB2_45-.Ltmp29, $4  }
0x242: {  	v16 =	vor.u32 @!p3 $0x4000, v18;
	v15 =	vor.u32 @!p3 $0x4030, v18;
	s9 =	simm.s32 @!p3 $0x0;
	v20 =	vmov s1;
	s1 =	simm.s32 @!p3 $0x1A200  }
0x243: {  	[tilespmem:v17+s29+$0x0] =	vst.idx.msk $0x1, v20;
	v17 =	vor.u32 @!p3 $0x4010, v18;
	v18 =	vor.u32 @!p3 $0x4020, v18  }
0x244: {  	s14 =	sadd.s32 $0x1, s14;
	s21 =	simm.s32 @!p3 $0x5;
	[tilespmem:v19+s30+$0x0] =	vst.idx.msk $0x1, v14  }
0x245: {  	v14 =	vmov s14;
	[hbm4b:s4+s2] =	stream.indirect.scatter @!p3 [tilespmem:s1], [sflag:$0x5], $0x80, s15, s2, $0xb8;
	[tilespmem:$0x1C280] =	vst v63  }
.LBB2_46:
0x246: {  	p1 =	por p3, !p1  }
0x247: {  	_ =	swait.ge @!p1 [sflag:s21], $0x2000  }
0x248: {  	[sflag:s21] =	ssyncset.done @!p1 $0x0  }
0x249: {  	[sflag:s21] =	ssyncadd.s32 @!p1 $0xFFFFE000  }
0x24a: {  	[tilespmem:$0x1C200] =	vst @!p1 v16  }
0x24b: {  	[tilespmem:$0x1C230] =	vst @!p1 v15  }
0x24c: {  	[tilespmem:$0x1C220] =	vst @!p1 v18  }
0x24d: {  	[tilespmem:$0x1C210] =	vst @!p1 v17  }
0x24e: {  	v15 =	vld.idx.msk [tilespmem:v14+s5+$0x0], $0xffff;
	_ =	sdelay $0x4  }
0x24f: {  	v15 =	vbroadcast v15, $0x0;
	_ =	sdelay $0x1  }
0x250: {  	v55 =	vadd.s32 v4, v15;
	_ =	sdelay $0x2  }
0x251: {  	v56 =	vmov s9  }
0x252: {  	v57 =	vshll.u32 v56, $0x7  }
0x253: {  	v19 =	vor.u32 v1, v57;
	v16 =	vld.idx.msk [tilespmem:v55+s18+$0x0], $0xffff  }
0x254: {  	v20 =	vadd.s32 v8, v15;
	_ =	sdelay $0x3  }
0x255: {  	v14 =	vld.idx.msk [tilespmem:v14+s28+$0x0], $0xffff;
	[tilespmem:v19+s29+$0x0] =	vst.idx.msk $0xffff, v16  }
0x256: {  	v58 =	vor.u32 v9, v57;
	v20 =	vld.idx.msk [tilespmem:v20+s18+$0x0], $0xffff  }
0x257: {  	v21 =	vadd.s32 v10, v15;
	_ =	sdelay $0x3  }
0x258: {  	[tilespmem:v58+s29+$0x0] =	vst.idx.msk $0xffff, v20  }
0x259: {  	v59 =	vor.u32 v11, v57;
	v21 =	vld.idx.msk [tilespmem:v21+s18+$0x0], $0xffff  }
0x25a: {  	v15 =	vadd.s32 v12, v15;
	_ =	sdelay $0x3  }
0x25b: {  	[tilespmem:v59+s29+$0x0] =	vst.idx.msk $0xffff, v21  }
0x25c: {  	v15 =	vld.idx.msk [tilespmem:v15+s18+$0x0], $0xffff  }
0x25d: {  	v16 =	vand.u32 $0x7FFFFFFF, v16;
	v60 =	vand.u32 $0x7FFFFFFF, v20  }
0x25e: {  	v16 =	vadd.f32 v60, v16  }
0x25f: {  	v61 =	vand.u32 $0x7FFFFFFF, v21  }
0x260: {  	v16 =	vadd.f32 v61, v16  }
0x261: {  	v62 =	vand.u32 $0x7FFFFFFF, v15  }
0x262: {  	v16 =	vadd.f32 v62, v16;
	_ =	sdelay $0x1  }
0x263: {  	(xrf2) =	vadd.scan.msk.f32 $0xffff, v16;
	_ =	sdelay $0x9  }
0x264: {  	v16, _, _ =	vpop (xrf2)  }
0x265: {  	(v2sf) =	vpush v16, $0xF;
	_ =	sdelay $0xc  }
0x266: {  	v63 =	vor.u32 v13, v57  }
0x267: {  	v18 =	vor.u32 $0x40, v57  }
0x268: {  	s1 =	spop (v2sf)  }
0x269: {  	s1 =	smul.f32 $1.562500020e-03, s1  }
0x26a: {  	s9 =	sadd.s32 $0x1, s9;
	s2 =	simm.s32 @!p1 $0x0  }
0x26b: {  	[smem:$0x3FC] =	sst @!p1 s2;
	p1 =	sne.s32 s9, $0x40;
	v14 =	vbroadcast v14, $0x0;
	[tilespmem:v63+s29+$0x0] =	vst.idx.msk $0xffff, v15;
	v15 =	vmov s1  }
0x26c: {  	[smem:$0x3FC] =	sst s9;
	s2 =	simm.s32 @!p1 $0x1C200;
	[tilespmem:v18+s29+$0x0] =	vst.idx.msk $0x1, v15  }
0x26d: {  	s13 =	simm.s32 @!p1 $0x1A200;
	s14 =	simm.s32 @!p1 $0x5;
	s1 =	simm.s32 @!p1 $0x40;
	[tilespmem:v56+s30+$0x0] =	vst.idx.msk $0x1, v14  }
0x26e: {  	[hbm4b:s4+s1] =	stream.indirect.scatter @!p1 [tilespmem:s13], [sflag:$0x5], $0x80, s2, s1, $0xb8;
	[tilespmem:$0x1C280] =	vst v63  }
0x26f: {  	_ =	swait.ge @!p1 [sflag:s14], $0x2000  }
0x270: {  	v14 =	vlaneseq.u32 @!p1;
	[sflag:s14] =	ssyncset.done @!p1 $0x0  }
0x271: {  	v15 =	vor.u32 @!p1 $0x4000, v14;
	[sflag:s14] =	ssyncadd.s32 @!p1 $0xFFFFE000  }
0x272: {  	v16 =	vor.u32 @!p1 $0x4030, v14;
	[tilespmem:$0x1C200] =	vst @!p1 v15  }
0x273: {  	v15 =	vor.u32 @!p1 $0x4020, v14;
	[tilespmem:$0x1C230] =	vst @!p1 v16  }
0x274: {  	s1 =	simm.s32 @!p1 $0x0;
	v14 =	vor.u32 @!p1 $0x4010, v14;
	[tilespmem:$0x1C220] =	vst @!p1 v15  }
0x275: {  	s9 =	simm.s32 @!p1 $0x0;
	[smem:$0x3FC] =	sst @!p1 s1;
	[tilespmem:$0x1C210] =	vst @!p1 v14  }
.LBB2_47:
0x276: {  	s1 =	sadd.s32 $0x5, s11  }
0x277: {  	p0 =	sge.s32 s1, s12  }
0x278: {  	s1 =	sld @!p0 [smem:s11+$0x305];
	_ =	sdelay $0x2  }
0x279: {  	s1 =	sadd.s32 @!p0 s6, s1  }
0x27a: {  	s1 =	sshll.u32 @!p0 s1, $0x7  }
0x27b: {  	s2 =	simm.s32 @!p0 $0x400;
	s1 =	sand.u32 @!p0 $0x1FFFFF80, s1  }
0x27c: {  	s13 =	simm.s32 @!p0 $0x7A1400;
	s14 =	simm.s32 @!p0 $0x12200;
	s1 =	sadd.s32 @!p0 s3, s1  }
0x27d: {  	[tilespmem:s14], [sflag:$0x2] =	stream.strided.gather @!p0 [hbm4b:s1+s2], $0x2000, s13, s2, $0x38;
	[tilespmem:$0x1C280] =	vst v63  }
.LBB2_48:
0x27e: {  	s1 =	sor.u32 $0x2, s11  }
0x27f: {  	p0 =	sge.s32 s1, s12  }
.Ltmp30:
0x280: {  	_ = 	snop;
	(pc) =	sbr.rel @p0 .LBB2_56-.Ltmp30, $1  }
0x281: {  	_ =	sdelay $0x3  }
0x282: {  	_ =	swait.ge [sflag:s25], $0x2000  }
0x283: {  	[sflag:s25] =	ssyncset.done $0x0  }
0x284: {  	[sflag:s25] =	ssyncadd.s32 $0xFFFFE000  }
0x285: {  	s1 =	sld [smem:s11+$0x302];
	_ =	sdelay $0x2  }
0x286: {  	s14 =	sld [smem:s1+$0x100]  }
0x287: {  	s2 =	sld [smem:s1+$0x0];
	_ =	sdelay $0x2  }
0x288: {  	s1 =	sadd.s32 s14, s2  }
0x289: {  	p0 =	sge.s32 s14, s1  }
.Ltmp31:
0x28a: {  	_ = 	snop;
	(pc) =	sbr.rel @p0 .LBB2_55-.Ltmp31, $1  }
0x28b: {  	_ =	sdelay $0x3  }
0x28c: {  	s13 =	sadd.s32 $0xFFFFFFFF, s2  }
0x28d: {  	p0 =	sne.s32 s13, $0x0  }
.Ltmp32:
0x28e: {  	_ = 	snop;
	(pc) =	sbr.rel @!p0 .LBB2_51-.Ltmp32, $2  }
0x28f: {  	_ =	sdelay $0x2  }
0x290: {  	v14 =	vmov s14;
	p1 =	por $0x0, $0x0  }
0x291: {  	_ =	sdelay $0x3  }
0x292: {  	v15 =	vld.idx.msk [tilespmem:v14+s5+$0x0], $0xffff;
	_ =	sdelay $0x4  }
0x293: {  	v15 =	vbroadcast v15, $0x0;
	_ =	sdelay $0x1  }
0x294: {  	v16 =	vadd.s32 v4, v15;
	_ =	sdelay $0x2  }
0x295: {  	v17 =	vmov s9  }
0x296: {  	v18 =	vshll.u32 v17, $0x7  }
0x297: {  	v19 =	vor.u32 v1, v18;
	v16 =	vld.idx.msk [tilespmem:v16+s19+$0x0], $0xffff  }
0x298: {  	v20 =	vadd.s32 v8, v15;
	_ =	sdelay $0x3  }
0x299: {  	v14 =	vld.idx.msk [tilespmem:v14+s28+$0x0], $0xffff;
	[tilespmem:v19+s29+$0x0] =	vst.idx.msk $0xffff, v16  }
0x29a: {  	v19 =	vor.u32 v9, v18;
	v20 =	vld.idx.msk [tilespmem:v20+s19+$0x0], $0xffff  }
0x29b: {  	v21 =	vadd.s32 v10, v15;
	_ =	sdelay $0x3  }
0x29c: {  	[tilespmem:v19+s29+$0x0] =	vst.idx.msk $0xffff, v20  }
0x29d: {  	v19 =	vor.u32 v11, v18;
	v21 =	vld.idx.msk [tilespmem:v21+s19+$0x0], $0xffff  }
0x29e: {  	v15 =	vadd.s32 v12, v15;
	_ =	sdelay $0x3  }
0x29f: {  	[tilespmem:v19+s29+$0x0] =	vst.idx.msk $0xffff, v21  }
0x2a0: {  	v15 =	vld.idx.msk [tilespmem:v15+s19+$0x0], $0xffff  }
0x2a1: {  	v16 =	vand.u32 $0x7FFFFFFF, v16;
	v19 =	vand.u32 $0x7FFFFFFF, v20  }
0x2a2: {  	v16 =	vadd.f32 v19, v16  }
0x2a3: {  	v19 =	vand.u32 $0x7FFFFFFF, v21  }
0x2a4: {  	v16 =	vadd.f32 v19, v16  }
0x2a5: {  	v19 =	vand.u32 $0x7FFFFFFF, v15  }
0x2a6: {  	v16 =	vadd.f32 v19, v16;
	_ =	sdelay $0x1  }
0x2a7: {  	(xrf2) =	vadd.scan.msk.f32 $0xffff, v16;
	_ =	sdelay $0x9  }
0x2a8: {  	v16, _, _ =	vpop (xrf2)  }
0x2a9: {  	(v2sf) =	vpush v16, $0xF;
	_ =	sdelay $0xc  }
0x2aa: {  	v16 =	vor.u32 v13, v18  }
0x2ab: {  	v18 =	vor.u32 $0x40, v18  }
0x2ac: {  	s1 =	spop (v2sf)  }
0x2ad: {  	s13 =	sadd.s32 $0xFFFFFFFF, s13;
	s1 =	smul.f32 $1.562500020e-03, s1  }
0x2ae: {  	p0 =	sne.s32 s13, $0x0  }
.Ltmp33:
0x2af: {  	s9 =	sadd.s32 $0x1, s9;
	v14 =	vbroadcast v14, $0x0;
	[tilespmem:v16+s29+$0x0] =	vst.idx.msk $0xffff, v15;
	v15 =	vmov s1;
	(pc) =	sbr.rel @!p0 .LBB2_54-.Ltmp33, $4  }
0x2b0: {  	s14 =	sadd.s32 $0x1, s14;
	p1 =	por $0x1, $0x1;
	p3 =	sne.s32 s9, $0x40;
	[tilespmem:v18+s29+$0x0] =	vst.idx.msk $0x1, v15  }
0x2b1: {  	[smem:$0x3FC] =	sst s9;
	s2 =	simm.s32 @!p3 $0x1C200;
	s15 =	simm.s32 @!p3 $0x1A200;
	[tilespmem:v17+s30+$0x0] =	vst.idx.msk $0x1, v14;
	v14 =	vlaneseq.u32 @!p3  }
0x2b2: {  	s9 =	simm.s32 @!p3 $0x0;
	s21 =	simm.s32 @!p3 $0x5;
	s1 =	simm.s32 @!p3 $0x40;
	v16 =	vor.u32 @!p3 $0x4000, v14;
	v15 =	vor.u32 @!p3 $0x4030, v14  }
0x2b3: {  	[hbm4b:s4+s1] =	stream.indirect.scatter @!p3 [tilespmem:s15], [sflag:$0x5], $0x80, s2, s1, $0xb8;
	v17 =	vor.u32 @!p3 $0x4010, v14;
	v18 =	vor.u32 @!p3 $0x4020, v14;
	v14 =	vmov s14;
	[tilespmem:$0x1C280] =	vst v63  }
.LBB2_53:
0x2b4: {  	s13 =	sadd.s32 $0xFFFFFFFF, s13;
	_ =	swait.ge @!p3 [sflag:s21], $0x2000  }
0x2b5: {  	p2 =	sne.s32 s13, $0x0;
	[sflag:s21] =	ssyncset.done @!p3 $0x0  }
0x2b6: {  	s1 =	simm.s32 @!p3 $0x0;
	[sflag:s21] =	ssyncadd.s32 @!p3 $0xFFFFE000  }
0x2b7: {  	[tilespmem:$0x1C200] =	vst @!p3 v16;
	[smem:$0x3FC] =	sst @!p3 s1  }
0x2b8: {  	[tilespmem:$0x1C230] =	vst @!p3 v15  }
0x2b9: {  	[tilespmem:$0x1C220] =	vst @!p3 v18  }
0x2ba: {  	[tilespmem:$0x1C210] =	vst @!p3 v17  }
0x2bb: {  	v15 =	vld.idx.msk [tilespmem:v14+s5+$0x0], $0xffff;
	_ =	sdelay $0x5  }
0x2bc: {  	v15 =	vbroadcast v15, $0x0;
	_ =	sdelay $0x1  }
0x2bd: {  	v16 =	vadd.s32 v4, v15  }
0x2be: {  	v19 =	vmov s9  }
0x2bf: {  	v17 =	vshll.u32 v19, $0x7  }
0x2c0: {  	v18 =	vor.u32 v1, v17  }
0x2c1: {  	v20 =	vadd.s32 v8, v15  }
0x2c2: {  	v16 =	vld.idx.msk [tilespmem:v16+s19+$0x0], $0xffff;
	_ =	sdelay $0x1  }
0x2c3: {  	v14 =	vld.idx.msk [tilespmem:v14+s28+$0x0], $0xffff;
	_ =	sdelay $0x2  }
0x2c4: {  	v21 =	vor.u32 v9, v17  }
0x2c5: {  	[tilespmem:v18+s29+$0x0] =	vst.idx.msk $0xffff, v16;
	v18 =	vadd.s32 v10, v15  }
0x2c6: {  	v20 =	vld.idx.msk [tilespmem:v20+s19+$0x0], $0xffff;
	_ =	sdelay $0x4  }
0x2c7: {  	v22 =	vor.u32 v11, v17  }
0x2c8: {  	v15 =	vadd.s32 v12, v15;
	[tilespmem:v21+s29+$0x0] =	vst.idx.msk $0xffff, v20  }
0x2c9: {  	v18 =	vld.idx.msk [tilespmem:v18+s19+$0x0], $0xffff;
	_ =	sdelay $0x4  }
0x2ca: {  	v21 =	vor.u32 v13, v17  }
0x2cb: {  	v16 =	vand.u32 $0x7FFFFFFF, v16;
	v20 =	vand.u32 $0x7FFFFFFF, v20;
	[tilespmem:v22+s29+$0x0] =	vst.idx.msk $0xffff, v18  }
0x2cc: {  	v16 =	vadd.f32 v20, v16;
	v15 =	vld.idx.msk [tilespmem:v15+s19+$0x0], $0xffff  }
0x2cd: {  	v18 =	vand.u32 $0x7FFFFFFF, v18  }
0x2ce: {  	v16 =	vadd.f32 v18, v16;
	_ =	sdelay $0x3  }
0x2cf: {  	[tilespmem:v21+s29+$0x0] =	vst.idx.msk $0xffff, v15;
	v15 =	vand.u32 $0x7FFFFFFF, v15  }
0x2d0: {  	v15 =	vadd.f32 v15, v16;
	_ =	sdelay $0x1  }
0x2d1: {  	(xrf2) =	vadd.scan.msk.f32 $0xffff, v15;
	_ =	sdelay $0x9  }
0x2d2: {  	v15, _, _ =	vpop (xrf2)  }
0x2d3: {  	(v2sf) =	vpush v15, $0xF;
	_ =	sdelay $0xa  }
0x2d4: {  	v17 =	vor.u32 $0x40, v17;
	_ =	sdelay $0x2  }
0x2d5: {  	s9 =	sadd.s32 $0x1, s9  }
0x2d6: {  	p3 =	sne.s32 s9, $0x40;
	v14 =	vbroadcast v14, $0x0;
	s1 =	spop (v2sf)  }
0x2d7: {  	s2 =	simm.s32 @!p3 $0x40;
	s1 =	smul.f32 $1.562500020e-03, s1  }
.Ltmp34:
0x2d8: {  	s15 =	simm.s32 @!p3 $0x1C200;
	v18 =	vlaneseq.u32 @!p3;
	[smem:$0x3FC] =	sst s9;
	(pc) =	sbr.rel @p2 .LBB2_53-.Ltmp34, $4  }
0x2d9: {  	v16 =	vor.u32 @!p3 $0x4000, v18;
	v15 =	vor.u32 @!p3 $0x4030, v18;
	s9 =	simm.s32 @!p3 $0x0;
	v20 =	vmov s1;
	s1 =	simm.s32 @!p3 $0x1A200  }
0x2da: {  	[tilespmem:v17+s29+$0x0] =	vst.idx.msk $0x1, v20;
	v17 =	vor.u32 @!p3 $0x4010, v18;
	v18 =	vor.u32 @!p3 $0x4020, v18  }
0x2db: {  	s14 =	sadd.s32 $0x1, s14;
	s21 =	simm.s32 @!p3 $0x5;
	[tilespmem:v19+s30+$0x0] =	vst.idx.msk $0x1, v14  }
0x2dc: {  	v14 =	vmov s14;
	[hbm4b:s4+s2] =	stream.indirect.scatter @!p3 [tilespmem:s1], [sflag:$0x5], $0x80, s15, s2, $0xb8;
	[tilespmem:$0x1C280] =	vst v63  }
.LBB2_54:
0x2dd: {  	p1 =	por p3, !p1  }
0x2de: {  	_ =	swait.ge @!p1 [sflag:s21], $0x2000  }
0x2df: {  	[sflag:s21] =	ssyncset.done @!p1 $0x0  }
0x2e0: {  	[sflag:s21] =	ssyncadd.s32 @!p1 $0xFFFFE000  }
0x2e1: {  	[tilespmem:$0x1C200] =	vst @!p1 v16  }
0x2e2: {  	[tilespmem:$0x1C230] =	vst @!p1 v15  }
0x2e3: {  	[tilespmem:$0x1C220] =	vst @!p1 v18  }
0x2e4: {  	[tilespmem:$0x1C210] =	vst @!p1 v17  }
0x2e5: {  	v15 =	vld.idx.msk [tilespmem:v14+s5+$0x0], $0xffff;
	_ =	sdelay $0x4  }
0x2e6: {  	v15 =	vbroadcast v15, $0x0;
	_ =	sdelay $0x1  }
0x2e7: {  	v55 =	vadd.s32 v4, v15;
	_ =	sdelay $0x2  }
0x2e8: {  	v56 =	vmov s9  }
0x2e9: {  	v57 =	vshll.u32 v56, $0x7  }
0x2ea: {  	v19 =	vor.u32 v1, v57;
	v16 =	vld.idx.msk [tilespmem:v55+s19+$0x0], $0xffff  }
0x2eb: {  	v20 =	vadd.s32 v8, v15;
	_ =	sdelay $0x3  }
0x2ec: {  	v14 =	vld.idx.msk [tilespmem:v14+s28+$0x0], $0xffff;
	[tilespmem:v19+s29+$0x0] =	vst.idx.msk $0xffff, v16  }
0x2ed: {  	v58 =	vor.u32 v9, v57;
	v20 =	vld.idx.msk [tilespmem:v20+s19+$0x0], $0xffff  }
0x2ee: {  	v21 =	vadd.s32 v10, v15;
	_ =	sdelay $0x3  }
0x2ef: {  	[tilespmem:v58+s29+$0x0] =	vst.idx.msk $0xffff, v20  }
0x2f0: {  	v59 =	vor.u32 v11, v57;
	v21 =	vld.idx.msk [tilespmem:v21+s19+$0x0], $0xffff  }
0x2f1: {  	v15 =	vadd.s32 v12, v15;
	_ =	sdelay $0x3  }
0x2f2: {  	[tilespmem:v59+s29+$0x0] =	vst.idx.msk $0xffff, v21  }
0x2f3: {  	v15 =	vld.idx.msk [tilespmem:v15+s19+$0x0], $0xffff  }
0x2f4: {  	v16 =	vand.u32 $0x7FFFFFFF, v16;
	v60 =	vand.u32 $0x7FFFFFFF, v20  }
0x2f5: {  	v16 =	vadd.f32 v60, v16  }
0x2f6: {  	v61 =	vand.u32 $0x7FFFFFFF, v21  }
0x2f7: {  	v16 =	vadd.f32 v61, v16  }
0x2f8: {  	v62 =	vand.u32 $0x7FFFFFFF, v15  }
0x2f9: {  	v16 =	vadd.f32 v62, v16;
	_ =	sdelay $0x1  }
0x2fa: {  	(xrf2) =	vadd.scan.msk.f32 $0xffff, v16;
	_ =	sdelay $0x9  }
0x2fb: {  	v16, _, _ =	vpop (xrf2)  }
0x2fc: {  	(v2sf) =	vpush v16, $0xF;
	_ =	sdelay $0xc  }
0x2fd: {  	v63 =	vor.u32 v13, v57  }
0x2fe: {  	v18 =	vor.u32 $0x40, v57  }
0x2ff: {  	s1 =	spop (v2sf)  }
0x300: {  	s1 =	smul.f32 $1.562500020e-03, s1  }
0x301: {  	s9 =	sadd.s32 $0x1, s9;
	s2 =	simm.s32 @!p1 $0x0  }
0x302: {  	[smem:$0x3FC] =	sst @!p1 s2;
	p1 =	sne.s32 s9, $0x40;
	v14 =	vbroadcast v14, $0x0;
	[tilespmem:v63+s29+$0x0] =	vst.idx.msk $0xffff, v15;
	v15 =	vmov s1  }
0x303: {  	[smem:$0x3FC] =	sst s9;
	s2 =	simm.s32 @!p1 $0x1C200;
	[tilespmem:v18+s29+$0x0] =	vst.idx.msk $0x1, v15  }
0x304: {  	s13 =	simm.s32 @!p1 $0x1A200;
	s14 =	simm.s32 @!p1 $0x5;
	s1 =	simm.s32 @!p1 $0x40;
	[tilespmem:v56+s30+$0x0] =	vst.idx.msk $0x1, v14  }
0x305: {  	[hbm4b:s4+s1] =	stream.indirect.scatter @!p1 [tilespmem:s13], [sflag:$0x5], $0x80, s2, s1, $0xb8;
	[tilespmem:$0x1C280] =	vst v63  }
0x306: {  	_ =	swait.ge @!p1 [sflag:s14], $0x2000  }
0x307: {  	v14 =	vlaneseq.u32 @!p1;
	[sflag:s14] =	ssyncset.done @!p1 $0x0  }
0x308: {  	v15 =	vor.u32 @!p1 $0x4000, v14;
	[sflag:s14] =	ssyncadd.s32 @!p1 $0xFFFFE000  }
0x309: {  	v16 =	vor.u32 @!p1 $0x4030, v14;
	[tilespmem:$0x1C200] =	vst @!p1 v15  }
0x30a: {  	v15 =	vor.u32 @!p1 $0x4020, v14;
	[tilespmem:$0x1C230] =	vst @!p1 v16  }
0x30b: {  	s1 =	simm.s32 @!p1 $0x0;
	v14 =	vor.u32 @!p1 $0x4010, v14;
	[tilespmem:$0x1C220] =	vst @!p1 v15  }
0x30c: {  	s9 =	simm.s32 @!p1 $0x0;
	[smem:$0x3FC] =	sst @!p1 s1;
	[tilespmem:$0x1C210] =	vst @!p1 v14  }
.LBB2_55:
0x30d: {  	s1 =	sadd.s32 $0x6, s11  }
0x30e: {  	p0 =	sge.s32 s1, s12  }
0x30f: {  	s1 =	sld @!p0 [smem:s11+$0x306];
	_ =	sdelay $0x2  }
0x310: {  	s1 =	sadd.s32 @!p0 s6, s1  }
0x311: {  	s1 =	sshll.u32 @!p0 s1, $0x7  }
0x312: {  	s2 =	simm.s32 @!p0 $0x400;
	s1 =	sand.u32 @!p0 $0x1FFFFF80, s1  }
0x313: {  	s13 =	simm.s32 @!p0 $0x7A1400;
	s14 =	simm.s32 @!p0 $0x14200;
	s1 =	sadd.s32 @!p0 s3, s1  }
0x314: {  	[tilespmem:s14], [sflag:$0x3] =	stream.strided.gather @!p0 [hbm4b:s1+s2], $0x2000, s13, s2, $0x38;
	[tilespmem:$0x1C280] =	vst v63  }
.LBB2_56:
0x315: {  	s1 =	sor.u32 $0x3, s11  }
0x316: {  	p0 =	sge.s32 s1, s12  }
.Ltmp35:
0x317: {  	_ = 	snop;
	(pc) =	sbr.rel @p0 .LBB2_64-.Ltmp35, $1  }
0x318: {  	_ =	sdelay $0x3  }
0x319: {  	_ =	swait.ge [sflag:s31], $0x2000  }
0x31a: {  	[sflag:s31] =	ssyncset.done $0x0  }
0x31b: {  	[sflag:s31] =	ssyncadd.s32 $0xFFFFE000  }
0x31c: {  	s1 =	sld [smem:s11+$0x303];
	_ =	sdelay $0x2  }
0x31d: {  	s14 =	sld [smem:s1+$0x100]  }
0x31e: {  	s2 =	sld [smem:s1+$0x0];
	_ =	sdelay $0x2  }
0x31f: {  	s1 =	sadd.s32 s14, s2  }
0x320: {  	p0 =	sge.s32 s14, s1  }
.Ltmp36:
0x321: {  	_ = 	snop;
	(pc) =	sbr.rel @p0 .LBB2_63-.Ltmp36, $1  }
0x322: {  	_ =	sdelay $0x3  }
0x323: {  	s13 =	sadd.s32 $0xFFFFFFFF, s2  }
0x324: {  	p0 =	sne.s32 s13, $0x0  }
.Ltmp37:
0x325: {  	_ = 	snop;
	(pc) =	sbr.rel @!p0 .LBB2_59-.Ltmp37, $2  }
0x326: {  	_ =	sdelay $0x2  }
0x327: {  	v14 =	vmov s14;
	p1 =	por $0x0, $0x0  }
0x328: {  	_ =	sdelay $0x3  }
0x329: {  	v15 =	vld.idx.msk [tilespmem:v14+s5+$0x0], $0xffff;
	_ =	sdelay $0x4  }
0x32a: {  	v15 =	vbroadcast v15, $0x0;
	_ =	sdelay $0x1  }
0x32b: {  	v16 =	vadd.s32 v4, v15;
	_ =	sdelay $0x2  }
0x32c: {  	v17 =	vmov s9  }
0x32d: {  	v18 =	vshll.u32 v17, $0x7  }
0x32e: {  	v19 =	vor.u32 v1, v18;
	v16 =	vld.idx.msk [tilespmem:v16+s20+$0x0], $0xffff  }
0x32f: {  	v20 =	vadd.s32 v8, v15;
	_ =	sdelay $0x3  }
0x330: {  	v14 =	vld.idx.msk [tilespmem:v14+s28+$0x0], $0xffff;
	[tilespmem:v19+s29+$0x0] =	vst.idx.msk $0xffff, v16  }
0x331: {  	v19 =	vor.u32 v9, v18;
	v20 =	vld.idx.msk [tilespmem:v20+s20+$0x0], $0xffff  }
0x332: {  	v21 =	vadd.s32 v10, v15;
	_ =	sdelay $0x3  }
0x333: {  	[tilespmem:v19+s29+$0x0] =	vst.idx.msk $0xffff, v20  }
0x334: {  	v19 =	vor.u32 v11, v18;
	v21 =	vld.idx.msk [tilespmem:v21+s20+$0x0], $0xffff  }
0x335: {  	v15 =	vadd.s32 v12, v15;
	_ =	sdelay $0x3  }
0x336: {  	[tilespmem:v19+s29+$0x0] =	vst.idx.msk $0xffff, v21  }
0x337: {  	v15 =	vld.idx.msk [tilespmem:v15+s20+$0x0], $0xffff  }
0x338: {  	v16 =	vand.u32 $0x7FFFFFFF, v16;
	v19 =	vand.u32 $0x7FFFFFFF, v20  }
0x339: {  	v16 =	vadd.f32 v19, v16  }
0x33a: {  	v19 =	vand.u32 $0x7FFFFFFF, v21  }
0x33b: {  	v16 =	vadd.f32 v19, v16  }
0x33c: {  	v19 =	vand.u32 $0x7FFFFFFF, v15  }
0x33d: {  	v16 =	vadd.f32 v19, v16;
	_ =	sdelay $0x1  }
0x33e: {  	(xrf2) =	vadd.scan.msk.f32 $0xffff, v16;
	_ =	sdelay $0x9  }
0x33f: {  	v16, _, _ =	vpop (xrf2)  }
0x340: {  	(v2sf) =	vpush v16, $0xF;
	_ =	sdelay $0xc  }
0x341: {  	v16 =	vor.u32 v13, v18  }
0x342: {  	v18 =	vor.u32 $0x40, v18  }
0x343: {  	s1 =	spop (v2sf)  }
0x344: {  	s13 =	sadd.s32 $0xFFFFFFFF, s13;
	s1 =	smul.f32 $1.562500020e-03, s1  }
0x345: {  	p0 =	sne.s32 s13, $0x0  }
.Ltmp38:
0x346: {  	s9 =	sadd.s32 $0x1, s9;
	v14 =	vbroadcast v14, $0x0;
	[tilespmem:v16+s29+$0x0] =	vst.idx.msk $0xffff, v15;
	v15 =	vmov s1;
	(pc) =	sbr.rel @!p0 .LBB2_62-.Ltmp38, $4  }
0x347: {  	s14 =	sadd.s32 $0x1, s14;
	p1 =	por $0x1, $0x1;
	p3 =	sne.s32 s9, $0x40;
	[tilespmem:v18+s29+$0x0] =	vst.idx.msk $0x1, v15  }
0x348: {  	[smem:$0x3FC] =	sst s9;
	s2 =	simm.s32 @!p3 $0x1C200;
	s15 =	simm.s32 @!p3 $0x1A200;
	[tilespmem:v17+s30+$0x0] =	vst.idx.msk $0x1, v14;
	v14 =	vlaneseq.u32 @!p3  }
0x349: {  	s9 =	simm.s32 @!p3 $0x0;
	s21 =	simm.s32 @!p3 $0x5;
	s1 =	simm.s32 @!p3 $0x40;
	v16 =	vor.u32 @!p3 $0x4000, v14;
	v15 =	vor.u32 @!p3 $0x4030, v14  }
0x34a: {  	[hbm4b:s4+s1] =	stream.indirect.scatter @!p3 [tilespmem:s15], [sflag:$0x5], $0x80, s2, s1, $0xb8;
	v17 =	vor.u32 @!p3 $0x4010, v14;
	v18 =	vor.u32 @!p3 $0x4020, v14;
	v14 =	vmov s14;
	[tilespmem:$0x1C280] =	vst v63  }
.LBB2_61:
0x34b: {  	s13 =	sadd.s32 $0xFFFFFFFF, s13;
	_ =	swait.ge @!p3 [sflag:s21], $0x2000  }
0x34c: {  	p2 =	sne.s32 s13, $0x0;
	[sflag:s21] =	ssyncset.done @!p3 $0x0  }
0x34d: {  	s1 =	simm.s32 @!p3 $0x0;
	[sflag:s21] =	ssyncadd.s32 @!p3 $0xFFFFE000  }
0x34e: {  	[tilespmem:$0x1C200] =	vst @!p3 v16;
	[smem:$0x3FC] =	sst @!p3 s1  }
0x34f: {  	[tilespmem:$0x1C230] =	vst @!p3 v15  }
0x350: {  	[tilespmem:$0x1C220] =	vst @!p3 v18  }
0x351: {  	[tilespmem:$0x1C210] =	vst @!p3 v17  }
0x352: {  	v15 =	vld.idx.msk [tilespmem:v14+s5+$0x0], $0xffff;
	_ =	sdelay $0x5  }
0x353: {  	v15 =	vbroadcast v15, $0x0;
	_ =	sdelay $0x1  }
0x354: {  	v16 =	vadd.s32 v4, v15  }
0x355: {  	v19 =	vmov s9  }
0x356: {  	v17 =	vshll.u32 v19, $0x7  }
0x357: {  	v18 =	vor.u32 v1, v17  }
0x358: {  	v20 =	vadd.s32 v8, v15  }
0x359: {  	v16 =	vld.idx.msk [tilespmem:v16+s20+$0x0], $0xffff;
	_ =	sdelay $0x1  }
0x35a: {  	v14 =	vld.idx.msk [tilespmem:v14+s28+$0x0], $0xffff;
	_ =	sdelay $0x2  }
0x35b: {  	v21 =	vor.u32 v9, v17  }
0x35c: {  	[tilespmem:v18+s29+$0x0] =	vst.idx.msk $0xffff, v16;
	v18 =	vadd.s32 v10, v15  }
0x35d: {  	v20 =	vld.idx.msk [tilespmem:v20+s20+$0x0], $0xffff;
	_ =	sdelay $0x4  }
0x35e: {  	v22 =	vor.u32 v11, v17  }
0x35f: {  	v15 =	vadd.s32 v12, v15;
	[tilespmem:v21+s29+$0x0] =	vst.idx.msk $0xffff, v20  }
0x360: {  	v18 =	vld.idx.msk [tilespmem:v18+s20+$0x0], $0xffff;
	_ =	sdelay $0x4  }
0x361: {  	v21 =	vor.u32 v13, v17  }
0x362: {  	v16 =	vand.u32 $0x7FFFFFFF, v16;
	v20 =	vand.u32 $0x7FFFFFFF, v20;
	[tilespmem:v22+s29+$0x0] =	vst.idx.msk $0xffff, v18  }
0x363: {  	v16 =	vadd.f32 v20, v16;
	v15 =	vld.idx.msk [tilespmem:v15+s20+$0x0], $0xffff  }
0x364: {  	v18 =	vand.u32 $0x7FFFFFFF, v18  }
0x365: {  	v16 =	vadd.f32 v18, v16;
	_ =	sdelay $0x3  }
0x366: {  	[tilespmem:v21+s29+$0x0] =	vst.idx.msk $0xffff, v15;
	v15 =	vand.u32 $0x7FFFFFFF, v15  }
0x367: {  	v15 =	vadd.f32 v15, v16;
	_ =	sdelay $0x1  }
0x368: {  	(xrf2) =	vadd.scan.msk.f32 $0xffff, v15;
	_ =	sdelay $0x9  }
0x369: {  	v15, _, _ =	vpop (xrf2)  }
0x36a: {  	(v2sf) =	vpush v15, $0xF;
	_ =	sdelay $0xa  }
0x36b: {  	v17 =	vor.u32 $0x40, v17;
	_ =	sdelay $0x2  }
0x36c: {  	s9 =	sadd.s32 $0x1, s9  }
0x36d: {  	p3 =	sne.s32 s9, $0x40;
	v14 =	vbroadcast v14, $0x0;
	s1 =	spop (v2sf)  }
0x36e: {  	s2 =	simm.s32 @!p3 $0x40;
	s1 =	smul.f32 $1.562500020e-03, s1  }
.Ltmp39:
0x36f: {  	s15 =	simm.s32 @!p3 $0x1C200;
	v18 =	vlaneseq.u32 @!p3;
	[smem:$0x3FC] =	sst s9;
	(pc) =	sbr.rel @p2 .LBB2_61-.Ltmp39, $4  }
0x370: {  	v16 =	vor.u32 @!p3 $0x4000, v18;
	v15 =	vor.u32 @!p3 $0x4030, v18;
	s9 =	simm.s32 @!p3 $0x0;
	v20 =	vmov s1;
	s1 =	simm.s32 @!p3 $0x1A200  }
0x371: {  	[tilespmem:v17+s29+$0x0] =	vst.idx.msk $0x1, v20;
	v17 =	vor.u32 @!p3 $0x4010, v18;
	v18 =	vor.u32 @!p3 $0x4020, v18  }
0x372: {  	s14 =	sadd.s32 $0x1, s14;
	s21 =	simm.s32 @!p3 $0x5;
	[tilespmem:v19+s30+$0x0] =	vst.idx.msk $0x1, v14  }
0x373: {  	v14 =	vmov s14;
	[hbm4b:s4+s2] =	stream.indirect.scatter @!p3 [tilespmem:s1], [sflag:$0x5], $0x80, s15, s2, $0xb8;
	[tilespmem:$0x1C280] =	vst v63  }
.Ltmp40:
0x374: {  	_ = 	snop;
	(pc) =	sbr.rel .LBB2_62-.Ltmp40, $1  }
0x375: {  	_ =	sdelay $0x3  }
.LBB2_35:
.Ltmp41:
0x376: {  	(pc) =	sbr.rel .LBB2_38-.Ltmp41, $2  }
0x377: {  	_ =	sdelay $0x2  }
0x378: {  	_ = 	snop  }
.LBB2_43:
.Ltmp42:
0x379: {  	(pc) =	sbr.rel .LBB2_46-.Ltmp42, $2  }
0x37a: {  	_ =	sdelay $0x2  }
0x37b: {  	_ = 	snop  }
.LBB2_51:
.Ltmp43:
0x37c: {  	(pc) =	sbr.rel .LBB2_54-.Ltmp43, $2  }
0x37d: {  	_ =	sdelay $0x2  }
0x37e: {  	_ = 	snop  }
.LBB2_65:
0x37f: {  	s1 =	sld [smem:$0x7FD];
	_ =	sdelay $0x2  }
0x380: {  	s11 =	rddreg [dreg:$0x8];
	p1 =	seq.s32 s1, $0x1  }
0x381: {  	s1 =	simm.s32 @!p1 $0x400;
	s2 =	simm.s32 @!p1 $0x7A1400;
	s10 =	simm.s32 @!p1 $0x18200  }
0x382: {  	[tilespmem:s10], [sflag:$0x6] =	stream.strided.gather @!p1 [hbm4b:s11+s1], $0x2000, s2, s1, $0x38;
	[tilespmem:$0x1C280] =	vst v63  }
0x383: {  	s1 =	simm.s32 @!p1 $0x6  }
0x384: {  	_ =	swait.ge @!p1 [sflag:s1], $0x2000  }
0x385: {  	[sflag:s1] =	ssyncset.done @!p1 $0x0  }
0x386: {  	[sflag:s1] =	ssyncadd.s32 @!p1 $0xFFFFE000  }
0x387: {  	s11 =	sld @!p1 [smem:$0x1D9]  }
0x388: {  	s2 =	sld @!p1 [smem:$0xD9];
	_ =	sdelay $0x2  }
0x389: {  	s1 =	sadd.s32 @!p1 s11, s2  }
0x38a: {  	p0 =	sge.s32 @!p1 s11, s1  }
0x38b: {  	p0 =	por p1, p0  }
.Ltmp44:
0x38c: {  	_ = 	snop;
	(pc) =	sbr.rel @p0 .LBB2_71-.Ltmp44, $1  }
0x38d: {  	_ =	sdelay $0x3  }
0x38e: {  	s10 =	sadd.s32 $0xFFFFFFFF, s2  }
0x38f: {  	p0 =	sne.s32 s10, $0x0  }
.Ltmp45:
0x390: {  	_ = 	snop;
	(pc) =	sbr.rel @!p0 .LBB2_67-.Ltmp45, $2  }
0x391: {  	_ =	sdelay $0x2  }
0x392: {  	v14 =	vmov s11;
	p1 =	por $0x0, $0x0  }
0x393: {  	_ =	sdelay $0x3  }
0x394: {  	v15 =	vld.idx.msk [tilespmem:v14+s5+$0x0], $0xffff;
	_ =	sdelay $0x4  }
0x395: {  	v15 =	vbroadcast v15, $0x0;
	_ =	sdelay $0x1  }
0x396: {  	v16 =	vadd.s32 v4, v15;
	_ =	sdelay $0x2  }
0x397: {  	v17 =	vmov s9  }
0x398: {  	v18 =	vshll.u32 v17, $0x7  }
0x399: {  	v19 =	vor.u32 v1, v18;
	v16 =	vld.idx.msk [tilespmem:v16+s0+$0x0], $0xffff  }
0x39a: {  	v20 =	vadd.s32 v8, v15;
	_ =	sdelay $0x3  }
0x39b: {  	v14 =	vld.idx.msk [tilespmem:v14+s28+$0x0], $0xffff;
	[tilespmem:v19+s29+$0x0] =	vst.idx.msk $0xffff, v16  }
0x39c: {  	v19 =	vor.u32 v9, v18;
	v20 =	vld.idx.msk [tilespmem:v20+s0+$0x0], $0xffff  }
0x39d: {  	v21 =	vadd.s32 v10, v15;
	_ =	sdelay $0x3  }
0x39e: {  	[tilespmem:v19+s29+$0x0] =	vst.idx.msk $0xffff, v20  }
0x39f: {  	v19 =	vor.u32 v11, v18;
	v21 =	vld.idx.msk [tilespmem:v21+s0+$0x0], $0xffff  }
0x3a0: {  	v15 =	vadd.s32 v12, v15;
	_ =	sdelay $0x3  }
0x3a1: {  	[tilespmem:v19+s29+$0x0] =	vst.idx.msk $0xffff, v21  }
0x3a2: {  	v15 =	vld.idx.msk [tilespmem:v15+s0+$0x0], $0xffff  }
0x3a3: {  	v16 =	vand.u32 $0x7FFFFFFF, v16;
	v19 =	vand.u32 $0x7FFFFFFF, v20  }
0x3a4: {  	v16 =	vadd.f32 v19, v16  }
0x3a5: {  	v19 =	vand.u32 $0x7FFFFFFF, v21  }
0x3a6: {  	v16 =	vadd.f32 v19, v16  }
0x3a7: {  	v19 =	vand.u32 $0x7FFFFFFF, v15  }
0x3a8: {  	v16 =	vadd.f32 v19, v16;
	_ =	sdelay $0x1  }
0x3a9: {  	(xrf2) =	vadd.scan.msk.f32 $0xffff, v16;
	_ =	sdelay $0x9  }
0x3aa: {  	v16, _, _ =	vpop (xrf2)  }
0x3ab: {  	(v2sf) =	vpush v16, $0xF;
	_ =	sdelay $0xc  }
0x3ac: {  	v16 =	vor.u32 v13, v18  }
0x3ad: {  	v18 =	vor.u32 $0x40, v18  }
0x3ae: {  	s1 =	spop (v2sf)  }
0x3af: {  	s10 =	sadd.s32 $0xFFFFFFFF, s10;
	s1 =	smul.f32 $1.562500020e-03, s1  }
0x3b0: {  	p0 =	sne.s32 s10, $0x0  }
.Ltmp46:
0x3b1: {  	s9 =	sadd.s32 $0x1, s9;
	v14 =	vbroadcast v14, $0x0;
	[tilespmem:v16+s29+$0x0] =	vst.idx.msk $0xffff, v15;
	v15 =	vmov s1;
	(pc) =	sbr.rel @!p0 .LBB2_70-.Ltmp46, $4  }
0x3b2: {  	s11 =	sadd.s32 $0x1, s11;
	p3 =	sne.s32 s9, $0x40;
	[tilespmem:v18+s29+$0x0] =	vst.idx.msk $0x1, v15  }
0x3b3: {  	s2 =	simm.s32 @!p3 $0x1C200;
	s12 =	simm.s32 @!p3 $0x1A200;
	s1 =	simm.s32 @!p3 $0x40;
	[tilespmem:v17+s30+$0x0] =	vst.idx.msk $0x1, v14;
	v14 =	vlaneseq.u32 @!p3  }
0x3b4: {  	[hbm4b:s4+s1] =	stream.indirect.scatter @!p3 [tilespmem:s12], [sflag:$0x5], $0x80, s2, s1, $0xb8;
	v15 =	vor.u32 @!p3 $0x4000, v14;
	v16 =	vor.u32 @!p3 $0x4030, v14;
	[tilespmem:$0x1C280] =	vst v63  }
0x3b5: {  	p1 =	por $0x1, $0x1;
	s9 =	simm.s32 @!p3 $0x0;
	v17 =	vor.u32 @!p3 $0x4010, v14;
	v18 =	vor.u32 @!p3 $0x4020, v14;
	s12 =	simm.s32 @!p3 $0x5;
	v14 =	vmov s11  }
.LBB2_69:
0x3b6: {  	s10 =	sadd.s32 $0xFFFFFFFF, s10;
	_ =	swait.ge @!p3 [sflag:s12], $0x2000  }
0x3b7: {  	p2 =	sne.s32 s10, $0x0;
	[sflag:s12] =	ssyncset.done @!p3 $0x0  }
0x3b8: {  	[sflag:s12] =	ssyncadd.s32 @!p3 $0xFFFFE000  }
0x3b9: {  	[tilespmem:$0x1C200] =	vst @!p3 v15  }
0x3ba: {  	[tilespmem:$0x1C230] =	vst @!p3 v16  }
0x3bb: {  	[tilespmem:$0x1C220] =	vst @!p3 v18  }
0x3bc: {  	[tilespmem:$0x1C210] =	vst @!p3 v17  }
0x3bd: {  	v15 =	vld.idx.msk [tilespmem:v14+s5+$0x0], $0xffff;
	_ =	sdelay $0x5  }
0x3be: {  	v15 =	vbroadcast v15, $0x0;
	_ =	sdelay $0x1  }
0x3bf: {  	v16 =	vadd.s32 v4, v15  }
0x3c0: {  	v19 =	vmov s9  }
0x3c1: {  	v17 =	vshll.u32 v19, $0x7  }
0x3c2: {  	v18 =	vor.u32 v1, v17  }
0x3c3: {  	v20 =	vadd.s32 v8, v15  }
0x3c4: {  	v16 =	vld.idx.msk [tilespmem:v16+s0+$0x0], $0xffff;
	_ =	sdelay $0x1  }
0x3c5: {  	v14 =	vld.idx.msk [tilespmem:v14+s28+$0x0], $0xffff;
	_ =	sdelay $0x2  }
0x3c6: {  	v21 =	vor.u32 v9, v17  }
0x3c7: {  	[tilespmem:v18+s29+$0x0] =	vst.idx.msk $0xffff, v16;
	v18 =	vadd.s32 v10, v15  }
0x3c8: {  	v20 =	vld.idx.msk [tilespmem:v20+s0+$0x0], $0xffff;
	_ =	sdelay $0x4  }
0x3c9: {  	v22 =	vor.u32 v11, v17  }
0x3ca: {  	v15 =	vadd.s32 v12, v15;
	[tilespmem:v21+s29+$0x0] =	vst.idx.msk $0xffff, v20  }
0x3cb: {  	v18 =	vld.idx.msk [tilespmem:v18+s0+$0x0], $0xffff;
	_ =	sdelay $0x4  }
0x3cc: {  	v21 =	vor.u32 v13, v17  }
0x3cd: {  	v16 =	vand.u32 $0x7FFFFFFF, v16;
	v20 =	vand.u32 $0x7FFFFFFF, v20;
	[tilespmem:v22+s29+$0x0] =	vst.idx.msk $0xffff, v18  }
0x3ce: {  	v16 =	vadd.f32 v20, v16;
	v15 =	vld.idx.msk [tilespmem:v15+s0+$0x0], $0xffff  }
0x3cf: {  	v18 =	vand.u32 $0x7FFFFFFF, v18  }
0x3d0: {  	v16 =	vadd.f32 v18, v16;
	_ =	sdelay $0x3  }
0x3d1: {  	[tilespmem:v21+s29+$0x0] =	vst.idx.msk $0xffff, v15;
	v15 =	vand.u32 $0x7FFFFFFF, v15  }
0x3d2: {  	v15 =	vadd.f32 v15, v16;
	_ =	sdelay $0x1  }
0x3d3: {  	(xrf2) =	vadd.scan.msk.f32 $0xffff, v15;
	_ =	sdelay $0x9  }
0x3d4: {  	v15, _, _ =	vpop (xrf2)  }
0x3d5: {  	(v2sf) =	vpush v15, $0xF;
	_ =	sdelay $0xa  }
0x3d6: {  	v17 =	vor.u32 $0x40, v17;
	_ =	sdelay $0x2  }
0x3d7: {  	s9 =	sadd.s32 $0x1, s9  }
0x3d8: {  	p3 =	sne.s32 s9, $0x40;
	v14 =	vbroadcast v14, $0x0;
	s1 =	spop (v2sf)  }
0x3d9: {  	s2 =	simm.s32 @!p3 $0x40;
	s1 =	smul.f32 $1.562500020e-03, s1  }
.Ltmp47:
0x3da: {  	s13 =	simm.s32 @!p3 $0x1C200;
	s14 =	simm.s32 @!p3 $0x1A200;
	v18 =	vlaneseq.u32 @!p3;
	(pc) =	sbr.rel @p2 .LBB2_69-.Ltmp47, $4  }
0x3db: {  	s9 =	simm.s32 @!p3 $0x0;
	v16 =	vor.u32 @!p3 $0x4030, v18;
	v15 =	vor.u32 @!p3 $0x4000, v18;
	v20 =	vmov s1  }
0x3dc: {  	[tilespmem:v17+s29+$0x0] =	vst.idx.msk $0x1, v20;
	v17 =	vor.u32 @!p3 $0x4010, v18;
	v18 =	vor.u32 @!p3 $0x4020, v18  }
0x3dd: {  	s11 =	sadd.s32 $0x1, s11;
	s12 =	simm.s32 @!p3 $0x5;
	[tilespmem:v19+s30+$0x0] =	vst.idx.msk $0x1, v14  }
0x3de: {  	v14 =	vmov s11;
	[hbm4b:s4+s2] =	stream.indirect.scatter @!p3 [tilespmem:s14], [sflag:$0x5], $0x80, s13, s2, $0xb8;
	[tilespmem:$0x1C280] =	vst v63  }
.Ltmp48:
0x3df: {  	_ = 	snop;
	(pc) =	sbr.rel .LBB2_70-.Ltmp48, $1  }
0x3e0: {  	_ =	sdelay $0x3  }
.LBB2_22:
.Ltmp49:
0x3e1: {  	(pc) =	sbr.rel .LBB2_27-.Ltmp49, $2  }
0x3e2: {  	_ =	sdelay $0x2  }
0x3e3: {  	s11 =	simm.s32 $0x4;
	s13 =	simm.s32 $0x4;
	s12 =	simm.s32 $0x4  }
.LBB2_24:
.Ltmp50:
0x3e4: {  	(pc) =	sbr.rel .LBB2_27-.Ltmp50, $3  }
0x3e5: {  	_ =	sdelay $0x1  }
0x3e6: {  	s13 =	simm.s32 $0x4  }
0x3e7: {  	s12 =	simm.s32 $0x5;
	s16 =	smov.u32 s31;
	s31 =	simm.s32 $0x4  }
.LBB2_7:
.Ltmp51:
0x3e8: {  	(pc) =	sbr.rel .LBB2_20-.Ltmp51, $2  }
0x3e9: {  	_ =	sdelay $0x2  }
0x3ea: {  	_ = 	snop  }
.LBB2_9:
.Ltmp52:
0x3eb: {  	(pc) =	sbr.rel .LBB2_20-.Ltmp52, $2  }
0x3ec: {  	_ =	sdelay $0x2  }
0x3ed: {  	_ = 	snop  }
.LBB2_11:
.Ltmp53:
0x3ee: {  	_ = 	snop;
	(pc) =	sbr.rel .LBB2_20-.Ltmp53, $2  }
0x3ef: {  	_ =	sdelay $0x2  }
0x3f0: {  	v15 =	vmov v17  }
.LBB2_13:
.Ltmp54:
0x3f1: {  	_ = 	snop;
	(pc) =	sbr.rel .LBB2_20-.Ltmp54, $2  }
0x3f2: {  	_ =	sdelay $0x3  }
0x3f3: {  	v15 =	vmov v16  }
.LBB2_15:
.Ltmp55:
0x3f4: {  	(pc) =	sbr.rel .LBB2_20-.Ltmp55, $2  }
0x3f5: {  	_ =	sdelay $0x2  }
0x3f6: {  	s12 =	smov.u32 s10  }
.LBB2_17:
.Ltmp56:
0x3f7: {  	(pc) =	sbr.rel .LBB2_20-.Ltmp56, $2  }
0x3f8: {  	_ =	sdelay $0x2  }
0x3f9: {  	v15 =	vmov v16  }
.LBB2_72:
0x3fa: {  	_ =	sfence.sel $0x180000  }
0x3fb: {  	[bflag:$0x0] =	sbarrier.arrive $0xFFFF  }
0x3fc: {  	_ =	strace $0x90000047  }
0x3fd: {  	s0 =	stileid.u32;
	[bflag:$0x2] =	sbarrier.arrive $0xFFFF  }
0x3fe: {  	p0 =	sne.s32 s0, $0x0;
	s0 =	rddreg [dreg:$0x3]  }
0x3ff: {  	s0 =	sadd.s32 @!p0 $0x100000, s0  }
0x400: {  	[sflag:s0] =	ssyncadd.tile.s32 @!p0 $0x1;
	_ =	shalt  }
.Lfunc_end2:
_tile_overlayer_lowered:
.L_overlay_start_2:
0x401: {  	(tag) =	ssettag $0x2  }
0x402: {  	s0 =	rddreg [dreg:$0x0];
	s2 =	stileid.u32  }
0x403: {  	s1 =	rddreg [dreg:$0x1];
	p0 =	sne.s32 s2, $0x0  }
0x404: {  	s3 =	rddreg [dreg:$0x2];
	[bflag:$0x3] =	sbarrier.arrive $0xFFFF;
	s2 =	simm.s32 @!p0 $0x1C06  }
0x405: {  	[timem:s3], [sflag:s2] =	dma.local @!p0 [hbm:s0], s1  }
0x406: {  	s0 =	simm.s32 @!p0 $0x6  }
0x407: {  	_ =	swait.ge @!p0 [sflag:s0], s1  }
0x408: {  	s1 =	ssub.s32 @!p0 $0x0, s1;
	[sflag:s0] =	ssyncset.done @!p0 $0x0  }
0x409: {  	[sflag:s0] =	ssyncadd.s32 @!p0 s1  }
0x40a: {  	[bflag:$0x3] =	sbarrier.arrive $0xFFFF  }
0x40b: {  	_ =	shalt  }

</sc_bundles>
